<compile_context>
chip_gen: v7x
topology: tpu7x:2x2x1
jax: 0.10.2.dev20260603
libtpu: 0.0.44.dev20260713+nightly
codegen_flags: <defaults>
</compile_context>

<pallas_src>
import functools

import jax
import jax.numpy as jnp
from jax import lax
from jax.experimental import pallas as pl
from jax.experimental.pallas import tpu as pltpu
from jax.experimental.pallas import tpu_sc as plsc

EMBEDDING_DIM = 1024
N_INDICES = 4 * 8192
N_SC = (N_INDICES // 4) * 3
N_TC = N_INDICES - N_SC

_info = plsc.get_sparse_core_info()
NC, NS = _info.num_cores, _info.num_subcores
NW = NC * NS
PER_W = N_SC // NW
CHUNK = 16
N_CHUNKS = PER_W // CHUNK
NBUF = 4
LAG = 2

TCH = 16
TC_STEPS = N_TC // TCH
TC_NBUF = 4
TC_LAG = 2


def _sc_gather(pe, pos_flat):
    mesh = plsc.VectorSubcoreMesh(core_axis_name="c", subcore_axis_name="s")

    @functools.partial(
        pl.kernel,
        out_type=jax.ShapeDtypeStruct((N_INDICES, EMBEDDING_DIM), jnp.float32),
        mesh=mesh,
        scratch_types=[
            pltpu.VMEM((PER_W,), jnp.int32),
            pltpu.VMEM((NBUF, CHUNK, EMBEDDING_DIM), jnp.float32),
        ] + [pltpu.SemaphoreType.DMA] * (2 * NBUF),
    )
    def k(table_hbm, idx_hbm, out_hbm, idx_v, rows_v, *sems):
        wid = lax.axis_index("s") * NC + lax.axis_index("c")
        base = wid * PER_W
        gsem = sems[:NBUF]
        wsem = sems[NBUF:]

        pltpu.sync_copy(idx_hbm.at[pl.ds(base, PER_W)], idx_v)

        def start_gather(c, b):
            pltpu.async_copy(
                table_hbm.at[idx_v.at[pl.ds(c * CHUNK, CHUNK)]],
                rows_v.at[b], gsem[b])

        def wait_gather(b):
            pltpu.make_async_copy(table_hbm.at[idx_v.at[pl.ds(0, CHUNK)]],
                                  rows_v.at[b], gsem[b]).wait()

        def start_write(c, b):
            pltpu.async_copy(rows_v.at[b],
                             out_hbm.at[pl.ds(base + c * CHUNK, CHUNK)], wsem[b])

        def wait_write(b):
            pltpu.make_async_copy(rows_v.at[b],
                                  out_hbm.at[pl.ds(0, CHUNK)], wsem[b]).wait()

        for j in range(NBUF):
            start_gather(j, j)
            if j >= LAG:
                wait_gather(j - LAG)
                start_write(j - LAG, j - LAG)

        def body(i, carry):
            for j in range(NBUF):
                s = NBUF * i + j
                wait_write(j)
                start_gather(s, j)
                wait_gather((j - LAG) % NBUF)
                start_write(s - LAG, (j - LAG) % NBUF)
            return carry

        lax.fori_loop(1, N_CHUNKS // NBUF, body, 0)

        for c in range(N_CHUNKS - LAG, N_CHUNKS):
            wait_gather(c % NBUF)
            start_write(c, c % NBUF)
        for c in range(N_CHUNKS - NBUF, N_CHUNKS):
            wait_write(c % NBUF)

    return k(pe, pos_flat)


def _tc_gather(pe, idx):
    def body(idx_ref, pe_hbm, out_hbm, rows_v, *sems):
        gsem = sems[:TC_NBUF]
        wsem = sems[TC_NBUF:]

        def start_gather(c, b):
            for r in range(TCH):
                row = idx_ref[c * TCH + r]
                pltpu.make_async_copy(
                    pe_hbm.at[pl.ds(row, 1)],
                    rows_v.at[b, pl.ds(r, 1)], gsem[b]).start()

        def wait_gather(b):
            pltpu.make_async_copy(pe_hbm.at[pl.ds(0, TCH)],
                                  rows_v.at[b], gsem[b]).wait()

        def start_write(c, b):
            pltpu.make_async_copy(rows_v.at[b],
                                  out_hbm.at[pl.ds(c * TCH, TCH)],
                                  wsem[b]).start()

        def wait_write(b):
            pltpu.make_async_copy(rows_v.at[b],
                                  out_hbm.at[pl.ds(0, TCH)], wsem[b]).wait()

        for j in range(TC_NBUF):
            start_gather(j, j)
            if j >= TC_LAG:
                wait_gather(j - TC_LAG)
                start_write(j - TC_LAG, j - TC_LAG)

        def loop(i, carry):
            for j in range(TC_NBUF):
                s = TC_NBUF * i + j
                wait_write(j)
                start_gather(s, j)
                wait_gather((j - TC_LAG) % TC_NBUF)
                start_write(s - TC_LAG, (j - TC_LAG) % TC_NBUF)
            return carry

        lax.fori_loop(1, TC_STEPS // TC_NBUF, loop, 0)

        for c in range(TC_STEPS - TC_LAG, TC_STEPS):
            wait_gather(c % TC_NBUF)
            start_write(c, c % TC_NBUF)
        for c in range(TC_STEPS - TC_NBUF, TC_STEPS):
            wait_write(c % TC_NBUF)

    return pl.pallas_call(
        body,
        in_specs=[
            pl.BlockSpec(memory_space=pltpu.SMEM),
            pl.BlockSpec(memory_space=pltpu.HBM),
        ],
        out_specs=pl.BlockSpec(memory_space=pltpu.HBM),
        out_shape=jax.ShapeDtypeStruct((N_TC, EMBEDDING_DIM), jnp.float32),
        scratch_shapes=[pltpu.VMEM((TC_NBUF, TCH, EMBEDDING_DIM), jnp.float32)]
        + [pltpu.SemaphoreType.DMA] * (2 * TC_NBUF),
    )(idx, pe)


def kernel(pe, pos):
    pos_flat = pos.reshape(-1).astype(jnp.int32)
    sc_out = _sc_gather(pe, pos_flat)
    tc_part = _tc_gather(pe, pos_flat[N_SC:])
    out = lax.dynamic_update_slice(sc_out, tc_part, (N_SC, 0))
    return out.reshape((*pos.shape, EMBEDDING_DIM))

# --- scband reference (transcript-rebuilt; emitter-appended) ---
"""Pipeline reference for scband-sinusoidal-positional-embedding-79577154060742 (READ-ONLY COPY).

The authoritative reference and input builder live on the scoring server;
editing this copy changes nothing except your own understanding.
"""

import jax, jax.numpy as jnp
import numpy as np
import math

EMBEDDING_DIM = 1024
MAX_LEN = 8192
BATCH = 4
SEQ = 8192


def _build_pe():
    position = np.arange(0, MAX_LEN, dtype=np.float32)[:, None]
    div_term = np.exp(np.arange(0, EMBEDDING_DIM, 2, dtype=np.float32) * -(math.log(10000.0) / EMBEDDING_DIM))
    pe = np.zeros((MAX_LEN, EMBEDDING_DIM), dtype=np.float32)
    pe[:, 0::2] = np.sin(position * div_term)
    pe[:, 1::2] = np.cos(position * div_term)
    return jnp.asarray(pe)


def setup_inputs(seed: int = 0) -> dict:
    key = jax.random.key(seed)
    k_pos = jax.random.fold_in(key, 1)
    pos = jax.random.randint(k_pos, (BATCH, SEQ), 0, MAX_LEN, dtype=jnp.int64 if jax.config.jax_enable_x64 else jnp.int32)
    pe = _build_pe()
    return {"pe": pe, "pos": pos}


def reference(pe, pos):
    flat = pos.reshape(-1)
    pos_emb = jnp.take(pe, flat, axis=0)
    return pos_emb.reshape((*pos.shape, -1))

if __name__ == "__main__":
    import jax
    _d = setup_inputs()
    print(jax.jit(kernel)(*tuple(_d.values())))

</pallas_src>

<mosaic_0001>
#map = affine_map<(d0, d1) -> (0, 0)>
#map1 = affine_map<(d0, d1) -> (0)>
module attributes {stable_mosaic.version = 14 : i64} {
  func.func @k(%arg0: i32, %arg1: i32, %arg2: memref<8192x1024xf32, #tpu.memory_space<hbm>>, %arg3: memref<32768xi32, #tpu.memory_space<hbm>>, %arg4: memref<32768x1024xf32, #tpu.memory_space<hbm>>, %arg5: memref<768xi32, #tpu.memory_space<vmem>>, %arg6: memref<4x16x1024xf32, #tpu.memory_space<vmem>>, %arg7: memref<!tpu.dma_semaphore, #tpu.memory_space<semaphore_mem>>, %arg8: memref<!tpu.dma_semaphore, #tpu.memory_space<semaphore_mem>>, %arg9: memref<!tpu.dma_semaphore, #tpu.memory_space<semaphore_mem>>, %arg10: memref<!tpu.dma_semaphore, #tpu.memory_space<semaphore_mem>>, %arg11: memref<!tpu.dma_semaphore, #tpu.memory_space<semaphore_mem>>, %arg12: memref<!tpu.dma_semaphore, #tpu.memory_space<semaphore_mem>>, %arg13: memref<!tpu.dma_semaphore, #tpu.memory_space<semaphore_mem>>, %arg14: memref<!tpu.dma_semaphore, #tpu.memory_space<semaphore_mem>>) attributes {dimension_semantics = [#tpu.dimension_semantics<core_parallel>, #tpu.dimension_semantics<subcore_parallel>], iteration_bounds = array<i64: 2, 16>, scalar_prefetch = 0 : i64, scratch_operands = 10 : i64, tpu.core_type = #tpu.core_type<sc_vector_subcore>, window_params = [{transform_indices = #map}, {transform_indices = #map1}, {transform_indices = #map}]} {
    %mul3A = arith.constant 2 : i32
    %mul3A_0 = arith.muli %arg1, %mul3A : i32
    %add3A = arith.addi %mul3A_0, %arg0 : i32
    %mul3A_1 = arith.constant 768 : i32
    %mul3A_2 = arith.muli %add3A, %mul3A_1 : i32
    "tpu.region"() ({
      %run_scoped3A = tpu.sem_alloc : memref<!tpu.dma_semaphore, #tpu.memory_space<semaphore_mem>>
      %dma_start3A_206 = tpu.memref_slice %arg3[%mul3A_2] : memref<32768xi32, #tpu.memory_space<hbm>> -> memref<768xi32, #tpu.memory_space<hbm>>
      %dma_start3A_207 = tpu.memref_slice %arg3[%mul3A_2] : memref<32768xi32, #tpu.memory_space<hbm>> -> memref<768xi32, #tpu.memory_space<hbm>>
      tpu.enqueue_dma source(%dma_start3A_207 : memref<768xi32, #tpu.memory_space<hbm>>) target(%arg5 : memref<768xi32, #tpu.memory_space<vmem>>) target_semaphore(%run_scoped3A : memref<!tpu.dma_semaphore, #tpu.memory_space<semaphore_mem>>)
      %dma_wait3A_208 = tpu.memref_slice %arg3[%mul3A_2] : memref<32768xi32, #tpu.memory_space<hbm>> -> memref<768xi32, #tpu.memory_space<hbm>>
      %dma_wait3A_209 = tpu.memref_slice %arg3[%mul3A_2] : memref<32768xi32, #tpu.memory_space<hbm>> -> memref<768xi32, #tpu.memory_space<hbm>>
      tpu.wait_dma2 semaphore(%run_scoped3A : memref<!tpu.dma_semaphore, #tpu.memory_space<semaphore_mem>>) src(%dma_wait3A_209 : memref<768xi32, #tpu.memory_space<hbm>>) dst(%arg5 : memref<768xi32, #tpu.memory_space<vmem>>)
      tpu.yield
    }) : () -> ()
    %dma_start3A = arith.constant 0 : i32
    %dma_start3A_3 = arith.constant 0 : i32
    %dma_start3A_4 = arith.constant 0 : i32
    %dma_start3A_5 = tpu.memref_slice %arg6[%dma_start3A, %dma_start3A_3, %dma_start3A_4] : memref<4x16x1024xf32, #tpu.memory_space<vmem>> -> memref<1x16x1024xf32, #tpu.memory_space<vmem>>
    %dma_start3A_6 = tpu.memref_squeeze %dma_start3A_5 : memref<1x16x1024xf32, #tpu.memory_space<vmem>> -> memref<16x1024xf32, #tpu.memory_space<vmem>>
    %dma_start3A_7 = arith.constant 0 : i32
    %dma_start3A_8 = tpu.memref_slice %arg5[%dma_start3A_7] : memref<768xi32, #tpu.memory_space<vmem>> -> memref<16xi32, #tpu.memory_space<vmem>>
    %dma_start3A_9 = arith.constant 0 : i32
    %dma_start3A_10 = arith.constant 0 : i32
    %dma_start3A_11 = tpu.memref_slice %arg2[%dma_start3A_9, %dma_start3A_10] : memref<8192x1024xf32, #tpu.memory_space<hbm>> -> memref<8192x1024xf32, #tpu.memory_space<hbm>>
    tpu.enqueue_indirect_dma source(%dma_start3A_11 : memref<8192x1024xf32, #tpu.memory_space<hbm>>) target(%dma_start3A_6 : memref<16x1024xf32, #tpu.memory_space<vmem>>) offsets(%dma_start3A_8 : memref<16xi32, #tpu.memory_space<vmem>>) semaphore(%arg7 : memref<!tpu.dma_semaphore, #tpu.memory_space<semaphore_mem>>)
    %dma_start3A_12 = arith.constant 1 : i32
    %dma_start3A_13 = arith.constant 0 : i32
    %dma_start3A_14 = arith.constant 0 : i32
    %dma_start3A_15 = tpu.memref_slice %arg6[%dma_start3A_12, %dma_start3A_13, %dma_start3A_14] : memref<4x16x1024xf32, #tpu.memory_space<vmem>> -> memref<1x16x1024xf32, #tpu.memory_space<vmem>>
    %dma_start3A_16 = tpu.memref_squeeze %dma_start3A_15 : memref<1x16x1024xf32, #tpu.memory_space<vmem>> -> memref<16x1024xf32, #tpu.memory_space<vmem>>
    %dma_start3A_17 = arith.constant 16 : i32
    %dma_start3A_18 = tpu.memref_slice %arg5[%dma_start3A_17] : memref<768xi32, #tpu.memory_space<vmem>> -> memref<16xi32, #tpu.memory_space<vmem>>
    %dma_start3A_19 = arith.constant 0 : i32
    %dma_start3A_20 = arith.constant 0 : i32
    %dma_start3A_21 = tpu.memref_slice %arg2[%dma_start3A_19, %dma_start3A_20] : memref<8192x1024xf32, #tpu.memory_space<hbm>> -> memref<8192x1024xf32, #tpu.memory_space<hbm>>
    tpu.enqueue_indirect_dma source(%dma_start3A_21 : memref<8192x1024xf32, #tpu.memory_space<hbm>>) target(%dma_start3A_16 : memref<16x1024xf32, #tpu.memory_space<vmem>>) offsets(%dma_start3A_18 : memref<16xi32, #tpu.memory_space<vmem>>) semaphore(%arg8 : memref<!tpu.dma_semaphore, #tpu.memory_space<semaphore_mem>>)
    %dma_start3A_22 = arith.constant 2 : i32
    %dma_start3A_23 = arith.constant 0 : i32
    %dma_start3A_24 = arith.constant 0 : i32
    %dma_start3A_25 = tpu.memref_slice %arg6[%dma_start3A_22, %dma_start3A_23, %dma_start3A_24] : memref<4x16x1024xf32, #tpu.memory_space<vmem>> -> memref<1x16x1024xf32, #tpu.memory_space<vmem>>
    %dma_start3A_26 = tpu.memref_squeeze %dma_start3A_25 : memref<1x16x1024xf32, #tpu.memory_space<vmem>> -> memref<16x1024xf32, #tpu.memory_space<vmem>>
    %dma_start3A_27 = arith.constant 32 : i32
    %dma_start3A_28 = tpu.memref_slice %arg5[%dma_start3A_27] : memref<768xi32, #tpu.memory_space<vmem>> -> memref<16xi32, #tpu.memory_space<vmem>>
    %dma_start3A_29 = arith.constant 0 : i32
    %dma_start3A_30 = arith.constant 0 : i32
    %dma_start3A_31 = tpu.memref_slice %arg2[%dma_start3A_29, %dma_start3A_30] : memref<8192x1024xf32, #tpu.memory_space<hbm>> -> memref<8192x1024xf32, #tpu.memory_space<hbm>>
    tpu.enqueue_indirect_dma source(%dma_start3A_31 : memref<8192x1024xf32, #tpu.memory_space<hbm>>) target(%dma_start3A_26 : memref<16x1024xf32, #tpu.memory_space<vmem>>) offsets(%dma_start3A_28 : memref<16xi32, #tpu.memory_space<vmem>>) semaphore(%arg9 : memref<!tpu.dma_semaphore, #tpu.memory_space<semaphore_mem>>)
    %dma_wait3A = arith.constant 0 : i32
    %dma_wait3A_32 = arith.constant 0 : i32
    %dma_wait3A_33 = arith.constant 0 : i32
    %dma_wait3A_34 = tpu.memref_slice %arg6[%dma_wait3A, %dma_wait3A_32, %dma_wait3A_33] : memref<4x16x1024xf32, #tpu.memory_space<vmem>> -> memref<1x16x1024xf32, #tpu.memory_space<vmem>>
    %dma_wait3A_35 = tpu.memref_squeeze %dma_wait3A_34 : memref<1x16x1024xf32, #tpu.memory_space<vmem>> -> memref<16x1024xf32, #tpu.memory_space<vmem>>
    %dma_wait3A_36 = arith.constant 0 : i32
    %dma_wait3A_37 = tpu.memref_slice %arg5[%dma_wait3A_36] : memref<768xi32, #tpu.memory_space<vmem>> -> memref<16xi32, #tpu.memory_space<vmem>>
    %dma_wait3A_38 = arith.constant 0 : i32
    %dma_wait3A_39 = arith.constant 0 : i32
    %dma_wait3A_40 = tpu.memref_slice %arg2[%dma_wait3A_38, %dma_wait3A_39] : memref<8192x1024xf32, #tpu.memory_space<hbm>> -> memref<8192x1024xf32, #tpu.memory_space<hbm>>
    tpu.wait_indirect_dma semaphore(%arg7 : memref<!tpu.dma_semaphore, #tpu.memory_space<semaphore_mem>>) src(%dma_wait3A_40 : memref<8192x1024xf32, #tpu.memory_space<hbm>>) dst(%dma_wait3A_35 : memref<16x1024xf32, #tpu.memory_space<vmem>>)
    %add3A_41 = arith.constant 0 : i32
    %add3A_42 = arith.addi %mul3A_2, %add3A_41 : i32
    %dma_start3A_43 = arith.constant 0 : i32
    %dma_start3A_44 = arith.constant 0 : i32
    %dma_start3A_45 = arith.constant 0 : i32
    %dma_start3A_46 = tpu.memref_slice %arg6[%dma_start3A_43, %dma_start3A_44, %dma_start3A_45] : memref<4x16x1024xf32, #tpu.memory_space<vmem>> -> memref<1x16x1024xf32, #tpu.memory_space<vmem>>
    %dma_start3A_47 = tpu.memref_squeeze %dma_start3A_46 : memref<1x16x1024xf32, #tpu.memory_space<vmem>> -> memref<16x1024xf32, #tpu.memory_space<vmem>>
    %dma_start3A_48 = arith.constant 0 : i32
    %dma_start3A_49 = tpu.memref_slice %arg4[%add3A_42, %dma_start3A_48] : memref<32768x1024xf32, #tpu.memory_space<hbm>> -> memref<16x1024xf32, #tpu.memory_space<hbm>>
    %dma_start3A_50 = arith.constant 0 : i32
    %dma_start3A_51 = tpu.memref_slice %arg4[%add3A_42, %dma_start3A_50] : memref<32768x1024xf32, #tpu.memory_space<hbm>> -> memref<16x1024xf32, #tpu.memory_space<hbm>>
    %dma_start3A_52 = arith.constant 0 : i32
    %dma_start3A_53 = arith.constant 0 : i32
    %dma_start3A_54 = tpu.memref_slice %arg6[%dma_start3A_43, %dma_start3A_52, %dma_start3A_53] : memref<4x16x1024xf32, #tpu.memory_space<vmem>> -> memref<1x16x1024xf32, #tpu.memory_space<vmem>>
    %dma_start3A_55 = tpu.memref_squeeze %dma_start3A_54 : memref<1x16x1024xf32, #tpu.memory_space<vmem>> -> memref<16x1024xf32, #tpu.memory_space<vmem>>
    tpu.enqueue_dma source(%dma_start3A_55 : memref<16x1024xf32, #tpu.memory_space<vmem>>) target(%dma_start3A_51 : memref<16x1024xf32, #tpu.memory_space<hbm>>) target_semaphore(%arg11 : memref<!tpu.dma_semaphore, #tpu.memory_space<semaphore_mem>>)
    %dma_start3A_56 = arith.constant 3 : i32
    %dma_start3A_57 = arith.constant 0 : i32
    %dma_start3A_58 = arith.constant 0 : i32
    %dma_start3A_59 = tpu.memref_slice %arg6[%dma_start3A_56, %dma_start3A_57, %dma_start3A_58] : memref<4x16x1024xf32, #tpu.memory_space<vmem>> -> memref<1x16x1024xf32, #tpu.memory_space<vmem>>
    %dma_start3A_60 = tpu.memref_squeeze %dma_start3A_59 : memref<1x16x1024xf32, #tpu.memory_space<vmem>> -> memref<16x1024xf32, #tpu.memory_space<vmem>>
    %dma_start3A_61 = arith.constant 48 : i32
    %dma_start3A_62 = tpu.memref_slice %arg5[%dma_start3A_61] : memref<768xi32, #tpu.memory_space<vmem>> -> memref<16xi32, #tpu.memory_space<vmem>>
    %dma_start3A_63 = arith.constant 0 : i32
    %dma_start3A_64 = arith.constant 0 : i32
    %dma_start3A_65 = tpu.memref_slice %arg2[%dma_start3A_63, %dma_start3A_64] : memref<8192x1024xf32, #tpu.memory_space<hbm>> -> memref<8192x1024xf32, #tpu.memory_space<hbm>>
    tpu.enqueue_indirect_dma source(%dma_start3A_65 : memref<8192x1024xf32, #tpu.memory_space<hbm>>) target(%dma_start3A_60 : memref<16x1024xf32, #tpu.memory_space<vmem>>) offsets(%dma_start3A_62 : memref<16xi32, #tpu.memory_space<vmem>>) semaphore(%arg10 : memref<!tpu.dma_semaphore, #tpu.memory_space<semaphore_mem>>)
    %dma_wait3A_66 = arith.constant 1 : i32
    %dma_wait3A_67 = arith.constant 0 : i32
    %dma_wait3A_68 = arith.constant 0 : i32
    %dma_wait3A_69 = tpu.memref_slice %arg6[%dma_wait3A_66, %dma_wait3A_67, %dma_wait3A_68] : memref<4x16x1024xf32, #tpu.memory_space<vmem>> -> memref<1x16x1024xf32, #tpu.memory_space<vmem>>
    %dma_wait3A_70 = tpu.memref_squeeze %dma_wait3A_69 : memref<1x16x1024xf32, #tpu.memory_space<vmem>> -> memref<16x1024xf32, #tpu.memory_space<vmem>>
    %dma_wait3A_71 = arith.constant 0 : i32
    %dma_wait3A_72 = tpu.memref_slice %arg5[%dma_wait3A_71] : memref<768xi32, #tpu.memory_space<vmem>> -> memref<16xi32, #tpu.memory_space<vmem>>
    %dma_wait3A_73 = arith.constant 0 : i32
    %dma_wait3A_74 = arith.constant 0 : i32
    %dma_wait3A_75 = tpu.memref_slice %arg2[%dma_wait3A_73, %dma_wait3A_74] : memref<8192x1024xf32, #tpu.memory_space<hbm>> -> memref<8192x1024xf32, #tpu.memory_space<hbm>>
    tpu.wait_indirect_dma semaphore(%arg8 : memref<!tpu.dma_semaphore, #tpu.memory_space<semaphore_mem>>) src(%dma_wait3A_75 : memref<8192x1024xf32, #tpu.memory_space<hbm>>) dst(%dma_wait3A_70 : memref<16x1024xf32, #tpu.memory_space<vmem>>)
    %add3A_76 = arith.constant 16 : i32
    %add3A_77 = arith.addi %mul3A_2, %add3A_76 : i32
    %dma_start3A_78 = arith.constant 1 : i32
    %dma_start3A_79 = arith.constant 0 : i32
    %dma_start3A_80 = arith.constant 0 : i32
    %dma_start3A_81 = tpu.memref_slice %arg6[%dma_start3A_78, %dma_start3A_79, %dma_start3A_80] : memref<4x16x1024xf32, #tpu.memory_space<vmem>> -> memref<1x16x1024xf32, #tpu.memory_space<vmem>>
    %dma_start3A_82 = tpu.memref_squeeze %dma_start3A_81 : memref<1x16x1024xf32, #tpu.memory_space<vmem>> -> memref<16x1024xf32, #tpu.memory_space<vmem>>
    %dma_start3A_83 = arith.constant 0 : i32
    %dma_start3A_84 = tpu.memref_slice %arg4[%add3A_77, %dma_start3A_83] : memref<32768x1024xf32, #tpu.memory_space<hbm>> -> memref<16x1024xf32, #tpu.memory_space<hbm>>
    %dma_start3A_85 = arith.constant 0 : i32
    %dma_start3A_86 = tpu.memref_slice %arg4[%add3A_77, %dma_start3A_85] : memref<32768x1024xf32, #tpu.memory_space<hbm>> -> memref<16x1024xf32, #tpu.memory_space<hbm>>
    %dma_start3A_87 = arith.constant 0 : i32
    %dma_start3A_88 = arith.constant 0 : i32
    %dma_start3A_89 = tpu.memref_slice %arg6[%dma_start3A_78, %dma_start3A_87, %dma_start3A_88] : memref<4x16x1024xf32, #tpu.memory_space<vmem>> -> memref<1x16x1024xf32, #tpu.memory_space<vmem>>
    %dma_start3A_90 = tpu.memref_squeeze %dma_start3A_89 : memref<1x16x1024xf32, #tpu.memory_space<vmem>> -> memref<16x1024xf32, #tpu.memory_space<vmem>>
    tpu.enqueue_dma source(%dma_start3A_90 : memref<16x1024xf32, #tpu.memory_space<vmem>>) target(%dma_start3A_86 : memref<16x1024xf32, #tpu.memory_space<hbm>>) target_semaphore(%arg12 : memref<!tpu.dma_semaphore, #tpu.memory_space<semaphore_mem>>)
    %scan3A = arith.constant 0 : i32
    %scan3A_91 = arith.constant 1 : i32
    %scan3A_92 = arith.constant 11 : i32
    %scan3A_93 = arith.addi %scan3A_91, %scan3A_92 : i32
    %scan3A_94 = arith.constant 1 : i32
    scf.for %scan3A_206 = %scan3A_91 to %scan3A_93 step %scan3A_94  : i32 {
      %mul3A_207 = arith.constant 4 : i32
      %mul3A_208 = arith.muli %mul3A_207, %scan3A_206 : i32
      %add3A_209 = arith.constant 0 : i32
      %add3A_210 = arith.addi %mul3A_208, %add3A_209 : i32
      %dma_wait3A_211 = arith.constant 0 : i32
      %dma_wait3A_212 = arith.constant 0 : i32
      %dma_wait3A_213 = arith.constant 0 : i32
      %dma_wait3A_214 = tpu.memref_slice %arg6[%dma_wait3A_211, %dma_wait3A_212, %dma_wait3A_213] : memref<4x16x1024xf32, #tpu.memory_space<vmem>> -> memref<1x16x1024xf32, #tpu.memory_space<vmem>>
      %dma_wait3A_215 = tpu.memref_squeeze %dma_wait3A_214 : memref<1x16x1024xf32, #tpu.memory_space<vmem>> -> memref<16x1024xf32, #tpu.memory_space<vmem>>
      %dma_wait3A_216 = arith.constant 0 : i32
      %dma_wait3A_217 = arith.constant 0 : i32
      %dma_wait3A_218 = tpu.memref_slice %arg4[%dma_wait3A_216, %dma_wait3A_217] : memref<32768x1024xf32, #tpu.memory_space<hbm>> -> memref<16x1024xf32, #tpu.memory_space<hbm>>
      %dma_wait3A_219 = arith.constant 0 : i32
      %dma_wait3A_220 = arith.constant 0 : i32
      %dma_wait3A_221 = tpu.memref_slice %arg4[%dma_wait3A_219, %dma_wait3A_220] : memref<32768x1024xf32, #tpu.memory_space<hbm>> -> memref<16x1024xf32, #tpu.memory_space<hbm>>
      %dma_wait3A_222 = arith.constant 0 : i32
      %dma_wait3A_223 = arith.constant 0 : i32
      %dma_wait3A_224 = tpu.memref_slice %arg6[%dma_wait3A_211, %dma_wait3A_222, %dma_wait3A_223] : memref<4x16x1024xf32, #tpu.memory_space<vmem>> -> memref<1x16x1024xf32, #tpu.memory_space<vmem>>
      %dma_wait3A_225 = tpu.memref_squeeze %dma_wait3A_224 : memref<1x16x1024xf32, #tpu.memory_space<vmem>> -> memref<16x1024xf32, #tpu.memory_space<vmem>>
      tpu.wait_dma2 semaphore(%arg11 : memref<!tpu.dma_semaphore, #tpu.memory_space<semaphore_mem>>) src(%dma_wait3A_225 : memref<16x1024xf32, #tpu.memory_space<vmem>>) dst(%dma_wait3A_221 : memref<16x1024xf32, #tpu.memory_space<hbm>>)
      %mul3A_226 = arith.constant 16 : i32
      %mul3A_227 = arith.muli %add3A_210, %mul3A_226 : i32
      %dma_start3A_228 = arith.constant 0 : i32
      %dma_start3A_229 = arith.constant 0 : i32
      %dma_start3A_230 = arith.constant 0 : i32
      %dma_start3A_231 = tpu.memref_slice %arg6[%dma_start3A_228, %dma_start3A_229, %dma_start3A_230] : memref<4x16x1024xf32, #tpu.memory_space<vmem>> -> memref<1x16x1024xf32, #tpu.memory_space<vmem>>
      %dma_start3A_232 = tpu.memref_squeeze %dma_start3A_231 : memref<1x16x1024xf32, #tpu.memory_space<vmem>> -> memref<16x1024xf32, #tpu.memory_space<vmem>>
      %dma_start3A_233 = tpu.memref_slice %arg5[%mul3A_227] : memref<768xi32, #tpu.memory_space<vmem>> -> memref<16xi32, #tpu.memory_space<vmem>>
      %dma_start3A_234 = arith.constant 0 : i32
      %dma_start3A_235 = arith.constant 0 : i32
      %dma_start3A_236 = tpu.memref_slice %arg2[%dma_start3A_234, %dma_start3A_235] : memref<8192x1024xf32, #tpu.memory_space<hbm>> -> memref<8192x1024xf32, #tpu.memory_space<hbm>>
      tpu.enqueue_indirect_dma source(%dma_start3A_236 : memref<8192x1024xf32, #tpu.memory_space<hbm>>) target(%dma_start3A_232 : memref<16x1024xf32, #tpu.memory_space<vmem>>) offsets(%dma_start3A_233 : memref<16xi32, #tpu.memory_space<vmem>>) semaphore(%arg7 : memref<!tpu.dma_semaphore, #tpu.memory_space<semaphore_mem>>)
      %dma_wait3A_237 = arith.constant 2 : i32
      %dma_wait3A_238 = arith.constant 0 : i32
      %dma_wait3A_239 = arith.constant 0 : i32
      %dma_wait3A_240 = tpu.memref_slice %arg6[%dma_wait3A_237, %dma_wait3A_238, %dma_wait3A_239] : memref<4x16x1024xf32, #tpu.memory_space<vmem>> -> memref<1x16x1024xf32, #tpu.memory_space<vmem>>
      %dma_wait3A_241 = tpu.memref_squeeze %dma_wait3A_240 : memref<1x16x1024xf32, #tpu.memory_space<vmem>> -> memref<16x1024xf32, #tpu.memory_space<vmem>>
      %dma_wait3A_242 = arith.constant 0 : i32
      %dma_wait3A_243 = tpu.memref_slice %arg5[%dma_wait3A_242] : memref<768xi32, #tpu.memory_space<vmem>> -> memref<16xi32, #tpu.memory_space<vmem>>
      %dma_wait3A_244 = arith.constant 0 : i32
      %dma_wait3A_245 = arith.constant 0 : i32
      %dma_wait3A_246 = tpu.memref_slice %arg2[%dma_wait3A_244, %dma_wait3A_245] : memref<8192x1024xf32, #tpu.memory_space<hbm>> -> memref<8192x1024xf32, #tpu.memory_space<hbm>>
      tpu.wait_indirect_dma semaphore(%arg9 : memref<!tpu.dma_semaphore, #tpu.memory_space<semaphore_mem>>) src(%dma_wait3A_246 : memref<8192x1024xf32, #tpu.memory_space<hbm>>) dst(%dma_wait3A_241 : memref<16x1024xf32, #tpu.memory_space<vmem>>)
      %sub3A = arith.constant 2 : i32
      %sub3A_247 = arith.subi %add3A_210, %sub3A : i32
      %mul3A_248 = arith.constant 16 : i32
      %mul3A_249 = arith.muli %sub3A_247, %mul3A_248 : i32
      %add3A_250 = arith.addi %mul3A_2, %mul3A_249 : i32
      %dma_start3A_251 = arith.constant 2 : i32
      %dma_start3A_252 = arith.constant 0 : i32
      %dma_start3A_253 = arith.constant 0 : i32
      %dma_start3A_254 = tpu.memref_slice %arg6[%dma_start3A_251, %dma_start3A_252, %dma_start3A_253] : memref<4x16x1024xf32, #tpu.memory_space<vmem>> -> memref<1x16x1024xf32, #tpu.memory_space<vmem>>
      %dma_start3A_255 = tpu.memref_squeeze %dma_start3A_254 : memref<1x16x1024xf32, #tpu.memory_space<vmem>> -> memref<16x1024xf32, #tpu.memory_space<vmem>>
      %dma_start3A_256 = arith.constant 0 : i32
      %dma_start3A_257 = tpu.memref_slice %arg4[%add3A_250, %dma_start3A_256] : memref<32768x1024xf32, #tpu.memory_space<hbm>> -> memref<16x1024xf32, #tpu.memory_space<hbm>>
      %dma_start3A_258 = arith.constant 0 : i32
      %dma_start3A_259 = tpu.memref_slice %arg4[%add3A_250, %dma_start3A_258] : memref<32768x1024xf32, #tpu.memory_space<hbm>> -> memref<16x1024xf32, #tpu.memory_space<hbm>>
      %dma_start3A_260 = arith.constant 0 : i32
      %dma_start3A_261 = arith.constant 0 : i32
      %dma_start3A_262 = tpu.memref_slice %arg6[%dma_start3A_251, %dma_start3A_260, %dma_start3A_261] : memref<4x16x1024xf32, #tpu.memory_space<vmem>> -> memref<1x16x1024xf32, #tpu.memory_space<vmem>>
      %dma_start3A_263 = tpu.memref_squeeze %dma_start3A_262 : memref<1x16x1024xf32, #tpu.memory_space<vmem>> -> memref<16x1024xf32, #tpu.memory_space<vmem>>
      tpu.enqueue_dma source(%dma_start3A_263 : memref<16x1024xf32, #tpu.memory_space<vmem>>) target(%dma_start3A_259 : memref<16x1024xf32, #tpu.memory_space<hbm>>) target_semaphore(%arg13 : memref<!tpu.dma_semaphore, #tpu.memory_space<semaphore_mem>>)
      %mul3A_264 = arith.constant 4 : i32
      %mul3A_265 = arith.muli %mul3A_264, %scan3A_206 : i32
      %add3A_266 = arith.constant 1 : i32
      %add3A_267 = arith.addi %mul3A_265, %add3A_266 : i32
      %dma_wait3A_268 = arith.constant 1 : i32
      %dma_wait3A_269 = arith.constant 0 : i32
      %dma_wait3A_270 = arith.constant 0 : i32
      %dma_wait3A_271 = tpu.memref_slice %arg6[%dma_wait3A_268, %dma_wait3A_269, %dma_wait3A_270] : memref<4x16x1024xf32, #tpu.memory_space<vmem>> -> memref<1x16x1024xf32, #tpu.memory_space<vmem>>
      %dma_wait3A_272 = tpu.memref_squeeze %dma_wait3A_271 : memref<1x16x1024xf32, #tpu.memory_space<vmem>> -> memref<16x1024xf32, #tpu.memory_space<vmem>>
      %dma_wait3A_273 = arith.constant 0 : i32
      %dma_wait3A_274 = arith.constant 0 : i32
      %dma_wait3A_275 = tpu.memref_slice %arg4[%dma_wait3A_273, %dma_wait3A_274] : memref<32768x1024xf32, #tpu.memory_space<hbm>> -> memref<16x1024xf32, #tpu.memory_space<hbm>>
      %dma_wait3A_276 = arith.constant 0 : i32
      %dma_wait3A_277 = arith.constant 0 : i32
      %dma_wait3A_278 = tpu.memref_slice %arg4[%dma_wait3A_276, %dma_wait3A_277] : memref<32768x1024xf32, #tpu.memory_space<hbm>> -> memref<16x1024xf32, #tpu.memory_space<hbm>>
      %dma_wait3A_279 = arith.constant 0 : i32
      %dma_wait3A_280 = arith.constant 0 : i32
      %dma_wait3A_281 = tpu.memref_slice %arg6[%dma_wait3A_268, %dma_wait3A_279, %dma_wait3A_280] : memref<4x16x1024xf32, #tpu.memory_space<vmem>> -> memref<1x16x1024xf32, #tpu.memory_space<vmem>>
      %dma_wait3A_282 = tpu.memref_squeeze %dma_wait3A_281 : memref<1x16x1024xf32, #tpu.memory_space<vmem>> -> memref<16x1024xf32, #tpu.memory_space<vmem>>
      tpu.wait_dma2 semaphore(%arg12 : memref<!tpu.dma_semaphore, #tpu.memory_space<semaphore_mem>>) src(%dma_wait3A_282 : memref<16x1024xf32, #tpu.memory_space<vmem>>) dst(%dma_wait3A_278 : memref<16x1024xf32, #tpu.memory_space<hbm>>)
      %mul3A_283 = arith.constant 16 : i32
      %mul3A_284 = arith.muli %add3A_267, %mul3A_283 : i32
      %dma_start3A_285 = arith.constant 1 : i32
      %dma_start3A_286 = arith.constant 0 : i32
      %dma_start3A_287 = arith.constant 0 : i32
      %dma_start3A_288 = tpu.memref_slice %arg6[%dma_start3A_285, %dma_start3A_286, %dma_start3A_287] : memref<4x16x1024xf32, #tpu.memory_space<vmem>> -> memref<1x16x1024xf32, #tpu.memory_space<vmem>>
      %dma_start3A_289 = tpu.memref_squeeze %dma_start3A_288 : memref<1x16x1024xf32, #tpu.memory_space<vmem>> -> memref<16x1024xf32, #tpu.memory_space<vmem>>
      %dma_start3A_290 = tpu.memref_slice %arg5[%mul3A_284] : memref<768xi32, #tpu.memory_space<vmem>> -> memref<16xi32, #tpu.memory_space<vmem>>
      %dma_start3A_291 = arith.constant 0 : i32
      %dma_start3A_292 = arith.constant 0 : i32
      %dma_start3A_293 = tpu.memref_slice %arg2[%dma_start3A_291, %dma_start3A_292] : memref<8192x1024xf32, #tpu.memory_space<hbm>> -> memref<8192x1024xf32, #tpu.memory_space<hbm>>
      tpu.enqueue_indirect_dma source(%dma_start3A_293 : memref<8192x1024xf32, #tpu.memory_space<hbm>>) target(%dma_start3A_289 : memref<16x1024xf32, #tpu.memory_space<vmem>>) offsets(%dma_start3A_290 : memref<16xi32, #tpu.memory_space<vmem>>) semaphore(%arg8 : memref<!tpu.dma_semaphore, #tpu.memory_space<semaphore_mem>>)
      %dma_wait3A_294 = arith.constant 3 : i32
      %dma_wait3A_295 = arith.constant 0 : i32
      %dma_wait3A_296 = arith.constant 0 : i32
      %dma_wait3A_297 = tpu.memref_slice %arg6[%dma_wait3A_294, %dma_wait3A_295, %dma_wait3A_296] : memref<4x16x1024xf32, #tpu.memory_space<vmem>> -> memref<1x16x1024xf32, #tpu.memory_space<vmem>>
      %dma_wait3A_298 = tpu.memref_squeeze %dma_wait3A_297 : memref<1x16x1024xf32, #tpu.memory_space<vmem>> -> memref<16x1024xf32, #tpu.memory_space<vmem>>
      %dma_wait3A_299 = arith.constant 0 : i32
      %dma_wait3A_300 = tpu.memref_slice %arg5[%dma_wait3A_299] : memref<768xi32, #tpu.memory_space<vmem>> -> memref<16xi32, #tpu.memory_space<vmem>>
      %dma_wait3A_301 = arith.constant 0 : i32
      %dma_wait3A_302 = arith.constant 0 : i32
      %dma_wait3A_303 = tpu.memref_slice %arg2[%dma_wait3A_301, %dma_wait3A_302] : memref<8192x1024xf32, #tpu.memory_space<hbm>> -> memref<8192x1024xf32, #tpu.memory_space<hbm>>
      tpu.wait_indirect_dma semaphore(%arg10 : memref<!tpu.dma_semaphore, #tpu.memory_space<semaphore_mem>>) src(%dma_wait3A_303 : memref<8192x1024xf32, #tpu.memory_space<hbm>>) dst(%dma_wait3A_298 : memref<16x1024xf32, #tpu.memory_space<vmem>>)
      %sub3A_304 = arith.constant 2 : i32
      %sub3A_305 = arith.subi %add3A_267, %sub3A_304 : i32
      %mul3A_306 = arith.constant 16 : i32
      %mul3A_307 = arith.muli %sub3A_305, %mul3A_306 : i32
      %add3A_308 = arith.addi %mul3A_2, %mul3A_307 : i32
      %dma_start3A_309 = arith.constant 3 : i32
      %dma_start3A_310 = arith.constant 0 : i32
      %dma_start3A_311 = arith.constant 0 : i32
      %dma_start3A_312 = tpu.memref_slice %arg6[%dma_start3A_309, %dma_start3A_310, %dma_start3A_311] : memref<4x16x1024xf32, #tpu.memory_space<vmem>> -> memref<1x16x1024xf32, #tpu.memory_space<vmem>>
      %dma_start3A_313 = tpu.memref_squeeze %dma_start3A_312 : memref<1x16x1024xf32, #tpu.memory_space<vmem>> -> memref<16x1024xf32, #tpu.memory_space<vmem>>
      %dma_start3A_314 = arith.constant 0 : i32
      %dma_start3A_315 = tpu.memref_slice %arg4[%add3A_308, %dma_start3A_314] : memref<32768x1024xf32, #tpu.memory_space<hbm>> -> memref<16x1024xf32, #tpu.memory_space<hbm>>
      %dma_start3A_316 = arith.constant 0 : i32
      %dma_start3A_317 = tpu.memref_slice %arg4[%add3A_308, %dma_start3A_316] : memref<32768x1024xf32, #tpu.memory_space<hbm>> -> memref<16x1024xf32, #tpu.memory_space<hbm>>
      %dma_start3A_318 = arith.constant 0 : i32
      %dma_start3A_319 = arith.constant 0 : i32
      %dma_start3A_320 = tpu.memref_slice %arg6[%dma_start3A_309, %dma_start3A_318, %dma_start3A_319] : memref<4x16x1024xf32, #tpu.memory_space<vmem>> -> memref<1x16x1024xf32, #tpu.memory_space<vmem>>
      %dma_start3A_321 = tpu.memref_squeeze %dma_start3A_320 : memref<1x16x1024xf32, #tpu.memory_space<vmem>> -> memref<16x1024xf32, #tpu.memory_space<vmem>>
      tpu.enqueue_dma source(%dma_start3A_321 : memref<16x1024xf32, #tpu.memory_space<vmem>>) target(%dma_start3A_317 : memref<16x1024xf32, #tpu.memory_space<hbm>>) target_semaphore(%arg14 : memref<!tpu.dma_semaphore, #tpu.memory_space<semaphore_mem>>)
      %mul3A_322 = arith.constant 4 : i32
      %mul3A_323 = arith.muli %mul3A_322, %scan3A_206 : i32
      %add3A_324 = arith.constant 2 : i32
      %add3A_325 = arith.addi %mul3A_323, %add3A_324 : i32
      %dma_wait3A_326 = arith.constant 2 : i32
      %dma_wait3A_327 = arith.constant 0 : i32
      %dma_wait3A_328 = arith.constant 0 : i32
      %dma_wait3A_329 = tpu.memref_slice %arg6[%dma_wait3A_326, %dma_wait3A_327, %dma_wait3A_328] : memref<4x16x1024xf32, #tpu.memory_space<vmem>> -> memref<1x16x1024xf32, #tpu.memory_space<vmem>>
      %dma_wait3A_330 = tpu.memref_squeeze %dma_wait3A_329 : memref<1x16x1024xf32, #tpu.memory_space<vmem>> -> memref<16x1024xf32, #tpu.memory_space<vmem>>
      %dma_wait3A_331 = arith.constant 0 : i32
      %dma_wait3A_332 = arith.constant 0 : i32
      %dma_wait3A_333 = tpu.memref_slice %arg4[%dma_wait3A_331, %dma_wait3A_332] : memref<32768x1024xf32, #tpu.memory_space<hbm>> -> memref<16x1024xf32, #tpu.memory_space<hbm>>
      %dma_wait3A_334 = arith.constant 0 : i32
      %dma_wait3A_335 = arith.constant 0 : i32
      %dma_wait3A_336 = tpu.memref_slice %arg4[%dma_wait3A_334, %dma_wait3A_335] : memref<32768x1024xf32, #tpu.memory_space<hbm>> -> memref<16x1024xf32, #tpu.memory_space<hbm>>
      %dma_wait3A_337 = arith.constant 0 : i32
      %dma_wait3A_338 = arith.constant 0 : i32
      %dma_wait3A_339 = tpu.memref_slice %arg6[%dma_wait3A_326, %dma_wait3A_337, %dma_wait3A_338] : memref<4x16x1024xf32, #tpu.memory_space<vmem>> -> memref<1x16x1024xf32, #tpu.memory_space<vmem>>
      %dma_wait3A_340 = tpu.memref_squeeze %dma_wait3A_339 : memref<1x16x1024xf32, #tpu.memory_space<vmem>> -> memref<16x1024xf32, #tpu.memory_space<vmem>>
      tpu.wait_dma2 semaphore(%arg13 : memref<!tpu.dma_semaphore, #tpu.memory_space<semaphore_mem>>) src(%dma_wait3A_340 : memref<16x1024xf32, #tpu.memory_space<vmem>>) dst(%dma_wait3A_336 : memref<16x1024xf32, #tpu.memory_space<hbm>>)
      %mul3A_341 = arith.constant 16 : i32
      %mul3A_342 = arith.muli %add3A_325, %mul3A_341 : i32
      %dma_start3A_343 = arith.constant 2 : i32
      %dma_start3A_344 = arith.constant 0 : i32
      %dma_start3A_345 = arith.constant 0 : i32
      %dma_start3A_346 = tpu.memref_slice %arg6[%dma_start3A_343, %dma_start3A_344, %dma_start3A_345] : memref<4x16x1024xf32, #tpu.memory_space<vmem>> -> memref<1x16x1024xf32, #tpu.memory_space<vmem>>
      %dma_start3A_347 = tpu.memref_squeeze %dma_start3A_346 : memref<1x16x1024xf32, #tpu.memory_space<vmem>> -> memref<16x1024xf32, #tpu.memory_space<vmem>>
      %dma_start3A_348 = tpu.memref_slice %arg5[%mul3A_342] : memref<768xi32, #tpu.memory_space<vmem>> -> memref<16xi32, #tpu.memory_space<vmem>>
      %dma_start3A_349 = arith.constant 0 : i32
      %dma_start3A_350 = arith.constant 0 : i32
      %dma_start3A_351 = tpu.memref_slice %arg2[%dma_start3A_349, %dma_start3A_350] : memref<8192x1024xf32, #tpu.memory_space<hbm>> -> memref<8192x1024xf32, #tpu.memory_space<hbm>>
      tpu.enqueue_indirect_dma source(%dma_start3A_351 : memref<8192x1024xf32, #tpu.memory_space<hbm>>) target(%dma_start3A_347 : memref<16x1024xf32, #tpu.memory_space<vmem>>) offsets(%dma_start3A_348 : memref<16xi32, #tpu.memory_space<vmem>>) semaphore(%arg9 : memref<!tpu.dma_semaphore, #tpu.memory_space<semaphore_mem>>)
      %dma_wait3A_352 = arith.constant 0 : i32
      %dma_wait3A_353 = arith.constant 0 : i32
      %dma_wait3A_354 = arith.constant 0 : i32
      %dma_wait3A_355 = tpu.memref_slice %arg6[%dma_wait3A_352, %dma_wait3A_353, %dma_wait3A_354] : memref<4x16x1024xf32, #tpu.memory_space<vmem>> -> memref<1x16x1024xf32, #tpu.memory_space<vmem>>
      %dma_wait3A_356 = tpu.memref_squeeze %dma_wait3A_355 : memref<1x16x1024xf32, #tpu.memory_space<vmem>> -> memref<16x1024xf32, #tpu.memory_space<vmem>>
      %dma_wait3A_357 = arith.constant 0 : i32
      %dma_wait3A_358 = tpu.memref_slice %arg5[%dma_wait3A_357] : memref<768xi32, #tpu.memory_space<vmem>> -> memref<16xi32, #tpu.memory_space<vmem>>
      %dma_wait3A_359 = arith.constant 0 : i32
      %dma_wait3A_360 = arith.constant 0 : i32
      %dma_wait3A_361 = tpu.memref_slice %arg2[%dma_wait3A_359, %dma_wait3A_360] : memref<8192x1024xf32, #tpu.memory_space<hbm>> -> memref<8192x1024xf32, #tpu.memory_space<hbm>>
      tpu.wait_indirect_dma semaphore(%arg7 : memref<!tpu.dma_semaphore, #tpu.memory_space<semaphore_mem>>) src(%dma_wait3A_361 : memref<8192x1024xf32, #tpu.memory_space<hbm>>) dst(%dma_wait3A_356 : memref<16x1024xf32, #tpu.memory_space<vmem>>)
      %sub3A_362 = arith.constant 2 : i32
      %sub3A_363 = arith.subi %add3A_325, %sub3A_362 : i32
      %mul3A_364 = arith.constant 16 : i32
      %mul3A_365 = arith.muli %sub3A_363, %mul3A_364 : i32
      %add3A_366 = arith.addi %mul3A_2, %mul3A_365 : i32
      %dma_start3A_367 = arith.constant 0 : i32
      %dma_start3A_368 = arith.constant 0 : i32
      %dma_start3A_369 = arith.constant 0 : i32
      %dma_start3A_370 = tpu.memref_slice %arg6[%dma_start3A_367, %dma_start3A_368, %dma_start3A_369] : memref<4x16x1024xf32, #tpu.memory_space<vmem>> -> memref<1x16x1024xf32, #tpu.memory_space<vmem>>
      %dma_start3A_371 = tpu.memref_squeeze %dma_start3A_370 : memref<1x16x1024xf32, #tpu.memory_space<vmem>> -> memref<16x1024xf32, #tpu.memory_space<vmem>>
      %dma_start3A_372 = arith.constant 0 : i32
      %dma_start3A_373 = tpu.memref_slice %arg4[%add3A_366, %dma_start3A_372] : memref<32768x1024xf32, #tpu.memory_space<hbm>> -> memref<16x1024xf32, #tpu.memory_space<hbm>>
      %dma_start3A_374 = arith.constant 0 : i32
      %dma_start3A_375 = tpu.memref_slice %arg4[%add3A_366, %dma_start3A_374] : memref<32768x1024xf32, #tpu.memory_space<hbm>> -> memref<16x1024xf32, #tpu.memory_space<hbm>>
      %dma_start3A_376 = arith.constant 0 : i32
      %dma_start3A_377 = arith.constant 0 : i32
      %dma_start3A_378 = tpu.memref_slice %arg6[%dma_start3A_367, %dma_start3A_376, %dma_start3A_377] : memref<4x16x1024xf32, #tpu.memory_space<vmem>> -> memref<1x16x1024xf32, #tpu.memory_space<vmem>>
      %dma_start3A_379 = tpu.memref_squeeze %dma_start3A_378 : memref<1x16x1024xf32, #tpu.memory_space<vmem>> -> memref<16x1024xf32, #tpu.memory_space<vmem>>
      tpu.enqueue_dma source(%dma_start3A_379 : memref<16x1024xf32, #tpu.memory_space<vmem>>) target(%dma_start3A_375 : memref<16x1024xf32, #tpu.memory_space<hbm>>) target_semaphore(%arg11 : memref<!tpu.dma_semaphore, #tpu.memory_space<semaphore_mem>>)
      %mul3A_380 = arith.constant 4 : i32
      %mul3A_381 = arith.muli %mul3A_380, %scan3A_206 : i32
      %add3A_382 = arith.constant 3 : i32
      %add3A_383 = arith.addi %mul3A_381, %add3A_382 : i32
      %dma_wait3A_384 = arith.constant 3 : i32
      %dma_wait3A_385 = arith.constant 0 : i32
      %dma_wait3A_386 = arith.constant 0 : i32
      %dma_wait3A_387 = tpu.memref_slice %arg6[%dma_wait3A_384, %dma_wait3A_385, %dma_wait3A_386] : memref<4x16x1024xf32, #tpu.memory_space<vmem>> -> memref<1x16x1024xf32, #tpu.memory_space<vmem>>
      %dma_wait3A_388 = tpu.memref_squeeze %dma_wait3A_387 : memref<1x16x1024xf32, #tpu.memory_space<vmem>> -> memref<16x1024xf32, #tpu.memory_space<vmem>>
      %dma_wait3A_389 = arith.constant 0 : i32
      %dma_wait3A_390 = arith.constant 0 : i32
      %dma_wait3A_391 = tpu.memref_slice %arg4[%dma_wait3A_389, %dma_wait3A_390] : memref<32768x1024xf32, #tpu.memory_space<hbm>> -> memref<16x1024xf32, #tpu.memory_space<hbm>>
      %dma_wait3A_392 = arith.constant 0 : i32
      %dma_wait3A_393 = arith.constant 0 : i32
      %dma_wait3A_394 = tpu.memref_slice %arg4[%dma_wait3A_392, %dma_wait3A_393] : memref<32768x1024xf32, #tpu.memory_space<hbm>> -> memref<16x1024xf32, #tpu.memory_space<hbm>>
      %dma_wait3A_395 = arith.constant 0 : i32
      %dma_wait3A_396 = arith.constant 0 : i32
      %dma_wait3A_397 = tpu.memref_slice %arg6[%dma_wait3A_384, %dma_wait3A_395, %dma_wait3A_396] : memref<4x16x1024xf32, #tpu.memory_space<vmem>> -> memref<1x16x1024xf32, #tpu.memory_space<vmem>>
      %dma_wait3A_398 = tpu.memref_squeeze %dma_wait3A_397 : memref<1x16x1024xf32, #tpu.memory_space<vmem>> -> memref<16x1024xf32, #tpu.memory_space<vmem>>
      tpu.wait_dma2 semaphore(%arg14 : memref<!tpu.dma_semaphore, #tpu.memory_space<semaphore_mem>>) src(%dma_wait3A_398 : memref<16x1024xf32, #tpu.memory_space<vmem>>) dst(%dma_wait3A_394 : memref<16x1024xf32, #tpu.memory_space<hbm>>)
      %mul3A_399 = arith.constant 16 : i32
      %mul3A_400 = arith.muli %add3A_383, %mul3A_399 : i32
      %dma_start3A_401 = arith.constant 3 : i32
      %dma_start3A_402 = arith.constant 0 : i32
      %dma_start3A_403 = arith.constant 0 : i32
      %dma_start3A_404 = tpu.memref_slice %arg6[%dma_start3A_401, %dma_start3A_402, %dma_start3A_403] : memref<4x16x1024xf32, #tpu.memory_space<vmem>> -> memref<1x16x1024xf32, #tpu.memory_space<vmem>>
      %dma_start3A_405 = tpu.memref_squeeze %dma_start3A_404 : memref<1x16x1024xf32, #tpu.memory_space<vmem>> -> memref<16x1024xf32, #tpu.memory_space<vmem>>
      %dma_start3A_406 = tpu.memref_slice %arg5[%mul3A_400] : memref<768xi32, #tpu.memory_space<vmem>> -> memref<16xi32, #tpu.memory_space<vmem>>
      %dma_start3A_407 = arith.constant 0 : i32
      %dma_start3A_408 = arith.constant 0 : i32
      %dma_start3A_409 = tpu.memref_slice %arg2[%dma_start3A_407, %dma_start3A_408] : memref<8192x1024xf32, #tpu.memory_space<hbm>> -> memref<8192x1024xf32, #tpu.memory_space<hbm>>
      tpu.enqueue_indirect_dma source(%dma_start3A_409 : memref<8192x1024xf32, #tpu.memory_space<hbm>>) target(%dma_start3A_405 : memref<16x1024xf32, #tpu.memory_space<vmem>>) offsets(%dma_start3A_406 : memref<16xi32, #tpu.memory_space<vmem>>) semaphore(%arg10 : memref<!tpu.dma_semaphore, #tpu.memory_space<semaphore_mem>>)
      %dma_wait3A_410 = arith.constant 1 : i32
      %dma_wait3A_411 = arith.constant 0 : i32
      %dma_wait3A_412 = arith.constant 0 : i32
      %dma_wait3A_413 = tpu.memref_slice %arg6[%dma_wait3A_410, %dma_wait3A_411, %dma_wait3A_412] : memref<4x16x1024xf32, #tpu.memory_space<vmem>> -> memref<1x16x1024xf32, #tpu.memory_space<vmem>>
      %dma_wait3A_414 = tpu.memref_squeeze %dma_wait3A_413 : memref<1x16x1024xf32, #tpu.memory_space<vmem>> -> memref<16x1024xf32, #tpu.memory_space<vmem>>
      %dma_wait3A_415 = arith.constant 0 : i32
      %dma_wait3A_416 = tpu.memref_slice %arg5[%dma_wait3A_415] : memref<768xi32, #tpu.memory_space<vmem>> -> memref<16xi32, #tpu.memory_space<vmem>>
      %dma_wait3A_417 = arith.constant 0 : i32
      %dma_wait3A_418 = arith.constant 0 : i32
      %dma_wait3A_419 = tpu.memref_slice %arg2[%dma_wait3A_417, %dma_wait3A_418] : memref<8192x1024xf32, #tpu.memory_space<hbm>> -> memref<8192x1024xf32, #tpu.memory_space<hbm>>
      tpu.wait_indirect_dma semaphore(%arg8 : memref<!tpu.dma_semaphore, #tpu.memory_space<semaphore_mem>>) src(%dma_wait3A_419 : memref<8192x1024xf32, #tpu.memory_space<hbm>>) dst(%dma_wait3A_414 : memref<16x1024xf32, #tpu.memory_space<vmem>>)
      %sub3A_420 = arith.constant 2 : i32
      %sub3A_421 = arith.subi %add3A_383, %sub3A_420 : i32
      %mul3A_422 = arith.constant 16 : i32
      %mul3A_423 = arith.muli %sub3A_421, %mul3A_422 : i32
      %add3A_424 = arith.addi %mul3A_2, %mul3A_423 : i32
      %dma_start3A_425 = arith.constant 1 : i32
      %dma_start3A_426 = arith.constant 0 : i32
      %dma_start3A_427 = arith.constant 0 : i32
      %dma_start3A_428 = tpu.memref_slice %arg6[%dma_start3A_425, %dma_start3A_426, %dma_start3A_427] : memref<4x16x1024xf32, #tpu.memory_space<vmem>> -> memref<1x16x1024xf32, #tpu.memory_space<vmem>>
      %dma_start3A_429 = tpu.memref_squeeze %dma_start3A_428 : memref<1x16x1024xf32, #tpu.memory_space<vmem>> -> memref<16x1024xf32, #tpu.memory_space<vmem>>
      %dma_start3A_430 = arith.constant 0 : i32
      %dma_start3A_431 = tpu.memref_slice %arg4[%add3A_424, %dma_start3A_430] : memref<32768x1024xf32, #tpu.memory_space<hbm>> -> memref<16x1024xf32, #tpu.memory_space<hbm>>
      %dma_start3A_432 = arith.constant 0 : i32
      %dma_start3A_433 = tpu.memref_slice %arg4[%add3A_424, %dma_start3A_432] : memref<32768x1024xf32, #tpu.memory_space<hbm>> -> memref<16x1024xf32, #tpu.memory_space<hbm>>
      %dma_start3A_434 = arith.constant 0 : i32
      %dma_start3A_435 = arith.constant 0 : i32
      %dma_start3A_436 = tpu.memref_slice %arg6[%dma_start3A_425, %dma_start3A_434, %dma_start3A_435] : memref<4x16x1024xf32, #tpu.memory_space<vmem>> -> memref<1x16x1024xf32, #tpu.memory_space<vmem>>
      %dma_start3A_437 = tpu.memref_squeeze %dma_start3A_436 : memref<1x16x1024xf32, #tpu.memory_space<vmem>> -> memref<16x1024xf32, #tpu.memory_space<vmem>>
      tpu.enqueue_dma source(%dma_start3A_437 : memref<16x1024xf32, #tpu.memory_space<vmem>>) target(%dma_start3A_433 : memref<16x1024xf32, #tpu.memory_space<hbm>>) target_semaphore(%arg12 : memref<!tpu.dma_semaphore, #tpu.memory_space<semaphore_mem>>)
    }
    %scan3A_95 = arith.constant 11 : i32
    %dma_wait3A_96 = arith.constant 2 : i32
    %dma_wait3A_97 = arith.constant 0 : i32
    %dma_wait3A_98 = arith.constant 0 : i32
    %dma_wait3A_99 = tpu.memref_slice %arg6[%dma_wait3A_96, %dma_wait3A_97, %dma_wait3A_98] : memref<4x16x1024xf32, #tpu.memory_space<vmem>> -> memref<1x16x1024xf32, #tpu.memory_space<vmem>>
    %dma_wait3A_100 = tpu.memref_squeeze %dma_wait3A_99 : memref<1x16x1024xf32, #tpu.memory_space<vmem>> -> memref<16x1024xf32, #tpu.memory_space<vmem>>
    %dma_wait3A_101 = arith.constant 0 : i32
    %dma_wait3A_102 = tpu.memref_slice %arg5[%dma_wait3A_101] : memref<768xi32, #tpu.memory_space<vmem>> -> memref<16xi32, #tpu.memory_space<vmem>>
    %dma_wait3A_103 = arith.constant 0 : i32
    %dma_wait3A_104 = arith.constant 0 : i32
    %dma_wait3A_105 = tpu.memref_slice %arg2[%dma_wait3A_103, %dma_wait3A_104] : memref<8192x1024xf32, #tpu.memory_space<hbm>> -> memref<8192x1024xf32, #tpu.memory_space<hbm>>
    tpu.wait_indirect_dma semaphore(%arg9 : memref<!tpu.dma_semaphore, #tpu.memory_space<semaphore_mem>>) src(%dma_wait3A_105 : memref<8192x1024xf32, #tpu.memory_space<hbm>>) dst(%dma_wait3A_100 : memref<16x1024xf32, #tpu.memory_space<vmem>>)
    %add3A_106 = arith.constant 736 : i32
    %add3A_107 = arith.addi %mul3A_2, %add3A_106 : i32
    %dma_start3A_108 = arith.constant 2 : i32
    %dma_start3A_109 = arith.constant 0 : i32
    %dma_start3A_110 = arith.constant 0 : i32
    %dma_start3A_111 = tpu.memref_slice %arg6[%dma_start3A_108, %dma_start3A_109, %dma_start3A_110] : memref<4x16x1024xf32, #tpu.memory_space<vmem>> -> memref<1x16x1024xf32, #tpu.memory_space<vmem>>
    %dma_start3A_112 = tpu.memref_squeeze %dma_start3A_111 : memref<1x16x1024xf32, #tpu.memory_space<vmem>> -> memref<16x1024xf32, #tpu.memory_space<vmem>>
    %dma_start3A_113 = arith.constant 0 : i32
    %dma_start3A_114 = tpu.memref_slice %arg4[%add3A_107, %dma_start3A_113] : memref<32768x1024xf32, #tpu.memory_space<hbm>> -> memref<16x1024xf32, #tpu.memory_space<hbm>>
    %dma_start3A_115 = arith.constant 0 : i32
    %dma_start3A_116 = tpu.memref_slice %arg4[%add3A_107, %dma_start3A_115] : memref<32768x1024xf32, #tpu.memory_space<hbm>> -> memref<16x1024xf32, #tpu.memory_space<hbm>>
    %dma_start3A_117 = arith.constant 0 : i32
    %dma_start3A_118 = arith.constant 0 : i32
    %dma_start3A_119 = tpu.memref_slice %arg6[%dma_start3A_108, %dma_start3A_117, %dma_start3A_118] : memref<4x16x1024xf32, #tpu.memory_space<vmem>> -> memref<1x16x1024xf32, #tpu.memory_space<vmem>>
    %dma_start3A_120 = tpu.memref_squeeze %dma_start3A_119 : memref<1x16x1024xf32, #tpu.memory_space<vmem>> -> memref<16x1024xf32, #tpu.memory_space<vmem>>
    tpu.enqueue_dma source(%dma_start3A_120 : memref<16x1024xf32, #tpu.memory_space<vmem>>) target(%dma_start3A_116 : memref<16x1024xf32, #tpu.memory_space<hbm>>) target_semaphore(%arg13 : memref<!tpu.dma_semaphore, #tpu.memory_space<semaphore_mem>>)
    %dma_wait3A_121 = arith.constant 3 : i32
    %dma_wait3A_122 = arith.constant 0 : i32
    %dma_wait3A_123 = arith.constant 0 : i32
    %dma_wait3A_124 = tpu.memref_slice %arg6[%dma_wait3A_121, %dma_wait3A_122, %dma_wait3A_123] : memref<4x16x1024xf32, #tpu.memory_space<vmem>> -> memref<1x16x1024xf32, #tpu.memory_space<vmem>>
    %dma_wait3A_125 = tpu.memref_squeeze %dma_wait3A_124 : memref<1x16x1024xf32, #tpu.memory_space<vmem>> -> memref<16x1024xf32, #tpu.memory_space<vmem>>
    %dma_wait3A_126 = arith.constant 0 : i32
    %dma_wait3A_127 = tpu.memref_slice %arg5[%dma_wait3A_126] : memref<768xi32, #tpu.memory_space<vmem>> -> memref<16xi32, #tpu.memory_space<vmem>>
    %dma_wait3A_128 = arith.constant 0 : i32
    %dma_wait3A_129 = arith.constant 0 : i32
    %dma_wait3A_130 = tpu.memref_slice %arg2[%dma_wait3A_128, %dma_wait3A_129] : memref<8192x1024xf32, #tpu.memory_space<hbm>> -> memref<8192x1024xf32, #tpu.memory_space<hbm>>
    tpu.wait_indirect_dma semaphore(%arg10 : memref<!tpu.dma_semaphore, #tpu.memory_space<semaphore_mem>>) src(%dma_wait3A_130 : memref<8192x1024xf32, #tpu.memory_space<hbm>>) dst(%dma_wait3A_125 : memref<16x1024xf32, #tpu.memory_space<vmem>>)
    %add3A_131 = arith.constant 752 : i32
    %add3A_132 = arith.addi %mul3A_2, %add3A_131 : i32
    %dma_start3A_133 = arith.constant 3 : i32
    %dma_start3A_134 = arith.constant 0 : i32
    %dma_start3A_135 = arith.constant 0 : i32
    %dma_start3A_136 = tpu.memref_slice %arg6[%dma_start3A_133, %dma_start3A_134, %dma_start3A_135] : memref<4x16x1024xf32, #tpu.memory_space<vmem>> -> memref<1x16x1024xf32, #tpu.memory_space<vmem>>
    %dma_start3A_137 = tpu.memref_squeeze %dma_start3A_136 : memref<1x16x1024xf32, #tpu.memory_space<vmem>> -> memref<16x1024xf32, #tpu.memory_space<vmem>>
    %dma_start3A_138 = arith.constant 0 : i32
    %dma_start3A_139 = tpu.memref_slice %arg4[%add3A_132, %dma_start3A_138] : memref<32768x1024xf32, #tpu.memory_space<hbm>> -> memref<16x1024xf32, #tpu.memory_space<hbm>>
    %dma_start3A_140 = arith.constant 0 : i32
    %dma_start3A_141 = tpu.memref_slice %arg4[%add3A_132, %dma_start3A_140] : memref<32768x1024xf32, #tpu.memory_space<hbm>> -> memref<16x1024xf32, #tpu.memory_space<hbm>>
    %dma_start3A_142 = arith.constant 0 : i32
    %dma_start3A_143 = arith.constant 0 : i32
    %dma_start3A_144 = tpu.memref_slice %arg6[%dma_start3A_133, %dma_start3A_142, %dma_start3A_143] : memref<4x16x1024xf32, #tpu.memory_space<vmem>> -> memref<1x16x1024xf32, #tpu.memory_space<vmem>>
    %dma_start3A_145 = tpu.memref_squeeze %dma_start3A_144 : memref<1x16x1024xf32, #tpu.memory_space<vmem>> -> memref<16x1024xf32, #tpu.memory_space<vmem>>
    tpu.enqueue_dma source(%dma_start3A_145 : memref<16x1024xf32, #tpu.memory_space<vmem>>) target(%dma_start3A_141 : memref<16x1024xf32, #tpu.memory_space<hbm>>) target_semaphore(%arg14 : memref<!tpu.dma_semaphore, #tpu.memory_space<semaphore_mem>>)
    %dma_wait3A_146 = arith.constant 0 : i32
    %dma_wait3A_147 = arith.constant 0 : i32
    %dma_wait3A_148 = arith.constant 0 : i32
    %dma_wait3A_149 = tpu.memref_slice %arg6[%dma_wait3A_146, %dma_wait3A_147, %dma_wait3A_148] : memref<4x16x1024xf32, #tpu.memory_space<vmem>> -> memref<1x16x1024xf32, #tpu.memory_space<vmem>>
    %dma_wait3A_150 = tpu.memref_squeeze %dma_wait3A_149 : memref<1x16x1024xf32, #tpu.memory_space<vmem>> -> memref<16x1024xf32, #tpu.memory_space<vmem>>
    %dma_wait3A_151 = arith.constant 0 : i32
    %dma_wait3A_152 = arith.constant 0 : i32
    %dma_wait3A_153 = tpu.memref_slice %arg4[%dma_wait3A_151, %dma_wait3A_152] : memref<32768x1024xf32, #tpu.memory_space<hbm>> -> memref<16x1024xf32, #tpu.memory_space<hbm>>
    %dma_wait3A_154 = arith.constant 0 : i32
    %dma_wait3A_155 = arith.constant 0 : i32
    %dma_wait3A_156 = tpu.memref_slice %arg4[%dma_wait3A_154, %dma_wait3A_155] : memref<32768x1024xf32, #tpu.memory_space<hbm>> -> memref<16x1024xf32, #tpu.memory_space<hbm>>
    %dma_wait3A_157 = arith.constant 0 : i32
    %dma_wait3A_158 = arith.constant 0 : i32
    %dma_wait3A_159 = tpu.memref_slice %arg6[%dma_wait3A_146, %dma_wait3A_157, %dma_wait3A_158] : memref<4x16x1024xf32, #tpu.memory_space<vmem>> -> memref<1x16x1024xf32, #tpu.memory_space<vmem>>
    %dma_wait3A_160 = tpu.memref_squeeze %dma_wait3A_159 : memref<1x16x1024xf32, #tpu.memory_space<vmem>> -> memref<16x1024xf32, #tpu.memory_space<vmem>>
    tpu.wait_dma2 semaphore(%arg11 : memref<!tpu.dma_semaphore, #tpu.memory_space<semaphore_mem>>) src(%dma_wait3A_160 : memref<16x1024xf32, #tpu.memory_space<vmem>>) dst(%dma_wait3A_156 : memref<16x1024xf32, #tpu.memory_space<hbm>>)
    %dma_wait3A_161 = arith.constant 1 : i32
    %dma_wait3A_162 = arith.constant 0 : i32
    %dma_wait3A_163 = arith.constant 0 : i32
    %dma_wait3A_164 = tpu.memref_slice %arg6[%dma_wait3A_161, %dma_wait3A_162, %dma_wait3A_163] : memref<4x16x1024xf32, #tpu.memory_space<vmem>> -> memref<1x16x1024xf32, #tpu.memory_space<vmem>>
    %dma_wait3A_165 = tpu.memref_squeeze %dma_wait3A_164 : memref<1x16x1024xf32, #tpu.memory_space<vmem>> -> memref<16x1024xf32, #tpu.memory_space<vmem>>
    %dma_wait3A_166 = arith.constant 0 : i32
    %dma_wait3A_167 = arith.constant 0 : i32
    %dma_wait3A_168 = tpu.memref_slice %arg4[%dma_wait3A_166, %dma_wait3A_167] : memref<32768x1024xf32, #tpu.memory_space<hbm>> -> memref<16x1024xf32, #tpu.memory_space<hbm>>
    %dma_wait3A_169 = arith.constant 0 : i32
    %dma_wait3A_170 = arith.constant 0 : i32
    %dma_wait3A_171 = tpu.memref_slice %arg4[%dma_wait3A_169, %dma_wait3A_170] : memref<32768x1024xf32, #tpu.memory_space<hbm>> -> memref<16x1024xf32, #tpu.memory_space<hbm>>
    %dma_wait3A_172 = arith.constant 0 : i32
    %dma_wait3A_173 = arith.constant 0 : i32
    %dma_wait3A_174 = tpu.memref_slice %arg6[%dma_wait3A_161, %dma_wait3A_172, %dma_wait3A_173] : memref<4x16x1024xf32, #tpu.memory_space<vmem>> -> memref<1x16x1024xf32, #tpu.memory_space<vmem>>
    %dma_wait3A_175 = tpu.memref_squeeze %dma_wait3A_174 : memref<1x16x1024xf32, #tpu.memory_space<vmem>> -> memref<16x1024xf32, #tpu.memory_space<vmem>>
    tpu.wait_dma2 semaphore(%arg12 : memref<!tpu.dma_semaphore, #tpu.memory_space<semaphore_mem>>) src(%dma_wait3A_175 : memref<16x1024xf32, #tpu.memory_space<vmem>>) dst(%dma_wait3A_171 : memref<16x1024xf32, #tpu.memory_space<hbm>>)
    %dma_wait3A_176 = arith.constant 2 : i32
    %dma_wait3A_177 = arith.constant 0 : i32
    %dma_wait3A_178 = arith.constant 0 : i32
    %dma_wait3A_179 = tpu.memref_slice %arg6[%dma_wait3A_176, %dma_wait3A_177, %dma_wait3A_178] : memref<4x16x1024xf32, #tpu.memory_space<vmem>> -> memref<1x16x1024xf32, #tpu.memory_space<vmem>>
    %dma_wait3A_180 = tpu.memref_squeeze %dma_wait3A_179 : memref<1x16x1024xf32, #tpu.memory_space<vmem>> -> memref<16x1024xf32, #tpu.memory_space<vmem>>
    %dma_wait3A_181 = arith.constant 0 : i32
    %dma_wait3A_182 = arith.constant 0 : i32
    %dma_wait3A_183 = tpu.memref_slice %arg4[%dma_wait3A_181, %dma_wait3A_182] : memref<32768x1024xf32, #tpu.memory_space<hbm>> -> memref<16x1024xf32, #tpu.memory_space<hbm>>
    %dma_wait3A_184 = arith.constant 0 : i32
    %dma_wait3A_185 = arith.constant 0 : i32
    %dma_wait3A_186 = tpu.memref_slice %arg4[%dma_wait3A_184, %dma_wait3A_185] : memref<32768x1024xf32, #tpu.memory_space<hbm>> -> memref<16x1024xf32, #tpu.memory_space<hbm>>
    %dma_wait3A_187 = arith.constant 0 : i32
    %dma_wait3A_188 = arith.constant 0 : i32
    %dma_wait3A_189 = tpu.memref_slice %arg6[%dma_wait3A_176, %dma_wait3A_187, %dma_wait3A_188] : memref<4x16x1024xf32, #tpu.memory_space<vmem>> -> memref<1x16x1024xf32, #tpu.memory_space<vmem>>
    %dma_wait3A_190 = tpu.memref_squeeze %dma_wait3A_189 : memref<1x16x1024xf32, #tpu.memory_space<vmem>> -> memref<16x1024xf32, #tpu.memory_space<vmem>>
    tpu.wait_dma2 semaphore(%arg13 : memref<!tpu.dma_semaphore, #tpu.memory_space<semaphore_mem>>) src(%dma_wait3A_190 : memref<16x1024xf32, #tpu.memory_space<vmem>>) dst(%dma_wait3A_186 : memref<16x1024xf32, #tpu.memory_space<hbm>>)
    %dma_wait3A_191 = arith.constant 3 : i32
    %dma_wait3A_192 = arith.constant 0 : i32
    %dma_wait3A_193 = arith.constant 0 : i32
    %dma_wait3A_194 = tpu.memref_slice %arg6[%dma_wait3A_191, %dma_wait3A_192, %dma_wait3A_193] : memref<4x16x1024xf32, #tpu.memory_space<vmem>> -> memref<1x16x1024xf32, #tpu.memory_space<vmem>>
    %dma_wait3A_195 = tpu.memref_squeeze %dma_wait3A_194 : memref<1x16x1024xf32, #tpu.memory_space<vmem>> -> memref<16x1024xf32, #tpu.memory_space<vmem>>
    %dma_wait3A_196 = arith.constant 0 : i32
    %dma_wait3A_197 = arith.constant 0 : i32
    %dma_wait3A_198 = tpu.memref_slice %arg4[%dma_wait3A_196, %dma_wait3A_197] : memref<32768x1024xf32, #tpu.memory_space<hbm>> -> memref<16x1024xf32, #tpu.memory_space<hbm>>
    %dma_wait3A_199 = arith.constant 0 : i32
    %dma_wait3A_200 = arith.constant 0 : i32
    %dma_wait3A_201 = tpu.memref_slice %arg4[%dma_wait3A_199, %dma_wait3A_200] : memref<32768x1024xf32, #tpu.memory_space<hbm>> -> memref<16x1024xf32, #tpu.memory_space<hbm>>
    %dma_wait3A_202 = arith.constant 0 : i32
    %dma_wait3A_203 = arith.constant 0 : i32
    %dma_wait3A_204 = tpu.memref_slice %arg6[%dma_wait3A_191, %dma_wait3A_202, %dma_wait3A_203] : memref<4x16x1024xf32, #tpu.memory_space<vmem>> -> memref<1x16x1024xf32, #tpu.memory_space<vmem>>
    %dma_wait3A_205 = tpu.memref_squeeze %dma_wait3A_204 : memref<1x16x1024xf32, #tpu.memory_space<vmem>> -> memref<16x1024xf32, #tpu.memory_space<vmem>>
    tpu.wait_dma2 semaphore(%arg14 : memref<!tpu.dma_semaphore, #tpu.memory_space<semaphore_mem>>) src(%dma_wait3A_205 : memref<16x1024xf32, #tpu.memory_space<vmem>>) dst(%dma_wait3A_201 : memref<16x1024xf32, #tpu.memory_space<hbm>>)
    return
  }
}

module attributes {stable_mosaic.version = 14 : i64} {
  func.func @body(%arg0: memref<8192xi32, #tpu.memory_space<smem>>, %arg1: memref<8192x1024xf32, #tpu.memory_space<hbm>>, %arg2: memref<8192x1024xf32, #tpu.memory_space<hbm>>, %arg3: memref<4x16x1024xf32, #tpu.memory_space<vmem>>, %arg4: memref<!tpu.dma_semaphore, #tpu.memory_space<semaphore_mem>>, %arg5: memref<!tpu.dma_semaphore, #tpu.memory_space<semaphore_mem>>, %arg6: memref<!tpu.dma_semaphore, #tpu.memory_space<semaphore_mem>>, %arg7: memref<!tpu.dma_semaphore, #tpu.memory_space<semaphore_mem>>, %arg8: memref<!tpu.dma_semaphore, #tpu.memory_space<semaphore_mem>>, %arg9: memref<!tpu.dma_semaphore, #tpu.memory_space<semaphore_mem>>, %arg10: memref<!tpu.dma_semaphore, #tpu.memory_space<semaphore_mem>>, %arg11: memref<!tpu.dma_semaphore, #tpu.memory_space<semaphore_mem>>) attributes {dimension_semantics = [], scalar_prefetch = 0 : i64, scratch_operands = 9 : i64, tpu.core_type = #tpu.core_type<tc>} {
    %get3A = arith.constant 0 : index
    %get3A_0 = memref.load %arg0[%get3A] : memref<8192xi32, #tpu.memory_space<smem>>
    %dma_start3A = arith.constant 0 : i32
    %dma_start3A_1 = arith.constant 0 : i32
    %dma_start3A_2 = arith.constant 0 : i32
    %dma_start3A_3 = tpu.memref_slice %arg3[%dma_start3A, %dma_start3A_1, %dma_start3A_2] : memref<4x16x1024xf32, #tpu.memory_space<vmem>> -> memref<1x1x1024xf32, #tpu.memory_space<vmem>>
    %dma_start3A_4 = tpu.memref_squeeze %dma_start3A_3 : memref<1x1x1024xf32, #tpu.memory_space<vmem>> -> memref<1x1024xf32, #tpu.memory_space<vmem>>
    %dma_start3A_5 = arith.constant 0 : i32
    %dma_start3A_6 = tpu.memref_slice %arg1[%get3A_0, %dma_start3A_5] : memref<8192x1024xf32, #tpu.memory_space<hbm>> -> memref<1x1024xf32, #tpu.memory_space<hbm>>
    tpu.enqueue_dma source(%dma_start3A_6 : memref<1x1024xf32, #tpu.memory_space<hbm>>) target(%dma_start3A_4 : memref<1x1024xf32, #tpu.memory_space<vmem>>) target_semaphore(%arg4 : memref<!tpu.dma_semaphore, #tpu.memory_space<semaphore_mem>>)
    %get3A_7 = arith.constant 1 : index
    %get3A_8 = memref.load %arg0[%get3A_7] : memref<8192xi32, #tpu.memory_space<smem>>
    %dma_start3A_9 = arith.constant 0 : i32
    %dma_start3A_10 = arith.constant 1 : i32
    %dma_start3A_11 = arith.constant 0 : i32
    %dma_start3A_12 = tpu.memref_slice %arg3[%dma_start3A_9, %dma_start3A_10, %dma_start3A_11] : memref<4x16x1024xf32, #tpu.memory_space<vmem>> -> memref<1x1x1024xf32, #tpu.memory_space<vmem>>
    %dma_start3A_13 = tpu.memref_squeeze %dma_start3A_12 : memref<1x1x1024xf32, #tpu.memory_space<vmem>> -> memref<1x1024xf32, #tpu.memory_space<vmem>>
    %dma_start3A_14 = arith.constant 0 : i32
    %dma_start3A_15 = tpu.memref_slice %arg1[%get3A_8, %dma_start3A_14] : memref<8192x1024xf32, #tpu.memory_space<hbm>> -> memref<1x1024xf32, #tpu.memory_space<hbm>>
    tpu.enqueue_dma source(%dma_start3A_15 : memref<1x1024xf32, #tpu.memory_space<hbm>>) target(%dma_start3A_13 : memref<1x1024xf32, #tpu.memory_space<vmem>>) target_semaphore(%arg4 : memref<!tpu.dma_semaphore, #tpu.memory_space<semaphore_mem>>)
    %get3A_16 = arith.constant 2 : index
    %get3A_17 = memref.load %arg0[%get3A_16] : memref<8192xi32, #tpu.memory_space<smem>>
    %dma_start3A_18 = arith.constant 0 : i32
    %dma_start3A_19 = arith.constant 2 : i32
    %dma_start3A_20 = arith.constant 0 : i32
    %dma_start3A_21 = tpu.memref_slice %arg3[%dma_start3A_18, %dma_start3A_19, %dma_start3A_20] : memref<4x16x1024xf32, #tpu.memory_space<vmem>> -> memref<1x1x1024xf32, #tpu.memory_space<vmem>>
    %dma_start3A_22 = tpu.memref_squeeze %dma_start3A_21 : memref<1x1x1024xf32, #tpu.memory_space<vmem>> -> memref<1x1024xf32, #tpu.memory_space<vmem>>
    %dma_start3A_23 = arith.constant 0 : i32
    %dma_start3A_24 = tpu.memref_slice %arg1[%get3A_17, %dma_start3A_23] : memref<8192x1024xf32, #tpu.memory_space<hbm>> -> memref<1x1024xf32, #tpu.memory_space<hbm>>
    tpu.enqueue_dma source(%dma_start3A_24 : memref<1x1024xf32, #tpu.memory_space<hbm>>) target(%dma_start3A_22 : memref<1x1024xf32, #tpu.memory_space<vmem>>) target_semaphore(%arg4 : memref<!tpu.dma_semaphore, #tpu.memory_space<semaphore_mem>>)
    %get3A_25 = arith.constant 3 : index
    %get3A_26 = memref.load %arg0[%get3A_25] : memref<8192xi32, #tpu.memory_space<smem>>
    %dma_start3A_27 = arith.constant 0 : i32
    %dma_start3A_28 = arith.constant 3 : i32
    %dma_start3A_29 = arith.constant 0 : i32
    %dma_start3A_30 = tpu.memref_slice %arg3[%dma_start3A_27, %dma_start3A_28, %dma_start3A_29] : memref<4x16x1024xf32, #tpu.memory_space<vmem>> -> memref<1x1x1024xf32, #tpu.memory_space<vmem>>
    %dma_start3A_31 = tpu.memref_squeeze %dma_start3A_30 : memref<1x1x1024xf32, #tpu.memory_space<vmem>> -> memref<1x1024xf32, #tpu.memory_space<vmem>>
    %dma_start3A_32 = arith.constant 0 : i32
    %dma_start3A_33 = tpu.memref_slice %arg1[%get3A_26, %dma_start3A_32] : memref<8192x1024xf32, #tpu.memory_space<hbm>> -> memref<1x1024xf32, #tpu.memory_space<hbm>>
    tpu.enqueue_dma source(%dma_start3A_33 : memref<1x1024xf32, #tpu.memory_space<hbm>>) target(%dma_start3A_31 : memref<1x1024xf32, #tpu.memory_space<vmem>>) target_semaphore(%arg4 : memref<!tpu.dma_semaphore, #tpu.memory_space<semaphore_mem>>)
    %get3A_34 = arith.constant 4 : index
    %get3A_35 = memref.load %arg0[%get3A_34] : memref<8192xi32, #tpu.memory_space<smem>>
    %dma_start3A_36 = arith.constant 0 : i32
    %dma_start3A_37 = arith.constant 4 : i32
    %dma_start3A_38 = arith.constant 0 : i32
    %dma_start3A_39 = tpu.memref_slice %arg3[%dma_start3A_36, %dma_start3A_37, %dma_start3A_38] : memref<4x16x1024xf32, #tpu.memory_space<vmem>> -> memref<1x1x1024xf32, #tpu.memory_space<vmem>>
    %dma_start3A_40 = tpu.memref_squeeze %dma_start3A_39 : memref<1x1x1024xf32, #tpu.memory_space<vmem>> -> memref<1x1024xf32, #tpu.memory_space<vmem>>
    %dma_start3A_41 = arith.constant 0 : i32
    %dma_start3A_42 = tpu.memref_slice %arg1[%get3A_35, %dma_start3A_41] : memref<8192x1024xf32, #tpu.memory_space<hbm>> -> memref<1x1024xf32, #tpu.memory_space<hbm>>
    tpu.enqueue_dma source(%dma_start3A_42 : memref<1x1024xf32, #tpu.memory_space<hbm>>) target(%dma_start3A_40 : memref<1x1024xf32, #tpu.memory_space<vmem>>) target_semaphore(%arg4 : memref<!tpu.dma_semaphore, #tpu.memory_space<semaphore_mem>>)
    %get3A_43 = arith.constant 5 : index
    %get3A_44 = memref.load %arg0[%get3A_43] : memref<8192xi32, #tpu.memory_space<smem>>
    %dma_start3A_45 = arith.constant 0 : i32
    %dma_start3A_46 = arith.constant 5 : i32
    %dma_start3A_47 = arith.constant 0 : i32
    %dma_start3A_48 = tpu.memref_slice %arg3[%dma_start3A_45, %dma_start3A_46, %dma_start3A_47] : memref<4x16x1024xf32, #tpu.memory_space<vmem>> -> memref<1x1x1024xf32, #tpu.memory_space<vmem>>
    %dma_start3A_49 = tpu.memref_squeeze %dma_start3A_48 : memref<1x1x1024xf32, #tpu.memory_space<vmem>> -> memref<1x1024xf32, #tpu.memory_space<vmem>>
    %dma_start3A_50 = arith.constant 0 : i32
    %dma_start3A_51 = tpu.memref_slice %arg1[%get3A_44, %dma_start3A_50] : memref<8192x1024xf32, #tpu.memory_space<hbm>> -> memref<1x1024xf32, #tpu.memory_space<hbm>>
    tpu.enqueue_dma source(%dma_start3A_51 : memref<1x1024xf32, #tpu.memory_space<hbm>>) target(%dma_start3A_49 : memref<1x1024xf32, #tpu.memory_space<vmem>>) target_semaphore(%arg4 : memref<!tpu.dma_semaphore, #tpu.memory_space<semaphore_mem>>)
    %get3A_52 = arith.constant 6 : index
    %get3A_53 = memref.load %arg0[%get3A_52] : memref<8192xi32, #tpu.memory_space<smem>>
    %dma_start3A_54 = arith.constant 0 : i32
    %dma_start3A_55 = arith.constant 6 : i32
    %dma_start3A_56 = arith.constant 0 : i32
    %dma_start3A_57 = tpu.memref_slice %arg3[%dma_start3A_54, %dma_start3A_55, %dma_start3A_56] : memref<4x16x1024xf32, #tpu.memory_space<vmem>> -> memref<1x1x1024xf32, #tpu.memory_space<vmem>>
    %dma_start3A_58 = tpu.memref_squeeze %dma_start3A_57 : memref<1x1x1024xf32, #tpu.memory_space<vmem>> -> memref<1x1024xf32, #tpu.memory_space<vmem>>
    %dma_start3A_59 = arith.constant 0 : i32
    %dma_start3A_60 = tpu.memref_slice %arg1[%get3A_53, %dma_start3A_59] : memref<8192x1024xf32, #tpu.memory_space<hbm>> -> memref<1x1024xf32, #tpu.memory_space<hbm>>
    tpu.enqueue_dma source(%dma_start3A_60 : memref<1x1024xf32, #tpu.memory_space<hbm>>) target(%dma_start3A_58 : memref<1x1024xf32, #tpu.memory_space<vmem>>) target_semaphore(%arg4 : memref<!tpu.dma_semaphore, #tpu.memory_space<semaphore_mem>>)
    %get3A_61 = arith.constant 7 : index
    %get3A_62 = memref.load %arg0[%get3A_61] : memref<8192xi32, #tpu.memory_space<smem>>
    %dma_start3A_63 = arith.constant 0 : i32
    %dma_start3A_64 = arith.constant 7 : i32
    %dma_start3A_65 = arith.constant 0 : i32
    %dma_start3A_66 = tpu.memref_slice %arg3[%dma_start3A_63, %dma_start3A_64, %dma_start3A_65] : memref<4x16x1024xf32, #tpu.memory_space<vmem>> -> memref<1x1x1024xf32, #tpu.memory_space<vmem>>
    %dma_start3A_67 = tpu.memref_squeeze %dma_start3A_66 : memref<1x1x1024xf32, #tpu.memory_space<vmem>> -> memref<1x1024xf32, #tpu.memory_space<vmem>>
    %dma_start3A_68 = arith.constant 0 : i32
    %dma_start3A_69 = tpu.memref_slice %arg1[%get3A_62, %dma_start3A_68] : memref<8192x1024xf32, #tpu.memory_space<hbm>> -> memref<1x1024xf32, #tpu.memory_space<hbm>>
    tpu.enqueue_dma source(%dma_start3A_69 : memref<1x1024xf32, #tpu.memory_space<hbm>>) target(%dma_start3A_67 : memref<1x1024xf32, #tpu.memory_space<vmem>>) target_semaphore(%arg4 : memref<!tpu.dma_semaphore, #tpu.memory_space<semaphore_mem>>)
    %get3A_70 = arith.constant 8 : index
    %get3A_71 = memref.load %arg0[%get3A_70] : memref<8192xi32, #tpu.memory_space<smem>>
    %dma_start3A_72 = arith.constant 0 : i32
    %dma_start3A_73 = arith.constant 8 : i32
    %dma_start3A_74 = arith.constant 0 : i32
    %dma_start3A_75 = tpu.memref_slice %arg3[%dma_start3A_72, %dma_start3A_73, %dma_start3A_74] : memref<4x16x1024xf32, #tpu.memory_space<vmem>> -> memref<1x1x1024xf32, #tpu.memory_space<vmem>>
    %dma_start3A_76 = tpu.memref_squeeze %dma_start3A_75 : memref<1x1x1024xf32, #tpu.memory_space<vmem>> -> memref<1x1024xf32, #tpu.memory_space<vmem>>
    %dma_start3A_77 = arith.constant 0 : i32
    %dma_start3A_78 = tpu.memref_slice %arg1[%get3A_71, %dma_start3A_77] : memref<8192x1024xf32, #tpu.memory_space<hbm>> -> memref<1x1024xf32, #tpu.memory_space<hbm>>
    tpu.enqueue_dma source(%dma_start3A_78 : memref<1x1024xf32, #tpu.memory_space<hbm>>) target(%dma_start3A_76 : memref<1x1024xf32, #tpu.memory_space<vmem>>) target_semaphore(%arg4 : memref<!tpu.dma_semaphore, #tpu.memory_space<semaphore_mem>>)
    %get3A_79 = arith.constant 9 : index
    %get3A_80 = memref.load %arg0[%get3A_79] : memref<8192xi32, #tpu.memory_space<smem>>
    %dma_start3A_81 = arith.constant 0 : i32
    %dma_start3A_82 = arith.constant 9 : i32
    %dma_start3A_83 = arith.constant 0 : i32
    %dma_start3A_84 = tpu.memref_slice %arg3[%dma_start3A_81, %dma_start3A_82, %dma_start3A_83] : memref<4x16x1024xf32, #tpu.memory_space<vmem>> -> memref<1x1x1024xf32, #tpu.memory_space<vmem>>
    %dma_start3A_85 = tpu.memref_squeeze %dma_start3A_84 : memref<1x1x1024xf32, #tpu.memory_space<vmem>> -> memref<1x1024xf32, #tpu.memory_space<vmem>>
    %dma_start3A_86 = arith.constant 0 : i32
    %dma_start3A_87 = tpu.memref_slice %arg1[%get3A_80, %dma_start3A_86] : memref<8192x1024xf32, #tpu.memory_space<hbm>> -> memref<1x1024xf32, #tpu.memory_space<hbm>>
    tpu.enqueue_dma source(%dma_start3A_87 : memref<1x1024xf32, #tpu.memory_space<hbm>>) target(%dma_start3A_85 : memref<1x1024xf32, #tpu.memory_space<vmem>>) target_semaphore(%arg4 : memref<!tpu.dma_semaphore, #tpu.memory_space<semaphore_mem>>)
    %get3A_88 = arith.constant 10 : index
    %get3A_89 = memref.load %arg0[%get3A_88] : memref<8192xi32, #tpu.memory_space<smem>>
    %dma_start3A_90 = arith.constant 0 : i32
    %dma_start3A_91 = arith.constant 10 : i32
    %dma_start3A_92 = arith.constant 0 : i32
    %dma_start3A_93 = tpu.memref_slice %arg3[%dma_start3A_90, %dma_start3A_91, %dma_start3A_92] : memref<4x16x1024xf32, #tpu.memory_space<vmem>> -> memref<1x1x1024xf32, #tpu.memory_space<vmem>>
    %dma_start3A_94 = tpu.memref_squeeze %dma_start3A_93 : memref<1x1x1024xf32, #tpu.memory_space<vmem>> -> memref<1x1024xf32, #tpu.memory_space<vmem>>
    %dma_start3A_95 = arith.constant 0 : i32
    %dma_start3A_96 = tpu.memref_slice %arg1[%get3A_89, %dma_start3A_95] : memref<8192x1024xf32, #tpu.memory_space<hbm>> -> memref<1x1024xf32, #tpu.memory_space<hbm>>
    tpu.enqueue_dma source(%dma_start3A_96 : memref<1x1024xf32, #tpu.memory_space<hbm>>) target(%dma_start3A_94 : memref<1x1024xf32, #tpu.memory_space<vmem>>) target_semaphore(%arg4 : memref<!tpu.dma_semaphore, #tpu.memory_space<semaphore_mem>>)
    %get3A_97 = arith.constant 11 : index
    %get3A_98 = memref.load %arg0[%get3A_97] : memref<8192xi32, #tpu.memory_space<smem>>
    %dma_start3A_99 = arith.constant 0 : i32
    %dma_start3A_100 = arith.constant 11 : i32
    %dma_start3A_101 = arith.constant 0 : i32
    %dma_start3A_102 = tpu.memref_slice %arg3[%dma_start3A_99, %dma_start3A_100, %dma_start3A_101] : memref<4x16x1024xf32, #tpu.memory_space<vmem>> -> memref<1x1x1024xf32, #tpu.memory_space<vmem>>
    %dma_start3A_103 = tpu.memref_squeeze %dma_start3A_102 : memref<1x1x1024xf32, #tpu.memory_space<vmem>> -> memref<1x1024xf32, #tpu.memory_space<vmem>>
    %dma_start3A_104 = arith.constant 0 : i32
    %dma_start3A_105 = tpu.memref_slice %arg1[%get3A_98, %dma_start3A_104] : memref<8192x1024xf32, #tpu.memory_space<hbm>> -> memref<1x1024xf32, #tpu.memory_space<hbm>>
    tpu.enqueue_dma source(%dma_start3A_105 : memref<1x1024xf32, #tpu.memory_space<hbm>>) target(%dma_start3A_103 : memref<1x1024xf32, #tpu.memory_space<vmem>>) target_semaphore(%arg4 : memref<!tpu.dma_semaphore, #tpu.memory_space<semaphore_mem>>)
    %get3A_106 = arith.constant 12 : index
    %get3A_107 = memref.load %arg0[%get3A_106] : memref<8192xi32, #tpu.memory_space<smem>>
    %dma_start3A_108 = arith.constant 0 : i32
    %dma_start3A_109 = arith.constant 12 : i32
    %dma_start3A_110 = arith.constant 0 : i32
    %dma_start3A_111 = tpu.memref_slice %arg3[%dma_start3A_108, %dma_start3A_109, %dma_start3A_110] : memref<4x16x1024xf32, #tpu.memory_space<vmem>> -> memref<1x1x1024xf32, #tpu.memory_space<vmem>>
    %dma_start3A_112 = tpu.memref_squeeze %dma_start3A_111 : memref<1x1x1024xf32, #tpu.memory_space<vmem>> -> memref<1x1024xf32, #tpu.memory_space<vmem>>
    %dma_start3A_113 = arith.constant 0 : i32
    %dma_start3A_114 = tpu.memref_slice %arg1[%get3A_107, %dma_start3A_113] : memref<8192x1024xf32, #tpu.memory_space<hbm>> -> memref<1x1024xf32, #tpu.memory_space<hbm>>
    tpu.enqueue_dma source(%dma_start3A_114 : memref<1x1024xf32, #tpu.memory_space<hbm>>) target(%dma_start3A_112 : memref<1x1024xf32, #tpu.memory_space<vmem>>) target_semaphore(%arg4 : memref<!tpu.dma_semaphore, #tpu.memory_space<semaphore_mem>>)
    %get3A_115 = arith.constant 13 : index
    %get3A_116 = memref.load %arg0[%get3A_115] : memref<8192xi32, #tpu.memory_space<smem>>
    %dma_start3A_117 = arith.constant 0 : i32
    %dma_start3A_118 = arith.constant 13 : i32
    %dma_start3A_119 = arith.constant 0 : i32
    %dma_start3A_120 = tpu.memref_slice %arg3[%dma_start3A_117, %dma_start3A_118, %dma_start3A_119] : memref<4x16x1024xf32, #tpu.memory_space<vmem>> -> memref<1x1x1024xf32, #tpu.memory_space<vmem>>
    %dma_start3A_121 = tpu.memref_squeeze %dma_start3A_120 : memref<1x1x1024xf32, #tpu.memory_space<vmem>> -> memref<1x1024xf32, #tpu.memory_space<vmem>>
    %dma_start3A_122 = arith.constant 0 : i32
    %dma_start3A_123 = tpu.memref_slice %arg1[%get3A_116, %dma_start3A_122] : memref<8192x1024xf32, #tpu.memory_space<hbm>> -> memref<1x1024xf32, #tpu.memory_space<hbm>>
    tpu.enqueue_dma source(%dma_start3A_123 : memref<1x1024xf32, #tpu.memory_space<hbm>>) target(%dma_start3A_121 : memref<1x1024xf32, #tpu.memory_space<vmem>>) target_semaphore(%arg4 : memref<!tpu.dma_semaphore, #tpu.memory_space<semaphore_mem>>)
    %get3A_124 = arith.constant 14 : index
    %get3A_125 = memref.load %arg0[%get3A_124] : memref<8192xi32, #tpu.memory_space<smem>>
    %dma_start3A_126 = arith.constant 0 : i32
    %dma_start3A_127 = arith.constant 14 : i32
    %dma_start3A_128 = arith.constant 0 : i32
    %dma_start3A_129 = tpu.memref_slice %arg3[%dma_start3A_126, %dma_start3A_127, %dma_start3A_128] : memref<4x16x1024xf32, #tpu.memory_space<vmem>> -> memref<1x1x1024xf32, #tpu.memory_space<vmem>>
    %dma_start3A_130 = tpu.memref_squeeze %dma_start3A_129 : memref<1x1x1024xf32, #tpu.memory_space<vmem>> -> memref<1x1024xf32, #tpu.memory_space<vmem>>
    %dma_start3A_131 = arith.constant 0 : i32
    %dma_start3A_132 = tpu.memref_slice %arg1[%get3A_125, %dma_start3A_131] : memref<8192x1024xf32, #tpu.memory_space<hbm>> -> memref<1x1024xf32, #tpu.memory_space<hbm>>
    tpu.enqueue_dma source(%dma_start3A_132 : memref<1x1024xf32, #tpu.memory_space<hbm>>) target(%dma_start3A_130 : memref<1x1024xf32, #tpu.memory_space<vmem>>) target_semaphore(%arg4 : memref<!tpu.dma_semaphore, #tpu.memory_space<semaphore_mem>>)
    %get3A_133 = arith.constant 15 : index
    %get3A_134 = memref.load %arg0[%get3A_133] : memref<8192xi32, #tpu.memory_space<smem>>
    %dma_start3A_135 = arith.constant 0 : i32
    %dma_start3A_136 = arith.constant 15 : i32
    %dma_start3A_137 = arith.constant 0 : i32
    %dma_start3A_138 = tpu.memref_slice %arg3[%dma_start3A_135, %dma_start3A_136, %dma_start3A_137] : memref<4x16x1024xf32, #tpu.memory_space<vmem>> -> memref<1x1x1024xf32, #tpu.memory_space<vmem>>
    %dma_start3A_139 = tpu.memref_squeeze %dma_start3A_138 : memref<1x1x1024xf32, #tpu.memory_space<vmem>> -> memref<1x1024xf32, #tpu.memory_space<vmem>>
    %dma_start3A_140 = arith.constant 0 : i32
    %dma_start3A_141 = tpu.memref_slice %arg1[%get3A_134, %dma_start3A_140] : memref<8192x1024xf32, #tpu.memory_space<hbm>> -> memref<1x1024xf32, #tpu.memory_space<hbm>>
    tpu.enqueue_dma source(%dma_start3A_141 : memref<1x1024xf32, #tpu.memory_space<hbm>>) target(%dma_start3A_139 : memref<1x1024xf32, #tpu.memory_space<vmem>>) target_semaphore(%arg4 : memref<!tpu.dma_semaphore, #tpu.memory_space<semaphore_mem>>)
    %get3A_142 = arith.constant 16 : index
    %get3A_143 = memref.load %arg0[%get3A_142] : memref<8192xi32, #tpu.memory_space<smem>>
    %dma_start3A_144 = arith.constant 1 : i32
    %dma_start3A_145 = arith.constant 0 : i32
    %dma_start3A_146 = arith.constant 0 : i32
    %dma_start3A_147 = tpu.memref_slice %arg3[%dma_start3A_144, %dma_start3A_145, %dma_start3A_146] : memref<4x16x1024xf32, #tpu.memory_space<vmem>> -> memref<1x1x1024xf32, #tpu.memory_space<vmem>>
    %dma_start3A_148 = tpu.memref_squeeze %dma_start3A_147 : memref<1x1x1024xf32, #tpu.memory_space<vmem>> -> memref<1x1024xf32, #tpu.memory_space<vmem>>
    %dma_start3A_149 = arith.constant 0 : i32
    %dma_start3A_150 = tpu.memref_slice %arg1[%get3A_143, %dma_start3A_149] : memref<8192x1024xf32, #tpu.memory_space<hbm>> -> memref<1x1024xf32, #tpu.memory_space<hbm>>
    tpu.enqueue_dma source(%dma_start3A_150 : memref<1x1024xf32, #tpu.memory_space<hbm>>) target(%dma_start3A_148 : memref<1x1024xf32, #tpu.memory_space<vmem>>) target_semaphore(%arg5 : memref<!tpu.dma_semaphore, #tpu.memory_space<semaphore_mem>>)
    %get3A_151 = arith.constant 17 : index
    %get3A_152 = memref.load %arg0[%get3A_151] : memref<8192xi32, #tpu.memory_space<smem>>
    %dma_start3A_153 = arith.constant 1 : i32
    %dma_start3A_154 = arith.constant 1 : i32
    %dma_start3A_155 = arith.constant 0 : i32
    %dma_start3A_156 = tpu.memref_slice %arg3[%dma_start3A_153, %dma_start3A_154, %dma_start3A_155] : memref<4x16x1024xf32, #tpu.memory_space<vmem>> -> memref<1x1x1024xf32, #tpu.memory_space<vmem>>
    %dma_start3A_157 = tpu.memref_squeeze %dma_start3A_156 : memref<1x1x1024xf32, #tpu.memory_space<vmem>> -> memref<1x1024xf32, #tpu.memory_space<vmem>>
    %dma_start3A_158 = arith.constant 0 : i32
    %dma_start3A_159 = tpu.memref_slice %arg1[%get3A_152, %dma_start3A_158] : memref<8192x1024xf32, #tpu.memory_space<hbm>> -> memref<1x1024xf32, #tpu.memory_space<hbm>>
    tpu.enqueue_dma source(%dma_start3A_159 : memref<1x1024xf32, #tpu.memory_space<hbm>>) target(%dma_start3A_157 : memref<1x1024xf32, #tpu.memory_space<vmem>>) target_semaphore(%arg5 : memref<!tpu.dma_semaphore, #tpu.memory_space<semaphore_mem>>)
    %get3A_160 = arith.constant 18 : index
    %get3A_161 = memref.load %arg0[%get3A_160] : memref<8192xi32, #tpu.memory_space<smem>>
    %dma_start3A_162 = arith.constant 1 : i32
    %dma_start3A_163 = arith.constant 2 : i32
    %dma_start3A_164 = arith.constant 0 : i32
    %dma_start3A_165 = tpu.memref_slice %arg3[%dma_start3A_162, %dma_start3A_163, %dma_start3A_164] : memref<4x16x1024xf32, #tpu.memory_space<vmem>> -> memref<1x1x1024xf32, #tpu.memory_space<vmem>>
    %dma_start3A_166 = tpu.memref_squeeze %dma_start3A_165 : memref<1x1x1024xf32, #tpu.memory_space<vmem>> -> memref<1x1024xf32, #tpu.memory_space<vmem>>
    %dma_start3A_167 = arith.constant 0 : i32
    %dma_start3A_168 = tpu.memref_slice %arg1[%get3A_161, %dma_start3A_167] : memref<8192x1024xf32, #tpu.memory_space<hbm>> -> memref<1x1024xf32, #tpu.memory_space<hbm>>
    tpu.enqueue_dma source(%dma_start3A_168 : memref<1x1024xf32, #tpu.memory_space<hbm>>) target(%dma_start3A_166 : memref<1x1024xf32, #tpu.memory_space<vmem>>) target_semaphore(%arg5 : memref<!tpu.dma_semaphore, #tpu.memory_space<semaphore_mem>>)
    %get3A_169 = arith.constant 19 : index
    %get3A_170 = memref.load %arg0[%get3A_169] : memref<8192xi32, #tpu.memory_space<smem>>
    %dma_start3A_171 = arith.constant 1 : i32
    %dma_start3A_172 = arith.constant 3 : i32
    %dma_start3A_173 = arith.constant 0 : i32
    %dma_start3A_174 = tpu.memref_slice %arg3[%dma_start3A_171, %dma_start3A_172, %dma_start3A_173] : memref<4x16x1024xf32, #tpu.memory_space<vmem>> -> memref<1x1x1024xf32, #tpu.memory_space<vmem>>
    %dma_start3A_175 = tpu.memref_squeeze %dma_start3A_174 : memref<1x1x1024xf32, #tpu.memory_space<vmem>> -> memref<1x1024xf32, #tpu.memory_space<vmem>>
    %dma_start3A_176 = arith.constant 0 : i32
    %dma_start3A_177 = tpu.memref_slice %arg1[%get3A_170, %dma_start3A_176] : memref<8192x1024xf32, #tpu.memory_space<hbm>> -> memref<1x1024xf32, #tpu.memory_space<hbm>>
    tpu.enqueue_dma source(%dma_start3A_177 : memref<1x1024xf32, #tpu.memory_space<hbm>>) target(%dma_start3A_175 : memref<1x1024xf32, #tpu.memory_space<vmem>>) target_semaphore(%arg5 : memref<!tpu.dma_semaphore, #tpu.memory_space<semaphore_mem>>)
    %get3A_178 = arith.constant 20 : index
    %get3A_179 = memref.load %arg0[%get3A_178] : memref<8192xi32, #tpu.memory_space<smem>>
    %dma_start3A_180 = arith.constant 1 : i32
    %dma_start3A_181 = arith.constant 4 : i32
    %dma_start3A_182 = arith.constant 0 : i32
    %dma_start3A_183 = tpu.memref_slice %arg3[%dma_start3A_180, %dma_start3A_181, %dma_start3A_182] : memref<4x16x1024xf32, #tpu.memory_space<vmem>> -> memref<1x1x1024xf32, #tpu.memory_space<vmem>>
    %dma_start3A_184 = tpu.memref_squeeze %dma_start3A_183 : memref<1x1x1024xf32, #tpu.memory_space<vmem>> -> memref<1x1024xf32, #tpu.memory_space<vmem>>
    %dma_start3A_185 = arith.constant 0 : i32
    %dma_start3A_186 = tpu.memref_slice %arg1[%get3A_179, %dma_start3A_185] : memref<8192x1024xf32, #tpu.memory_space<hbm>> -> memref<1x1024xf32, #tpu.memory_space<hbm>>
    tpu.enqueue_dma source(%dma_start3A_186 : memref<1x1024xf32, #tpu.memory_space<hbm>>) target(%dma_start3A_184 : memref<1x1024xf32, #tpu.memory_space<vmem>>) target_semaphore(%arg5 : memref<!tpu.dma_semaphore, #tpu.memory_space<semaphore_mem>>)
    %get3A_187 = arith.constant 21 : index
    %get3A_188 = memref.load %arg0[%get3A_187] : memref<8192xi32, #tpu.memory_space<smem>>
    %dma_start3A_189 = arith.constant 1 : i32
    %dma_start3A_190 = arith.constant 5 : i32
    %dma_start3A_191 = arith.constant 0 : i32
    %dma_start3A_192 = tpu.memref_slice %arg3[%dma_start3A_189, %dma_start3A_190, %dma_start3A_191] : memref<4x16x1024xf32, #tpu.memory_space<vmem>> -> memref<1x1x1024xf32, #tpu.memory_space<vmem>>
    %dma_start3A_193 = tpu.memref_squeeze %dma_start3A_192 : memref<1x1x1024xf32, #tpu.memory_space<vmem>> -> memref<1x1024xf32, #tpu.memory_space<vmem>>
    %dma_start3A_194 = arith.constant 0 : i32
    %dma_start3A_195 = tpu.memref_slice %arg1[%get3A_188, %dma_start3A_194] : memref<8192x1024xf32, #tpu.memory_space<hbm>> -> memref<1x1024xf32, #tpu.memory_space<hbm>>
    tpu.enqueue_dma source(%dma_start3A_195 : memref<1x1024xf32, #tpu.memory_space<hbm>>) target(%dma_start3A_193 : memref<1x1024xf32, #tpu.memory_space<vmem>>) target_semaphore(%arg5 : memref<!tpu.dma_semaphore, #tpu.memory_space<semaphore_mem>>)
    %get3A_196 = arith.constant 22 : index
    %get3A_197 = memref.load %arg0[%get3A_196] : memref<8192xi32, #tpu.memory_space<smem>>
    %dma_start3A_198 = arith.constant 1 : i32
    %dma_start3A_199 = arith.constant 6 : i32
    %dma_start3A_200 = arith.constant 0 : i32
    %dma_start3A_201 = tpu.memref_slice %arg3[%dma_start3A_198, %dma_start3A_199, %dma_start3A_200] : memref<4x16x1024xf32, #tpu.memory_space<vmem>> -> memref<1x1x1024xf32, #tpu.memory_space<vmem>>
    %dma_start3A_202 = tpu.memref_squeeze %dma_start3A_201 : memref<1x1x1024xf32, #tpu.memory_space<vmem>> -> memref<1x1024xf32, #tpu.memory_space<vmem>>
    %dma_start3A_203 = arith.constant 0 : i32
    %dma_start3A_204 = tpu.memref_slice %arg1[%get3A_197, %dma_start3A_203] : memref<8192x1024xf32, #tpu.memory_space<hbm>> -> memref<1x1024xf32, #tpu.memory_space<hbm>>
    tpu.enqueue_dma source(%dma_start3A_204 : memref<1x1024xf32, #tpu.memory_space<hbm>>) target(%dma_start3A_202 : memref<1x1024xf32, #tpu.memory_space<vmem>>) target_semaphore(%arg5 : memref<!tpu.dma_semaphore, #tpu.memory_space<semaphore_mem>>)
    %get3A_205 = arith.constant 23 : index
    %get3A_206 = memref.load %arg0[%get3A_205] : memref<8192xi32, #tpu.memory_space<smem>>
    %dma_start3A_207 = arith.constant 1 : i32
    %dma_start3A_208 = arith.constant 7 : i32
    %dma_start3A_209 = arith.constant 0 : i32
    %dma_start3A_210 = tpu.memref_slice %arg3[%dma_start3A_207, %dma_start3A_208, %dma_start3A_209] : memref<4x16x1024xf32, #tpu.memory_space<vmem>> -> memref<1x1x1024xf32, #tpu.memory_space<vmem>>
    %dma_start3A_211 = tpu.memref_squeeze %dma_start3A_210 : memref<1x1x1024xf32, #tpu.memory_space<vmem>> -> memref<1x1024xf32, #tpu.memory_space<vmem>>
    %dma_start3A_212 = arith.constant 0 : i32
    %dma_start3A_213 = tpu.memref_slice %arg1[%get3A_206, %dma_start3A_212] : memref<8192x1024xf32, #tpu.memory_space<hbm>> -> memref<1x1024xf32, #tpu.memory_space<hbm>>
    tpu.enqueue_dma source(%dma_start3A_213 : memref<1x1024xf32, #tpu.memory_space<hbm>>) target(%dma_start3A_211 : memref<1x1024xf32, #tpu.memory_space<vmem>>) target_semaphore(%arg5 : memref<!tpu.dma_semaphore, #tpu.memory_space<semaphore_mem>>)
    %get3A_214 = arith.constant 24 : index
    %get3A_215 = memref.load %arg0[%get3A_214] : memref<8192xi32, #tpu.memory_space<smem>>
    %dma_start3A_216 = arith.constant 1 : i32
    %dma_start3A_217 = arith.constant 8 : i32
    %dma_start3A_218 = arith.constant 0 : i32
    %dma_start3A_219 = tpu.memref_slice %arg3[%dma_start3A_216, %dma_start3A_217, %dma_start3A_218] : memref<4x16x1024xf32, #tpu.memory_space<vmem>> -> memref<1x1x1024xf32, #tpu.memory_space<vmem>>
    %dma_start3A_220 = tpu.memref_squeeze %dma_start3A_219 : memref<1x1x1024xf32, #tpu.memory_space<vmem>> -> memref<1x1024xf32, #tpu.memory_space<vmem>>
    %dma_start3A_221 = arith.constant 0 : i32
    %dma_start3A_222 = tpu.memref_slice %arg1[%get3A_215, %dma_start3A_221] : memref<8192x1024xf32, #tpu.memory_space<hbm>> -> memref<1x1024xf32, #tpu.memory_space<hbm>>
    tpu.enqueue_dma source(%dma_start3A_222 : memref<1x1024xf32, #tpu.memory_space<hbm>>) target(%dma_start3A_220 : memref<1x1024xf32, #tpu.memory_space<vmem>>) target_semaphore(%arg5 : memref<!tpu.dma_semaphore, #tpu.memory_space<semaphore_mem>>)
    %get3A_223 = arith.constant 25 : index
    %get3A_224 = memref.load %arg0[%get3A_223] : memref<8192xi32, #tpu.memory_space<smem>>
    %dma_start3A_225 = arith.constant 1 : i32
    %dma_start3A_226 = arith.constant 9 : i32
    %dma_start3A_227 = arith.constant 0 : i32
    %dma_start3A_228 = tpu.memref_slice %arg3[%dma_start3A_225, %dma_start3A_226, %dma_start3A_227] : memref<4x16x1024xf32, #tpu.memory_space<vmem>> -> memref<1x1x1024xf32, #tpu.memory_space<vmem>>
    %dma_start3A_229 = tpu.memref_squeeze %dma_start3A_228 : memref<1x1x1024xf32, #tpu.memory_space<vmem>> -> memref<1x1024xf32, #tpu.memory_space<vmem>>
    %dma_start3A_230 = arith.constant 0 : i32
    %dma_start3A_231 = tpu.memref_slice %arg1[%get3A_224, %dma_start3A_230] : memref<8192x1024xf32, #tpu.memory_space<hbm>> -> memref<1x1024xf32, #tpu.memory_space<hbm>>
    tpu.enqueue_dma source(%dma_start3A_231 : memref<1x1024xf32, #tpu.memory_space<hbm>>) target(%dma_start3A_229 : memref<1x1024xf32, #tpu.memory_space<vmem>>) target_semaphore(%arg5 : memref<!tpu.dma_semaphore, #tpu.memory_space<semaphore_mem>>)
    %get3A_232 = arith.constant 26 : index
    %get3A_233 = memref.load %arg0[%get3A_232] : memref<8192xi32, #tpu.memory_space<smem>>
    %dma_start3A_234 = arith.constant 1 : i32
    %dma_start3A_235 = arith.constant 10 : i32
    %dma_start3A_236 = arith.constant 0 : i32
    %dma_start3A_237 = tpu.memref_slice %arg3[%dma_start3A_234, %dma_start3A_235, %dma_start3A_236] : memref<4x16x1024xf32, #tpu.memory_space<vmem>> -> memref<1x1x1024xf32, #tpu.memory_space<vmem>>
    %dma_start3A_238 = tpu.memref_squeeze %dma_start3A_237 : memref<1x1x1024xf32, #tpu.memory_space<vmem>> -> memref<1x1024xf32, #tpu.memory_space<vmem>>
    %dma_start3A_239 = arith.constant 0 : i32
    %dma_start3A_240 = tpu.memref_slice %arg1[%get3A_233, %dma_start3A_239] : memref<8192x1024xf32, #tpu.memory_space<hbm>> -> memref<1x1024xf32, #tpu.memory_space<hbm>>
    tpu.enqueue_dma source(%dma_start3A_240 : memref<1x1024xf32, #tpu.memory_space<hbm>>) target(%dma_start3A_238 : memref<1x1024xf32, #tpu.memory_space<vmem>>) target_semaphore(%arg5 : memref<!tpu.dma_semaphore, #tpu.memory_space<semaphore_mem>>)
    %get3A_241 = arith.constant 27 : index
    %get3A_242 = memref.load %arg0[%get3A_241] : memref<8192xi32, #tpu.memory_space<smem>>
    %dma_start3A_243 = arith.constant 1 : i32
    %dma_start3A_244 = arith.constant 11 : i32
    %dma_start3A_245 = arith.constant 0 : i32
    %dma_start3A_246 = tpu.memref_slice %arg3[%dma_start3A_243, %dma_start3A_244, %dma_start3A_245] : memref<4x16x1024xf32, #tpu.memory_space<vmem>> -> memref<1x1x1024xf32, #tpu.memory_space<vmem>>
    %dma_start3A_247 = tpu.memref_squeeze %dma_start3A_246 : memref<1x1x1024xf32, #tpu.memory_space<vmem>> -> memref<1x1024xf32, #tpu.memory_space<vmem>>
    %dma_start3A_248 = arith.constant 0 : i32
    %dma_start3A_249 = tpu.memref_slice %arg1[%get3A_242, %dma_start3A_248] : memref<8192x1024xf32, #tpu.memory_space<hbm>> -> memref<1x1024xf32, #tpu.memory_space<hbm>>
    tpu.enqueue_dma source(%dma_start3A_249 : memref<1x1024xf32, #tpu.memory_space<hbm>>) target(%dma_start3A_247 : memref<1x1024xf32, #tpu.memory_space<vmem>>) target_semaphore(%arg5 : memref<!tpu.dma_semaphore, #tpu.memory_space<semaphore_mem>>)
    %get3A_250 = arith.constant 28 : index
    %get3A_251 = memref.load %arg0[%get3A_250] : memref<8192xi32, #tpu.memory_space<smem>>
    %dma_start3A_252 = arith.constant 1 : i32
    %dma_start3A_253 = arith.constant 12 : i32
    %dma_start3A_254 = arith.constant 0 : i32
    %dma_start3A_255 = tpu.memref_slice %arg3[%dma_start3A_252, %dma_start3A_253, %dma_start3A_254] : memref<4x16x1024xf32, #tpu.memory_space<vmem>> -> memref<1x1x1024xf32, #tpu.memory_space<vmem>>
    %dma_start3A_256 = tpu.memref_squeeze %dma_start3A_255 : memref<1x1x1024xf32, #tpu.memory_space<vmem>> -> memref<1x1024xf32, #tpu.memory_space<vmem>>
    %dma_start3A_257 = arith.constant 0 : i32
    %dma_start3A_258 = tpu.memref_slice %arg1[%get3A_251, %dma_start3A_257] : memref<8192x1024xf32, #tpu.memory_space<hbm>> -> memref<1x1024xf32, #tpu.memory_space<hbm>>
    tpu.enqueue_dma source(%dma_start3A_258 : memref<1x1024xf32, #tpu.memory_space<hbm>>) target(%dma_start3A_256 : memref<1x1024xf32, #tpu.memory_space<vmem>>) target_semaphore(%arg5 : memref<!tpu.dma_semaphore, #tpu.memory_space<semaphore_mem>>)
    %get3A_259 = arith.constant 29 : index
    %get3A_260 = memref.load %arg0[%get3A_259] : memref<8192xi32, #tpu.memory_space<smem>>
    %dma_start3A_261 = arith.constant 1 : i32
    %dma_start3A_262 = arith.constant 13 : i32
    %dma_start3A_263 = arith.constant 0 : i32
    %dma_start3A_264 = tpu.memref_slice %arg3[%dma_start3A_261, %dma_start3A_262, %dma_start3A_263] : memref<4x16x1024xf32, #tpu.memory_space<vmem>> -> memref<1x1x1024xf32, #tpu.memory_space<vmem>>
    %dma_start3A_265 = tpu.memref_squeeze %dma_start3A_264 : memref<1x1x1024xf32, #tpu.memory_space<vmem>> -> memref<1x1024xf32, #tpu.memory_space<vmem>>
    %dma_start3A_266 = arith.constant 0 : i32
    %dma_start3A_267 = tpu.memref_slice %arg1[%get3A_260, %dma_start3A_266] : memref<8192x1024xf32, #tpu.memory_space<hbm>> -> memref<1x1024xf32, #tpu.memory_space<hbm>>
    tpu.enqueue_dma source(%dma_start3A_267 : memref<1x1024xf32, #tpu.memory_space<hbm>>) target(%dma_start3A_265 : memref<1x1024xf32, #tpu.memory_space<vmem>>) target_semaphore(%arg5 : memref<!tpu.dma_semaphore, #tpu.memory_space<semaphore_mem>>)
    %get3A_268 = arith.constant 30 : index
    %get3A_269 = memref.load %arg0[%get3A_268] : memref<8192xi32, #tpu.memory_space<smem>>
    %dma_start3A_270 = arith.constant 1 : i32
    %dma_start3A_271 = arith.constant 14 : i32
    %dma_start3A_272 = arith.constant 0 : i32
    %dma_start3A_273 = tpu.memref_slice %arg3[%dma_start3A_270, %dma_start3A_271, %dma_start3A_272] : memref<4x16x1024xf32, #tpu.memory_space<vmem>> -> memref<1x1x1024xf32, #tpu.memory_space<vmem>>
    %dma_start3A_274 = tpu.memref_squeeze %dma_start3A_273 : memref<1x1x1024xf32, #tpu.memory_space<vmem>> -> memref<1x1024xf32, #tpu.memory_space<vmem>>
    %dma_start3A_275 = arith.constant 0 : i32
    %dma_start3A_276 = tpu.memref_slice %arg1[%get3A_269, %dma_start3A_275] : memref<8192x1024xf32, #tpu.memory_space<hbm>> -> memref<1x1024xf32, #tpu.memory_space<hbm>>
    tpu.enqueue_dma source(%dma_start3A_276 : memref<1x1024xf32, #tpu.memory_space<hbm>>) target(%dma_start3A_274 : memref<1x1024xf32, #tpu.memory_space<vmem>>) target_semaphore(%arg5 : memref<!tpu.dma_semaphore, #tpu.memory_space<semaphore_mem>>)
    %get3A_277 = arith.constant 31 : index
    %get3A_278 = memref.load %arg0[%get3A_277] : memref<8192xi32, #tpu.memory_space<smem>>
    %dma_start3A_279 = arith.constant 1 : i32
    %dma_start3A_280 = arith.constant 15 : i32
    %dma_start3A_281 = arith.constant 0 : i32
    %dma_start3A_282 = tpu.memref_slice %arg3[%dma_start3A_279, %dma_start3A_280, %dma_start3A_281] : memref<4x16x1024xf32, #tpu.memory_space<vmem>> -> memref<1x1x1024xf32, #tpu.memory_space<vmem>>
    %dma_start3A_283 = tpu.memref_squeeze %dma_start3A_282 : memref<1x1x1024xf32, #tpu.memory_space<vmem>> -> memref<1x1024xf32, #tpu.memory_space<vmem>>
    %dma_start3A_284 = arith.constant 0 : i32
    %dma_start3A_285 = tpu.memref_slice %arg1[%get3A_278, %dma_start3A_284] : memref<8192x1024xf32, #tpu.memory_space<hbm>> -> memref<1x1024xf32, #tpu.memory_space<hbm>>
    tpu.enqueue_dma source(%dma_start3A_285 : memref<1x1024xf32, #tpu.memory_space<hbm>>) target(%dma_start3A_283 : memref<1x1024xf32, #tpu.memory_space<vmem>>) target_semaphore(%arg5 : memref<!tpu.dma_semaphore, #tpu.memory_space<semaphore_mem>>)
    %get3A_286 = arith.constant 32 : index
    %get3A_287 = memref.load %arg0[%get3A_286] : memref<8192xi32, #tpu.memory_space<smem>>
    %dma_start3A_288 = arith.constant 2 : i32
    %dma_start3A_289 = arith.constant 0 : i32
    %dma_start3A_290 = arith.constant 0 : i32
    %dma_start3A_291 = tpu.memref_slice %arg3[%dma_start3A_288, %dma_start3A_289, %dma_start3A_290] : memref<4x16x1024xf32, #tpu.memory_space<vmem>> -> memref<1x1x1024xf32, #tpu.memory_space<vmem>>
    %dma_start3A_292 = tpu.memref_squeeze %dma_start3A_291 : memref<1x1x1024xf32, #tpu.memory_space<vmem>> -> memref<1x1024xf32, #tpu.memory_space<vmem>>
    %dma_start3A_293 = arith.constant 0 : i32
    %dma_start3A_294 = tpu.memref_slice %arg1[%get3A_287, %dma_start3A_293] : memref<8192x1024xf32, #tpu.memory_space<hbm>> -> memref<1x1024xf32, #tpu.memory_space<hbm>>
    tpu.enqueue_dma source(%dma_start3A_294 : memref<1x1024xf32, #tpu.memory_space<hbm>>) target(%dma_start3A_292 : memref<1x1024xf32, #tpu.memory_space<vmem>>) target_semaphore(%arg6 : memref<!tpu.dma_semaphore, #tpu.memory_space<semaphore_mem>>)
    %get3A_295 = arith.constant 33 : index
    %get3A_296 = memref.load %arg0[%get3A_295] : memref<8192xi32, #tpu.memory_space<smem>>
    %dma_start3A_297 = arith.constant 2 : i32
    %dma_start3A_298 = arith.constant 1 : i32
    %dma_start3A_299 = arith.constant 0 : i32
    %dma_start3A_300 = tpu.memref_slice %arg3[%dma_start3A_297, %dma_start3A_298, %dma_start3A_299] : memref<4x16x1024xf32, #tpu.memory_space<vmem>> -> memref<1x1x1024xf32, #tpu.memory_space<vmem>>
    %dma_start3A_301 = tpu.memref_squeeze %dma_start3A_300 : memref<1x1x1024xf32, #tpu.memory_space<vmem>> -> memref<1x1024xf32, #tpu.memory_space<vmem>>
    %dma_start3A_302 = arith.constant 0 : i32
    %dma_start3A_303 = tpu.memref_slice %arg1[%get3A_296, %dma_start3A_302] : memref<8192x1024xf32, #tpu.memory_space<hbm>> -> memref<1x1024xf32, #tpu.memory_space<hbm>>
    tpu.enqueue_dma source(%dma_start3A_303 : memref<1x1024xf32, #tpu.memory_space<hbm>>) target(%dma_start3A_301 : memref<1x1024xf32, #tpu.memory_space<vmem>>) target_semaphore(%arg6 : memref<!tpu.dma_semaphore, #tpu.memory_space<semaphore_mem>>)
    %get3A_304 = arith.constant 34 : index
    %get3A_305 = memref.load %arg0[%get3A_304] : memref<8192xi32, #tpu.memory_space<smem>>
    %dma_start3A_306 = arith.constant 2 : i32
    %dma_start3A_307 = arith.constant 2 : i32
    %dma_start3A_308 = arith.constant 0 : i32
    %dma_start3A_309 = tpu.memref_slice %arg3[%dma_start3A_306, %dma_start3A_307, %dma_start3A_308] : memref<4x16x1024xf32, #tpu.memory_space<vmem>> -> memref<1x1x1024xf32, #tpu.memory_space<vmem>>
    %dma_start3A_310 = tpu.memref_squeeze %dma_start3A_309 : memref<1x1x1024xf32, #tpu.memory_space<vmem>> -> memref<1x1024xf32, #tpu.memory_space<vmem>>
    %dma_start3A_311 = arith.constant 0 : i32
    %dma_start3A_312 = tpu.memref_slice %arg1[%get3A_305, %dma_start3A_311] : memref<8192x1024xf32, #tpu.memory_space<hbm>> -> memref<1x1024xf32, #tpu.memory_space<hbm>>
    tpu.enqueue_dma source(%dma_start3A_312 : memref<1x1024xf32, #tpu.memory_space<hbm>>) target(%dma_start3A_310 : memref<1x1024xf32, #tpu.memory_space<vmem>>) target_semaphore(%arg6 : memref<!tpu.dma_semaphore, #tpu.memory_space<semaphore_mem>>)
    %get3A_313 = arith.constant 35 : index
    %get3A_314 = memref.load %arg0[%get3A_313] : memref<8192xi32, #tpu.memory_space<smem>>
    %dma_start3A_315 = arith.constant 2 : i32
    %dma_start3A_316 = arith.constant 3 : i32
    %dma_start3A_317 = arith.constant 0 : i32
    %dma_start3A_318 = tpu.memref_slice %arg3[%dma_start3A_315, %dma_start3A_316, %dma_start3A_317] : memref<4x16x1024xf32, #tpu.memory_space<vmem>> -> memref<1x1x1024xf32, #tpu.memory_space<vmem>>
    %dma_start3A_319 = tpu.memref_squeeze %dma_start3A_318 : memref<1x1x1024xf32, #tpu.memory_space<vmem>> -> memref<1x1024xf32, #tpu.memory_space<vmem>>
    %dma_start3A_320 = arith.constant 0 : i32
    %dma_start3A_321 = tpu.memref_slice %arg1[%get3A_314, %dma_start3A_320] : memref<8192x1024xf32, #tpu.memory_space<hbm>> -> memref<1x1024xf32, #tpu.memory_space<hbm>>
    tpu.enqueue_dma source(%dma_start3A_321 : memref<1x1024xf32, #tpu.memory_space<hbm>>) target(%dma_start3A_319 : memref<1x1024xf32, #tpu.memory_space<vmem>>) target_semaphore(%arg6 : memref<!tpu.dma_semaphore, #tpu.memory_space<semaphore_mem>>)
    %get3A_322 = arith.constant 36 : index
    %get3A_323 = memref.load %arg0[%get3A_322] : memref<8192xi32, #tpu.memory_space<smem>>
    %dma_start3A_324 = arith.constant 2 : i32
    %dma_start3A_325 = arith.constant 4 : i32
    %dma_start3A_326 = arith.constant 0 : i32
    %dma_start3A_327 = tpu.memref_slice %arg3[%dma_start3A_324, %dma_start3A_325, %dma_start3A_326] : memref<4x16x1024xf32, #tpu.memory_space<vmem>> -> memref<1x1x1024xf32, #tpu.memory_space<vmem>>
    %dma_start3A_328 = tpu.memref_squeeze %dma_start3A_327 : memref<1x1x1024xf32, #tpu.memory_space<vmem>> -> memref<1x1024xf32, #tpu.memory_space<vmem>>
    %dma_start3A_329 = arith.constant 0 : i32
    %dma_start3A_330 = tpu.memref_slice %arg1[%get3A_323, %dma_start3A_329] : memref<8192x1024xf32, #tpu.memory_space<hbm>> -> memref<1x1024xf32, #tpu.memory_space<hbm>>
    tpu.enqueue_dma source(%dma_start3A_330 : memref<1x1024xf32, #tpu.memory_space<hbm>>) target(%dma_start3A_328 : memref<1x1024xf32, #tpu.memory_space<vmem>>) target_semaphore(%arg6 : memref<!tpu.dma_semaphore, #tpu.memory_space<semaphore_mem>>)
    %get3A_331 = arith.constant 37 : index
    %get3A_332 = memref.load %arg0[%get3A_331] : memref<8192xi32, #tpu.memory_space<smem>>
    %dma_start3A_333 = arith.constant 2 : i32
    %dma_start3A_334 = arith.constant 5 : i32
    %dma_start3A_335 = arith.constant 0 : i32
    %dma_start3A_336 = tpu.memref_slice %arg3[%dma_start3A_333, %dma_start3A_334, %dma_start3A_335] : memref<4x16x1024xf32, #tpu.memory_space<vmem>> -> memref<1x1x1024xf32, #tpu.memory_space<vmem>>
    %dma_start3A_337 = tpu.memref_squeeze %dma_start3A_336 : memref<1x1x1024xf32, #tpu.memory_space<vmem>> -> memref<1x1024xf32, #tpu.memory_space<vmem>>
    %dma_start3A_338 = arith.constant 0 : i32
    %dma_start3A_339 = tpu.memref_slice %arg1[%get3A_332, %dma_start3A_338] : memref<8192x1024xf32, #tpu.memory_space<hbm>> -> memref<1x1024xf32, #tpu.memory_space<hbm>>
    tpu.enqueue_dma source(%dma_start3A_339 : memref<1x1024xf32, #tpu.memory_space<hbm>>) target(%dma_start3A_337 : memref<1x1024xf32, #tpu.memory_space<vmem>>) target_semaphore(%arg6 : memref<!tpu.dma_semaphore, #tpu.memory_space<semaphore_mem>>)
    %get3A_340 = arith.constant 38 : index
    %get3A_341 = memref.load %arg0[%get3A_340] : memref<8192xi32, #tpu.memory_space<smem>>
    %dma_start3A_342 = arith.constant 2 : i32
    %dma_start3A_343 = arith.constant 6 : i32
    %dma_start3A_344 = arith.constant 0 : i32
    %dma_start3A_345 = tpu.memref_slice %arg3[%dma_start3A_342, %dma_start3A_343, %dma_start3A_344] : memref<4x16x1024xf32, #tpu.memory_space<vmem>> -> memref<1x1x1024xf32, #tpu.memory_space<vmem>>
    %dma_start3A_346 = tpu.memref_squeeze %dma_start3A_345 : memref<1x1x1024xf32, #tpu.memory_space<vmem>> -> memref<1x1024xf32, #tpu.memory_space<vmem>>
    %dma_start3A_347 = arith.constant 0 : i32
    %dma_start3A_348 = tpu.memref_slice %arg1[%get3A_341, %dma_start3A_347] : memref<8192x1024xf32, #tpu.memory_space<hbm>> -> memref<1x1024xf32, #tpu.memory_space<hbm>>
    tpu.enqueue_dma source(%dma_start3A_348 : memref<1x1024xf32, #tpu.memory_space<hbm>>) target(%dma_start3A_346 : memref<1x1024xf32, #tpu.memory_space<vmem>>) target_semaphore(%arg6 : memref<!tpu.dma_semaphore, #tpu.memory_space<semaphore_mem>>)
    %get3A_349 = arith.constant 39 : index
    %get3A_350 = memref.load %arg0[%get3A_349] : memref<8192xi32, #tpu.memory_space<smem>>
    %dma_start3A_351 = arith.constant 2 : i32
    %dma_start3A_352 = arith.constant 7 : i32
    %dma_start3A_353 = arith.constant 0 : i32
    %dma_start3A_354 = tpu.memref_slice %arg3[%dma_start3A_351, %dma_start3A_352, %dma_start3A_353] : memref<4x16x1024xf32, #tpu.memory_space<vmem>> -> memref<1x1x1024xf32, #tpu.memory_space<vmem>>
    %dma_start3A_355 = tpu.memref_squeeze %dma_start3A_354 : memref<1x1x1024xf32, #tpu.memory_space<vmem>> -> memref<1x1024xf32, #tpu.memory_space<vmem>>
    %dma_start3A_356 = arith.constant 0 : i32
    %dma_start3A_357 = tpu.memref_slice %arg1[%get3A_350, %dma_start3A_356] : memref<8192x1024xf32, #tpu.memory_space<hbm>> -> memref<1x1024xf32, #tpu.memory_space<hbm>>
    tpu.enqueue_dma source(%dma_start3A_357 : memref<1x1024xf32, #tpu.memory_space<hbm>>) target(%dma_start3A_355 : memref<1x1024xf32, #tpu.memory_space<vmem>>) target_semaphore(%arg6 : memref<!tpu.dma_semaphore, #tpu.memory_space<semaphore_mem>>)
    %get3A_358 = arith.constant 40 : index
    %get3A_359 = memref.load %arg0[%get3A_358] : memref<8192xi32, #tpu.memory_space<smem>>
    %dma_start3A_360 = arith.constant 2 : i32
    %dma_start3A_361 = arith.constant 8 : i32
    %dma_start3A_362 = arith.constant 0 : i32
    %dma_start3A_363 = tpu.memref_slice %arg3[%dma_start3A_360, %dma_start3A_361, %dma_start3A_362] : memref<4x16x1024xf32, #tpu.memory_space<vmem>> -> memref<1x1x1024xf32, #tpu.memory_space<vmem>>
    %dma_start3A_364 = tpu.memref_squeeze %dma_start3A_363 : memref<1x1x1024xf32, #tpu.memory_space<vmem>> -> memref<1x1024xf32, #tpu.memory_space<vmem>>
    %dma_start3A_365 = arith.constant 0 : i32
    %dma_start3A_366 = tpu.memref_slice %arg1[%get3A_359, %dma_start3A_365] : memref<8192x1024xf32, #tpu.memory_space<hbm>> -> memref<1x1024xf32, #tpu.memory_space<hbm>>
    tpu.enqueue_dma source(%dma_start3A_366 : memref<1x1024xf32, #tpu.memory_space<hbm>>) target(%dma_start3A_364 : memref<1x1024xf32, #tpu.memory_space<vmem>>) target_semaphore(%arg6 : memref<!tpu.dma_semaphore, #tpu.memory_space<semaphore_mem>>)
    %get3A_367 = arith.constant 41 : index
    %get3A_368 = memref.load %arg0[%get3A_367] : memref<8192xi32, #tpu.memory_space<smem>>
    %dma_start3A_369 = arith.constant 2 : i32
    %dma_start3A_370 = arith.constant 9 : i32
    %dma_start3A_371 = arith.constant 0 : i32
    %dma_start3A_372 = tpu.memref_slice %arg3[%dma_start3A_369, %dma_start3A_370, %dma_start3A_371] : memref<4x16x1024xf32, #tpu.memory_space<vmem>> -> memref<1x1x1024xf32, #tpu.memory_space<vmem>>
    %dma_start3A_373 = tpu.memref_squeeze %dma_start3A_372 : memref<1x1x1024xf32, #tpu.memory_space<vmem>> -> memref<1x1024xf32, #tpu.memory_space<vmem>>
    %dma_start3A_374 = arith.constant 0 : i32
    %dma_start3A_375 = tpu.memref_slice %arg1[%get3A_368, %dma_start3A_374] : memref<8192x1024xf32, #tpu.memory_space<hbm>> -> memref<1x1024xf32, #tpu.memory_space<hbm>>
    tpu.enqueue_dma source(%dma_start3A_375 : memref<1x1024xf32, #tpu.memory_space<hbm>>) target(%dma_start3A_373 : memref<1x1024xf32, #tpu.memory_space<vmem>>) target_semaphore(%arg6 : memref<!tpu.dma_semaphore, #tpu.memory_space<semaphore_mem>>)
    %get3A_376 = arith.constant 42 : index
    %get3A_377 = memref.load %arg0[%get3A_376] : memref<8192xi32, #tpu.memory_space<smem>>
    %dma_start3A_378 = arith.constant 2 : i32
    %dma_start3A_379 = arith.constant 10 : i32
    %dma_start3A_380 = arith.constant 0 : i32
    %dma_start3A_381 = tpu.memref_slice %arg3[%dma_start3A_378, %dma_start3A_379, %dma_start3A_380] : memref<4x16x1024xf32, #tpu.memory_space<vmem>> -> memref<1x1x1024xf32, #tpu.memory_space<vmem>>
    %dma_start3A_382 = tpu.memref_squeeze %dma_start3A_381 : memref<1x1x1024xf32, #tpu.memory_space<vmem>> -> memref<1x1024xf32, #tpu.memory_space<vmem>>
    %dma_start3A_383 = arith.constant 0 : i32
    %dma_start3A_384 = tpu.memref_slice %arg1[%get3A_377, %dma_start3A_383] : memref<8192x1024xf32, #tpu.memory_space<hbm>> -> memref<1x1024xf32, #tpu.memory_space<hbm>>
    tpu.enqueue_dma source(%dma_start3A_384 : memref<1x1024xf32, #tpu.memory_space<hbm>>) target(%dma_start3A_382 : memref<1x1024xf32, #tpu.memory_space<vmem>>) target_semaphore(%arg6 : memref<!tpu.dma_semaphore, #tpu.memory_space<semaphore_mem>>)
    %get3A_385 = arith.constant 43 : index
    %get3A_386 = memref.load %arg0[%get3A_385] : memref<8192xi32, #tpu.memory_space<smem>>
    %dma_start3A_387 = arith.constant 2 : i32
    %dma_start3A_388 = arith.constant 11 : i32
    %dma_start3A_389 = arith.constant 0 : i32
    %dma_start3A_390 = tpu.memref_slice %arg3[%dma_start3A_387, %dma_start3A_388, %dma_start3A_389] : memref<4x16x1024xf32, #tpu.memory_space<vmem>> -> memref<1x1x1024xf32, #tpu.memory_space<vmem>>
    %dma_start3A_391 = tpu.memref_squeeze %dma_start3A_390 : memref<1x1x1024xf32, #tpu.memory_space<vmem>> -> memref<1x1024xf32, #tpu.memory_space<vmem>>
    %dma_start3A_392 = arith.constant 0 : i32
    %dma_start3A_393 = tpu.memref_slice %arg1[%get3A_386, %dma_start3A_392] : memref<8192x1024xf32, #tpu.memory_space<hbm>> -> memref<1x1024xf32, #tpu.memory_space<hbm>>
    tpu.enqueue_dma source(%dma_start3A_393 : memref<1x1024xf32, #tpu.memory_space<hbm>>) target(%dma_start3A_391 : memref<1x1024xf32, #tpu.memory_space<vmem>>) target_semaphore(%arg6 : memref<!tpu.dma_semaphore, #tpu.memory_space<semaphore_mem>>)
    %get3A_394 = arith.constant 44 : index
    %get3A_395 = memref.load %arg0[%get3A_394] : memref<8192xi32, #tpu.memory_space<smem>>
    %dma_start3A_396 = arith.constant 2 : i32
    %dma_start3A_397 = arith.constant 12 : i32
    %dma_start3A_398 = arith.constant 0 : i32
    %dma_start3A_399 = tpu.memref_slice %arg3[%dma_start3A_396, %dma_start3A_397, %dma_start3A_398] : memref<4x16x1024xf32, #tpu.memory_space<vmem>> -> memref<1x1x1024xf32, #tpu.memory_space<vmem>>
    %dma_start3A_400 = tpu.memref_squeeze %dma_start3A_399 : memref<1x1x1024xf32, #tpu.memory_space<vmem>> -> memref<1x1024xf32, #tpu.memory_space<vmem>>
    %dma_start3A_401 = arith.constant 0 : i32
    %dma_start3A_402 = tpu.memref_slice %arg1[%get3A_395, %dma_start3A_401] : memref<8192x1024xf32, #tpu.memory_space<hbm>> -> memref<1x1024xf32, #tpu.memory_space<hbm>>
    tpu.enqueue_dma source(%dma_start3A_402 : memref<1x1024xf32, #tpu.memory_space<hbm>>) target(%dma_start3A_400 : memref<1x1024xf32, #tpu.memory_space<vmem>>) target_semaphore(%arg6 : memref<!tpu.dma_semaphore, #tpu.memory_space<semaphore_mem>>)
    %get3A_403 = arith.constant 45 : index
    %get3A_404 = memref.load %arg0[%get3A_403] : memref<8192xi32, #tpu.memory_space<smem>>
    %dma_start3A_405 = arith.constant 2 : i32
    %dma_start3A_406 = arith.constant 13 : i32
    %dma_start3A_407 = arith.constant 0 : i32
    %dma_start3A_408 = tpu.memref_slice %arg3[%dma_start3A_405, %dma_start3A_406, %dma_start3A_407] : memref<4x16x1024xf32, #tpu.memory_space<vmem>> -> memref<1x1x1024xf32, #tpu.memory_space<vmem>>
    %dma_start3A_409 = tpu.memref_squeeze %dma_start3A_408 : memref<1x1x1024xf32, #tpu.memory_space<vmem>> -> memref<1x1024xf32, #tpu.memory_space<vmem>>
    %dma_start3A_410 = arith.constant 0 : i32
    %dma_start3A_411 = tpu.memref_slice %arg1[%get3A_404, %dma_start3A_410] : memref<8192x1024xf32, #tpu.memory_space<hbm>> -> memref<1x1024xf32, #tpu.memory_space<hbm>>
    tpu.enqueue_dma source(%dma_start3A_411 : memref<1x1024xf32, #tpu.memory_space<hbm>>) target(%dma_start3A_409 : memref<1x1024xf32, #tpu.memory_space<vmem>>) target_semaphore(%arg6 : memref<!tpu.dma_semaphore, #tpu.memory_space<semaphore_mem>>)
    %get3A_412 = arith.constant 46 : index
    %get3A_413 = memref.load %arg0[%get3A_412] : memref<8192xi32, #tpu.memory_space<smem>>
    %dma_start3A_414 = arith.constant 2 : i32
    %dma_start3A_415 = arith.constant 14 : i32
    %dma_start3A_416 = arith.constant 0 : i32
    %dma_start3A_417 = tpu.memref_slice %arg3[%dma_start3A_414, %dma_start3A_415, %dma_start3A_416] : memref<4x16x1024xf32, #tpu.memory_space<vmem>> -> memref<1x1x1024xf32, #tpu.memory_space<vmem>>
    %dma_start3A_418 = tpu.memref_squeeze %dma_start3A_417 : memref<1x1x1024xf32, #tpu.memory_space<vmem>> -> memref<1x1024xf32, #tpu.memory_space<vmem>>
    %dma_start3A_419 = arith.constant 0 : i32
    %dma_start3A_420 = tpu.memref_slice %arg1[%get3A_413, %dma_start3A_419] : memref<8192x1024xf32, #tpu.memory_space<hbm>> -> memref<1x1024xf32, #tpu.memory_space<hbm>>
    tpu.enqueue_dma source(%dma_start3A_420 : memref<1x1024xf32, #tpu.memory_space<hbm>>) target(%dma_start3A_418 : memref<1x1024xf32, #tpu.memory_space<vmem>>) target_semaphore(%arg6 : memref<!tpu.dma_semaphore, #tpu.memory_space<semaphore_mem>>)
    %get3A_421 = arith.constant 47 : index
    %get3A_422 = memref.load %arg0[%get3A_421] : memref<8192xi32, #tpu.memory_space<smem>>
    %dma_start3A_423 = arith.constant 2 : i32
    %dma_start3A_424 = arith.constant 15 : i32
    %dma_start3A_425 = arith.constant 0 : i32
    %dma_start3A_426 = tpu.memref_slice %arg3[%dma_start3A_423, %dma_start3A_424, %dma_start3A_425] : memref<4x16x1024xf32, #tpu.memory_space<vmem>> -> memref<1x1x1024xf32, #tpu.memory_space<vmem>>
    %dma_start3A_427 = tpu.memref_squeeze %dma_start3A_426 : memref<1x1x1024xf32, #tpu.memory_space<vmem>> -> memref<1x1024xf32, #tpu.memory_space<vmem>>
    %dma_start3A_428 = arith.constant 0 : i32
    %dma_start3A_429 = tpu.memref_slice %arg1[%get3A_422, %dma_start3A_428] : memref<8192x1024xf32, #tpu.memory_space<hbm>> -> memref<1x1024xf32, #tpu.memory_space<hbm>>
    tpu.enqueue_dma source(%dma_start3A_429 : memref<1x1024xf32, #tpu.memory_space<hbm>>) target(%dma_start3A_427 : memref<1x1024xf32, #tpu.memory_space<vmem>>) target_semaphore(%arg6 : memref<!tpu.dma_semaphore, #tpu.memory_space<semaphore_mem>>)
    %dma_wait3A = arith.constant 0 : i32
    %dma_wait3A_430 = arith.constant 0 : i32
    %dma_wait3A_431 = arith.constant 0 : i32
    %dma_wait3A_432 = tpu.memref_slice %arg3[%dma_wait3A, %dma_wait3A_430, %dma_wait3A_431] : memref<4x16x1024xf32, #tpu.memory_space<vmem>> -> memref<1x16x1024xf32, #tpu.memory_space<vmem>>
    %dma_wait3A_433 = tpu.memref_squeeze %dma_wait3A_432 : memref<1x16x1024xf32, #tpu.memory_space<vmem>> -> memref<16x1024xf32, #tpu.memory_space<vmem>>
    %dma_wait3A_434 = arith.constant 0 : i32
    %dma_wait3A_435 = arith.constant 0 : i32
    %dma_wait3A_436 = tpu.memref_slice %arg1[%dma_wait3A_434, %dma_wait3A_435] : memref<8192x1024xf32, #tpu.memory_space<hbm>> -> memref<16x1024xf32, #tpu.memory_space<hbm>>
    tpu.wait_dma2 semaphore(%arg4 : memref<!tpu.dma_semaphore, #tpu.memory_space<semaphore_mem>>) src(%dma_wait3A_436 : memref<16x1024xf32, #tpu.memory_space<hbm>>) dst(%dma_wait3A_433 : memref<16x1024xf32, #tpu.memory_space<vmem>>)
    %dma_start3A_437 = arith.constant 0 : i32
    %dma_start3A_438 = arith.constant 0 : i32
    %dma_start3A_439 = arith.constant 0 : i32
    %dma_start3A_440 = tpu.memref_slice %arg2[%dma_start3A_438, %dma_start3A_439] : memref<8192x1024xf32, #tpu.memory_space<hbm>> -> memref<16x1024xf32, #tpu.memory_space<hbm>>
    %dma_start3A_441 = arith.constant 0 : i32
    %dma_start3A_442 = arith.constant 0 : i32
    %dma_start3A_443 = tpu.memref_slice %arg3[%dma_start3A_437, %dma_start3A_441, %dma_start3A_442] : memref<4x16x1024xf32, #tpu.memory_space<vmem>> -> memref<1x16x1024xf32, #tpu.memory_space<vmem>>
    %dma_start3A_444 = tpu.memref_squeeze %dma_start3A_443 : memref<1x16x1024xf32, #tpu.memory_space<vmem>> -> memref<16x1024xf32, #tpu.memory_space<vmem>>
    tpu.enqueue_dma source(%dma_start3A_444 : memref<16x1024xf32, #tpu.memory_space<vmem>>) target(%dma_start3A_440 : memref<16x1024xf32, #tpu.memory_space<hbm>>) target_semaphore(%arg8 : memref<!tpu.dma_semaphore, #tpu.memory_space<semaphore_mem>>)
    %get3A_445 = arith.constant 48 : index
    %get3A_446 = memref.load %arg0[%get3A_445] : memref<8192xi32, #tpu.memory_space<smem>>
    %dma_start3A_447 = arith.constant 3 : i32
    %dma_start3A_448 = arith.constant 0 : i32
    %dma_start3A_449 = arith.constant 0 : i32
    %dma_start3A_450 = tpu.memref_slice %arg3[%dma_start3A_447, %dma_start3A_448, %dma_start3A_449] : memref<4x16x1024xf32, #tpu.memory_space<vmem>> -> memref<1x1x1024xf32, #tpu.memory_space<vmem>>
    %dma_start3A_451 = tpu.memref_squeeze %dma_start3A_450 : memref<1x1x1024xf32, #tpu.memory_space<vmem>> -> memref<1x1024xf32, #tpu.memory_space<vmem>>
    %dma_start3A_452 = arith.constant 0 : i32
    %dma_start3A_453 = tpu.memref_slice %arg1[%get3A_446, %dma_start3A_452] : memref<8192x1024xf32, #tpu.memory_space<hbm>> -> memref<1x1024xf32, #tpu.memory_space<hbm>>
    tpu.enqueue_dma source(%dma_start3A_453 : memref<1x1024xf32, #tpu.memory_space<hbm>>) target(%dma_start3A_451 : memref<1x1024xf32, #tpu.memory_space<vmem>>) target_semaphore(%arg7 : memref<!tpu.dma_semaphore, #tpu.memory_space<semaphore_mem>>)
    %get3A_454 = arith.constant 49 : index
    %get3A_455 = memref.load %arg0[%get3A_454] : memref<8192xi32, #tpu.memory_space<smem>>
    %dma_start3A_456 = arith.constant 3 : i32
    %dma_start3A_457 = arith.constant 1 : i32
    %dma_start3A_458 = arith.constant 0 : i32
    %dma_start3A_459 = tpu.memref_slice %arg3[%dma_start3A_456, %dma_start3A_457, %dma_start3A_458] : memref<4x16x1024xf32, #tpu.memory_space<vmem>> -> memref<1x1x1024xf32, #tpu.memory_space<vmem>>
    %dma_start3A_460 = tpu.memref_squeeze %dma_start3A_459 : memref<1x1x1024xf32, #tpu.memory_space<vmem>> -> memref<1x1024xf32, #tpu.memory_space<vmem>>
    %dma_start3A_461 = arith.constant 0 : i32
    %dma_start3A_462 = tpu.memref_slice %arg1[%get3A_455, %dma_start3A_461] : memref<8192x1024xf32, #tpu.memory_space<hbm>> -> memref<1x1024xf32, #tpu.memory_space<hbm>>
    tpu.enqueue_dma source(%dma_start3A_462 : memref<1x1024xf32, #tpu.memory_space<hbm>>) target(%dma_start3A_460 : memref<1x1024xf32, #tpu.memory_space<vmem>>) target_semaphore(%arg7 : memref<!tpu.dma_semaphore, #tpu.memory_space<semaphore_mem>>)
    %get3A_463 = arith.constant 50 : index
    %get3A_464 = memref.load %arg0[%get3A_463] : memref<8192xi32, #tpu.memory_space<smem>>
    %dma_start3A_465 = arith.constant 3 : i32
    %dma_start3A_466 = arith.constant 2 : i32
    %dma_start3A_467 = arith.constant 0 : i32
    %dma_start3A_468 = tpu.memref_slice %arg3[%dma_start3A_465, %dma_start3A_466, %dma_start3A_467] : memref<4x16x1024xf32, #tpu.memory_space<vmem>> -> memref<1x1x1024xf32, #tpu.memory_space<vmem>>
    %dma_start3A_469 = tpu.memref_squeeze %dma_start3A_468 : memref<1x1x1024xf32, #tpu.memory_space<vmem>> -> memref<1x1024xf32, #tpu.memory_space<vmem>>
    %dma_start3A_470 = arith.constant 0 : i32
    %dma_start3A_471 = tpu.memref_slice %arg1[%get3A_464, %dma_start3A_470] : memref<8192x1024xf32, #tpu.memory_space<hbm>> -> memref<1x1024xf32, #tpu.memory_space<hbm>>
    tpu.enqueue_dma source(%dma_start3A_471 : memref<1x1024xf32, #tpu.memory_space<hbm>>) target(%dma_start3A_469 : memref<1x1024xf32, #tpu.memory_space<vmem>>) target_semaphore(%arg7 : memref<!tpu.dma_semaphore, #tpu.memory_space<semaphore_mem>>)
    %get3A_472 = arith.constant 51 : index
    %get3A_473 = memref.load %arg0[%get3A_472] : memref<8192xi32, #tpu.memory_space<smem>>
    %dma_start3A_474 = arith.constant 3 : i32
    %dma_start3A_475 = arith.constant 3 : i32
    %dma_start3A_476 = arith.constant 0 : i32
    %dma_start3A_477 = tpu.memref_slice %arg3[%dma_start3A_474, %dma_start3A_475, %dma_start3A_476] : memref<4x16x1024xf32, #tpu.memory_space<vmem>> -> memref<1x1x1024xf32, #tpu.memory_space<vmem>>
    %dma_start3A_478 = tpu.memref_squeeze %dma_start3A_477 : memref<1x1x1024xf32, #tpu.memory_space<vmem>> -> memref<1x1024xf32, #tpu.memory_space<vmem>>
    %dma_start3A_479 = arith.constant 0 : i32
    %dma_start3A_480 = tpu.memref_slice %arg1[%get3A_473, %dma_start3A_479] : memref<8192x1024xf32, #tpu.memory_space<hbm>> -> memref<1x1024xf32, #tpu.memory_space<hbm>>
    tpu.enqueue_dma source(%dma_start3A_480 : memref<1x1024xf32, #tpu.memory_space<hbm>>) target(%dma_start3A_478 : memref<1x1024xf32, #tpu.memory_space<vmem>>) target_semaphore(%arg7 : memref<!tpu.dma_semaphore, #tpu.memory_space<semaphore_mem>>)
    %get3A_481 = arith.constant 52 : index
    %get3A_482 = memref.load %arg0[%get3A_481] : memref<8192xi32, #tpu.memory_space<smem>>
    %dma_start3A_483 = arith.constant 3 : i32
    %dma_start3A_484 = arith.constant 4 : i32
    %dma_start3A_485 = arith.constant 0 : i32
    %dma_start3A_486 = tpu.memref_slice %arg3[%dma_start3A_483, %dma_start3A_484, %dma_start3A_485] : memref<4x16x1024xf32, #tpu.memory_space<vmem>> -> memref<1x1x1024xf32, #tpu.memory_space<vmem>>
    %dma_start3A_487 = tpu.memref_squeeze %dma_start3A_486 : memref<1x1x1024xf32, #tpu.memory_space<vmem>> -> memref<1x1024xf32, #tpu.memory_space<vmem>>
    %dma_start3A_488 = arith.constant 0 : i32
    %dma_start3A_489 = tpu.memref_slice %arg1[%get3A_482, %dma_start3A_488] : memref<8192x1024xf32, #tpu.memory_space<hbm>> -> memref<1x1024xf32, #tpu.memory_space<hbm>>
    tpu.enqueue_dma source(%dma_start3A_489 : memref<1x1024xf32, #tpu.memory_space<hbm>>) target(%dma_start3A_487 : memref<1x1024xf32, #tpu.memory_space<vmem>>) target_semaphore(%arg7 : memref<!tpu.dma_semaphore, #tpu.memory_space<semaphore_mem>>)
    %get3A_490 = arith.constant 53 : index
    %get3A_491 = memref.load %arg0[%get3A_490] : memref<8192xi32, #tpu.memory_space<smem>>
    %dma_start3A_492 = arith.constant 3 : i32
    %dma_start3A_493 = arith.constant 5 : i32
    %dma_start3A_494 = arith.constant 0 : i32
    %dma_start3A_495 = tpu.memref_slice %arg3[%dma_start3A_492, %dma_start3A_493, %dma_start3A_494] : memref<4x16x1024xf32, #tpu.memory_space<vmem>> -> memref<1x1x1024xf32, #tpu.memory_space<vmem>>
    %dma_start3A_496 = tpu.memref_squeeze %dma_start3A_495 : memref<1x1x1024xf32, #tpu.memory_space<vmem>> -> memref<1x1024xf32, #tpu.memory_space<vmem>>
    %dma_start3A_497 = arith.constant 0 : i32
    %dma_start3A_498 = tpu.memref_slice %arg1[%get3A_491, %dma_start3A_497] : memref<8192x1024xf32, #tpu.memory_space<hbm>> -> memref<1x1024xf32, #tpu.memory_space<hbm>>
    tpu.enqueue_dma source(%dma_start3A_498 : memref<1x1024xf32, #tpu.memory_space<hbm>>) target(%dma_start3A_496 : memref<1x1024xf32, #tpu.memory_space<vmem>>) target_semaphore(%arg7 : memref<!tpu.dma_semaphore, #tpu.memory_space<semaphore_mem>>)
    %get3A_499 = arith.constant 54 : index
    %get3A_500 = memref.load %arg0[%get3A_499] : memref<8192xi32, #tpu.memory_space<smem>>
    %dma_start3A_501 = arith.constant 3 : i32
    %dma_start3A_502 = arith.constant 6 : i32
    %dma_start3A_503 = arith.constant 0 : i32
    %dma_start3A_504 = tpu.memref_slice %arg3[%dma_start3A_501, %dma_start3A_502, %dma_start3A_503] : memref<4x16x1024xf32, #tpu.memory_space<vmem>> -> memref<1x1x1024xf32, #tpu.memory_space<vmem>>
    %dma_start3A_505 = tpu.memref_squeeze %dma_start3A_504 : memref<1x1x1024xf32, #tpu.memory_space<vmem>> -> memref<1x1024xf32, #tpu.memory_space<vmem>>
    %dma_start3A_506 = arith.constant 0 : i32
    %dma_start3A_507 = tpu.memref_slice %arg1[%get3A_500, %dma_start3A_506] : memref<8192x1024xf32, #tpu.memory_space<hbm>> -> memref<1x1024xf32, #tpu.memory_space<hbm>>
    tpu.enqueue_dma source(%dma_start3A_507 : memref<1x1024xf32, #tpu.memory_space<hbm>>) target(%dma_start3A_505 : memref<1x1024xf32, #tpu.memory_space<vmem>>) target_semaphore(%arg7 : memref<!tpu.dma_semaphore, #tpu.memory_space<semaphore_mem>>)
    %get3A_508 = arith.constant 55 : index
    %get3A_509 = memref.load %arg0[%get3A_508] : memref<8192xi32, #tpu.memory_space<smem>>
    %dma_start3A_510 = arith.constant 3 : i32
    %dma_start3A_511 = arith.constant 7 : i32
    %dma_start3A_512 = arith.constant 0 : i32
    %dma_start3A_513 = tpu.memref_slice %arg3[%dma_start3A_510, %dma_start3A_511, %dma_start3A_512] : memref<4x16x1024xf32, #tpu.memory_space<vmem>> -> memref<1x1x1024xf32, #tpu.memory_space<vmem>>
    %dma_start3A_514 = tpu.memref_squeeze %dma_start3A_513 : memref<1x1x1024xf32, #tpu.memory_space<vmem>> -> memref<1x1024xf32, #tpu.memory_space<vmem>>
    %dma_start3A_515 = arith.constant 0 : i32
    %dma_start3A_516 = tpu.memref_slice %arg1[%get3A_509, %dma_start3A_515] : memref<8192x1024xf32, #tpu.memory_space<hbm>> -> memref<1x1024xf32, #tpu.memory_space<hbm>>
    tpu.enqueue_dma source(%dma_start3A_516 : memref<1x1024xf32, #tpu.memory_space<hbm>>) target(%dma_start3A_514 : memref<1x1024xf32, #tpu.memory_space<vmem>>) target_semaphore(%arg7 : memref<!tpu.dma_semaphore, #tpu.memory_space<semaphore_mem>>)
    %get3A_517 = arith.constant 56 : index
    %get3A_518 = memref.load %arg0[%get3A_517] : memref<8192xi32, #tpu.memory_space<smem>>
    %dma_start3A_519 = arith.constant 3 : i32
    %dma_start3A_520 = arith.constant 8 : i32
    %dma_start3A_521 = arith.constant 0 : i32
    %dma_start3A_522 = tpu.memref_slice %arg3[%dma_start3A_519, %dma_start3A_520, %dma_start3A_521] : memref<4x16x1024xf32, #tpu.memory_space<vmem>> -> memref<1x1x1024xf32, #tpu.memory_space<vmem>>
    %dma_start3A_523 = tpu.memref_squeeze %dma_start3A_522 : memref<1x1x1024xf32, #tpu.memory_space<vmem>> -> memref<1x1024xf32, #tpu.memory_space<vmem>>
    %dma_start3A_524 = arith.constant 0 : i32
    %dma_start3A_525 = tpu.memref_slice %arg1[%get3A_518, %dma_start3A_524] : memref<8192x1024xf32, #tpu.memory_space<hbm>> -> memref<1x1024xf32, #tpu.memory_space<hbm>>
    tpu.enqueue_dma source(%dma_start3A_525 : memref<1x1024xf32, #tpu.memory_space<hbm>>) target(%dma_start3A_523 : memref<1x1024xf32, #tpu.memory_space<vmem>>) target_semaphore(%arg7 : memref<!tpu.dma_semaphore, #tpu.memory_space<semaphore_mem>>)
    %get3A_526 = arith.constant 57 : index
    %get3A_527 = memref.load %arg0[%get3A_526] : memref<8192xi32, #tpu.memory_space<smem>>
    %dma_start3A_528 = arith.constant 3 : i32
    %dma_start3A_529 = arith.constant 9 : i32
    %dma_start3A_530 = arith.constant 0 : i32
    %dma_start3A_531 = tpu.memref_slice %arg3[%dma_start3A_528, %dma_start3A_529, %dma_start3A_530] : memref<4x16x1024xf32, #tpu.memory_space<vmem>> -> memref<1x1x1024xf32, #tpu.memory_space<vmem>>
    %dma_start3A_532 = tpu.memref_squeeze %dma_start3A_531 : memref<1x1x1024xf32, #tpu.memory_space<vmem>> -> memref<1x1024xf32, #tpu.memory_space<vmem>>
    %dma_start3A_533 = arith.constant 0 : i32
    %dma_start3A_534 = tpu.memref_slice %arg1[%get3A_527, %dma_start3A_533] : memref<8192x1024xf32, #tpu.memory_space<hbm>> -> memref<1x1024xf32, #tpu.memory_space<hbm>>
    tpu.enqueue_dma source(%dma_start3A_534 : memref<1x1024xf32, #tpu.memory_space<hbm>>) target(%dma_start3A_532 : memref<1x1024xf32, #tpu.memory_space<vmem>>) target_semaphore(%arg7 : memref<!tpu.dma_semaphore, #tpu.memory_space<semaphore_mem>>)
    %get3A_535 = arith.constant 58 : index
    %get3A_536 = memref.load %arg0[%get3A_535] : memref<8192xi32, #tpu.memory_space<smem>>
    %dma_start3A_537 = arith.constant 3 : i32
    %dma_start3A_538 = arith.constant 10 : i32
    %dma_start3A_539 = arith.constant 0 : i32
    %dma_start3A_540 = tpu.memref_slice %arg3[%dma_start3A_537, %dma_start3A_538, %dma_start3A_539] : memref<4x16x1024xf32, #tpu.memory_space<vmem>> -> memref<1x1x1024xf32, #tpu.memory_space<vmem>>
    %dma_start3A_541 = tpu.memref_squeeze %dma_start3A_540 : memref<1x1x1024xf32, #tpu.memory_space<vmem>> -> memref<1x1024xf32, #tpu.memory_space<vmem>>
    %dma_start3A_542 = arith.constant 0 : i32
    %dma_start3A_543 = tpu.memref_slice %arg1[%get3A_536, %dma_start3A_542] : memref<8192x1024xf32, #tpu.memory_space<hbm>> -> memref<1x1024xf32, #tpu.memory_space<hbm>>
    tpu.enqueue_dma source(%dma_start3A_543 : memref<1x1024xf32, #tpu.memory_space<hbm>>) target(%dma_start3A_541 : memref<1x1024xf32, #tpu.memory_space<vmem>>) target_semaphore(%arg7 : memref<!tpu.dma_semaphore, #tpu.memory_space<semaphore_mem>>)
    %get3A_544 = arith.constant 59 : index
    %get3A_545 = memref.load %arg0[%get3A_544] : memref<8192xi32, #tpu.memory_space<smem>>
    %dma_start3A_546 = arith.constant 3 : i32
    %dma_start3A_547 = arith.constant 11 : i32
    %dma_start3A_548 = arith.constant 0 : i32
    %dma_start3A_549 = tpu.memref_slice %arg3[%dma_start3A_546, %dma_start3A_547, %dma_start3A_548] : memref<4x16x1024xf32, #tpu.memory_space<vmem>> -> memref<1x1x1024xf32, #tpu.memory_space<vmem>>
    %dma_start3A_550 = tpu.memref_squeeze %dma_start3A_549 : memref<1x1x1024xf32, #tpu.memory_space<vmem>> -> memref<1x1024xf32, #tpu.memory_space<vmem>>
    %dma_start3A_551 = arith.constant 0 : i32
    %dma_start3A_552 = tpu.memref_slice %arg1[%get3A_545, %dma_start3A_551] : memref<8192x1024xf32, #tpu.memory_space<hbm>> -> memref<1x1024xf32, #tpu.memory_space<hbm>>
    tpu.enqueue_dma source(%dma_start3A_552 : memref<1x1024xf32, #tpu.memory_space<hbm>>) target(%dma_start3A_550 : memref<1x1024xf32, #tpu.memory_space<vmem>>) target_semaphore(%arg7 : memref<!tpu.dma_semaphore, #tpu.memory_space<semaphore_mem>>)
    %get3A_553 = arith.constant 60 : index
    %get3A_554 = memref.load %arg0[%get3A_553] : memref<8192xi32, #tpu.memory_space<smem>>
    %dma_start3A_555 = arith.constant 3 : i32
    %dma_start3A_556 = arith.constant 12 : i32
    %dma_start3A_557 = arith.constant 0 : i32
    %dma_start3A_558 = tpu.memref_slice %arg3[%dma_start3A_555, %dma_start3A_556, %dma_start3A_557] : memref<4x16x1024xf32, #tpu.memory_space<vmem>> -> memref<1x1x1024xf32, #tpu.memory_space<vmem>>
    %dma_start3A_559 = tpu.memref_squeeze %dma_start3A_558 : memref<1x1x1024xf32, #tpu.memory_space<vmem>> -> memref<1x1024xf32, #tpu.memory_space<vmem>>
    %dma_start3A_560 = arith.constant 0 : i32
    %dma_start3A_561 = tpu.memref_slice %arg1[%get3A_554, %dma_start3A_560] : memref<8192x1024xf32, #tpu.memory_space<hbm>> -> memref<1x1024xf32, #tpu.memory_space<hbm>>
    tpu.enqueue_dma source(%dma_start3A_561 : memref<1x1024xf32, #tpu.memory_space<hbm>>) target(%dma_start3A_559 : memref<1x1024xf32, #tpu.memory_space<vmem>>) target_semaphore(%arg7 : memref<!tpu.dma_semaphore, #tpu.memory_space<semaphore_mem>>)
    %get3A_562 = arith.constant 61 : index
    %get3A_563 = memref.load %arg0[%get3A_562] : memref<8192xi32, #tpu.memory_space<smem>>
    %dma_start3A_564 = arith.constant 3 : i32
    %dma_start3A_565 = arith.constant 13 : i32
    %dma_start3A_566 = arith.constant 0 : i32
    %dma_start3A_567 = tpu.memref_slice %arg3[%dma_start3A_564, %dma_start3A_565, %dma_start3A_566] : memref<4x16x1024xf32, #tpu.memory_space<vmem>> -> memref<1x1x1024xf32, #tpu.memory_space<vmem>>
    %dma_start3A_568 = tpu.memref_squeeze %dma_start3A_567 : memref<1x1x1024xf32, #tpu.memory_space<vmem>> -> memref<1x1024xf32, #tpu.memory_space<vmem>>
    %dma_start3A_569 = arith.constant 0 : i32
    %dma_start3A_570 = tpu.memref_slice %arg1[%get3A_563, %dma_start3A_569] : memref<8192x1024xf32, #tpu.memory_space<hbm>> -> memref<1x1024xf32, #tpu.memory_space<hbm>>
    tpu.enqueue_dma source(%dma_start3A_570 : memref<1x1024xf32, #tpu.memory_space<hbm>>) target(%dma_start3A_568 : memref<1x1024xf32, #tpu.memory_space<vmem>>) target_semaphore(%arg7 : memref<!tpu.dma_semaphore, #tpu.memory_space<semaphore_mem>>)
    %get3A_571 = arith.constant 62 : index
    %get3A_572 = memref.load %arg0[%get3A_571] : memref<8192xi32, #tpu.memory_space<smem>>
    %dma_start3A_573 = arith.constant 3 : i32
    %dma_start3A_574 = arith.constant 14 : i32
    %dma_start3A_575 = arith.constant 0 : i32
    %dma_start3A_576 = tpu.memref_slice %arg3[%dma_start3A_573, %dma_start3A_574, %dma_start3A_575] : memref<4x16x1024xf32, #tpu.memory_space<vmem>> -> memref<1x1x1024xf32, #tpu.memory_space<vmem>>
    %dma_start3A_577 = tpu.memref_squeeze %dma_start3A_576 : memref<1x1x1024xf32, #tpu.memory_space<vmem>> -> memref<1x1024xf32, #tpu.memory_space<vmem>>
    %dma_start3A_578 = arith.constant 0 : i32
    %dma_start3A_579 = tpu.memref_slice %arg1[%get3A_572, %dma_start3A_578] : memref<8192x1024xf32, #tpu.memory_space<hbm>> -> memref<1x1024xf32, #tpu.memory_space<hbm>>
    tpu.enqueue_dma source(%dma_start3A_579 : memref<1x1024xf32, #tpu.memory_space<hbm>>) target(%dma_start3A_577 : memref<1x1024xf32, #tpu.memory_space<vmem>>) target_semaphore(%arg7 : memref<!tpu.dma_semaphore, #tpu.memory_space<semaphore_mem>>)
    %get3A_580 = arith.constant 63 : index
    %get3A_581 = memref.load %arg0[%get3A_580] : memref<8192xi32, #tpu.memory_space<smem>>
    %dma_start3A_582 = arith.constant 3 : i32
    %dma_start3A_583 = arith.constant 15 : i32
    %dma_start3A_584 = arith.constant 0 : i32
    %dma_start3A_585 = tpu.memref_slice %arg3[%dma_start3A_582, %dma_start3A_583, %dma_start3A_584] : memref<4x16x1024xf32, #tpu.memory_space<vmem>> -> memref<1x1x1024xf32, #tpu.memory_space<vmem>>
    %dma_start3A_586 = tpu.memref_squeeze %dma_start3A_585 : memref<1x1x1024xf32, #tpu.memory_space<vmem>> -> memref<1x1024xf32, #tpu.memory_space<vmem>>
    %dma_start3A_587 = arith.constant 0 : i32
    %dma_start3A_588 = tpu.memref_slice %arg1[%get3A_581, %dma_start3A_587] : memref<8192x1024xf32, #tpu.memory_space<hbm>> -> memref<1x1024xf32, #tpu.memory_space<hbm>>
    tpu.enqueue_dma source(%dma_start3A_588 : memref<1x1024xf32, #tpu.memory_space<hbm>>) target(%dma_start3A_586 : memref<1x1024xf32, #tpu.memory_space<vmem>>) target_semaphore(%arg7 : memref<!tpu.dma_semaphore, #tpu.memory_space<semaphore_mem>>)
    %dma_wait3A_589 = arith.constant 1 : i32
    %dma_wait3A_590 = arith.constant 0 : i32
    %dma_wait3A_591 = arith.constant 0 : i32
    %dma_wait3A_592 = tpu.memref_slice %arg3[%dma_wait3A_589, %dma_wait3A_590, %dma_wait3A_591] : memref<4x16x1024xf32, #tpu.memory_space<vmem>> -> memref<1x16x1024xf32, #tpu.memory_space<vmem>>
    %dma_wait3A_593 = tpu.memref_squeeze %dma_wait3A_592 : memref<1x16x1024xf32, #tpu.memory_space<vmem>> -> memref<16x1024xf32, #tpu.memory_space<vmem>>
    %dma_wait3A_594 = arith.constant 0 : i32
    %dma_wait3A_595 = arith.constant 0 : i32
    %dma_wait3A_596 = tpu.memref_slice %arg1[%dma_wait3A_594, %dma_wait3A_595] : memref<8192x1024xf32, #tpu.memory_space<hbm>> -> memref<16x1024xf32, #tpu.memory_space<hbm>>
    tpu.wait_dma2 semaphore(%arg5 : memref<!tpu.dma_semaphore, #tpu.memory_space<semaphore_mem>>) src(%dma_wait3A_596 : memref<16x1024xf32, #tpu.memory_space<hbm>>) dst(%dma_wait3A_593 : memref<16x1024xf32, #tpu.memory_space<vmem>>)
    %dma_start3A_597 = arith.constant 1 : i32
    %dma_start3A_598 = arith.constant 16 : i32
    %dma_start3A_599 = arith.constant 0 : i32
    %dma_start3A_600 = tpu.memref_slice %arg2[%dma_start3A_598, %dma_start3A_599] : memref<8192x1024xf32, #tpu.memory_space<hbm>> -> memref<16x1024xf32, #tpu.memory_space<hbm>>
    %dma_start3A_601 = arith.constant 0 : i32
    %dma_start3A_602 = arith.constant 0 : i32
    %dma_start3A_603 = tpu.memref_slice %arg3[%dma_start3A_597, %dma_start3A_601, %dma_start3A_602] : memref<4x16x1024xf32, #tpu.memory_space<vmem>> -> memref<1x16x1024xf32, #tpu.memory_space<vmem>>
    %dma_start3A_604 = tpu.memref_squeeze %dma_start3A_603 : memref<1x16x1024xf32, #tpu.memory_space<vmem>> -> memref<16x1024xf32, #tpu.memory_space<vmem>>
    tpu.enqueue_dma source(%dma_start3A_604 : memref<16x1024xf32, #tpu.memory_space<vmem>>) target(%dma_start3A_600 : memref<16x1024xf32, #tpu.memory_space<hbm>>) target_semaphore(%arg9 : memref<!tpu.dma_semaphore, #tpu.memory_space<semaphore_mem>>)
    %scan3A = arith.constant 1 : i32
    %scan3A_605 = arith.constant 127 : i32
    %scan3A_606 = arith.addi %scan3A, %scan3A_605 : i32
    %scan3A_607 = arith.constant 1 : i32
    scf.for %scan3A_673 = %scan3A to %scan3A_606 step %scan3A_607  : i32 {
      %mul3A = arith.constant 4 : i32
      %mul3A_674 = arith.muli %mul3A, %scan3A_673 : i32
      %add3A = arith.constant 0 : i32
      %add3A_675 = arith.addi %mul3A_674, %add3A : i32
      %dma_wait3A_676 = arith.constant 0 : i32
      %dma_wait3A_677 = arith.constant 0 : i32
      %dma_wait3A_678 = arith.constant 0 : i32
      %dma_wait3A_679 = tpu.memref_slice %arg2[%dma_wait3A_677, %dma_wait3A_678] : memref<8192x1024xf32, #tpu.memory_space<hbm>> -> memref<16x1024xf32, #tpu.memory_space<hbm>>
      %dma_wait3A_680 = arith.constant 0 : i32
      %dma_wait3A_681 = arith.constant 0 : i32
      %dma_wait3A_682 = tpu.memref_slice %arg3[%dma_wait3A_676, %dma_wait3A_680, %dma_wait3A_681] : memref<4x16x1024xf32, #tpu.memory_space<vmem>> -> memref<1x16x1024xf32, #tpu.memory_space<vmem>>
      %dma_wait3A_683 = tpu.memref_squeeze %dma_wait3A_682 : memref<1x16x1024xf32, #tpu.memory_space<vmem>> -> memref<16x1024xf32, #tpu.memory_space<vmem>>
      tpu.wait_dma2 semaphore(%arg8 : memref<!tpu.dma_semaphore, #tpu.memory_space<semaphore_mem>>) src(%dma_wait3A_683 : memref<16x1024xf32, #tpu.memory_space<vmem>>) dst(%dma_wait3A_679 : memref<16x1024xf32, #tpu.memory_space<hbm>>)
      %mul3A_684 = arith.constant 16 : i32
      %mul3A_685 = arith.muli %add3A_675, %mul3A_684 : i32
      %add3A_686 = arith.constant 0 : i32
      %add3A_687 = arith.addi %mul3A_685, %add3A_686 : i32
      %get3A_688 = arith.index_cast %add3A_687 : i32 to index
      %get3A_689 = memref.load %arg0[%get3A_688] : memref<8192xi32, #tpu.memory_space<smem>>
      %dma_start3A_690 = arith.constant 0 : i32
      %dma_start3A_691 = arith.constant 0 : i32
      %dma_start3A_692 = arith.constant 0 : i32
      %dma_start3A_693 = tpu.memref_slice %arg3[%dma_start3A_690, %dma_start3A_691, %dma_start3A_692] : memref<4x16x1024xf32, #tpu.memory_space<vmem>> -> memref<1x1x1024xf32, #tpu.memory_space<vmem>>
      %dma_start3A_694 = tpu.memref_squeeze %dma_start3A_693 : memref<1x1x1024xf32, #tpu.memory_space<vmem>> -> memref<1x1024xf32, #tpu.memory_space<vmem>>
      %dma_start3A_695 = arith.constant 0 : i32
      %dma_start3A_696 = tpu.memref_slice %arg1[%get3A_689, %dma_start3A_695] : memref<8192x1024xf32, #tpu.memory_space<hbm>> -> memref<1x1024xf32, #tpu.memory_space<hbm>>
      tpu.enqueue_dma source(%dma_start3A_696 : memref<1x1024xf32, #tpu.memory_space<hbm>>) target(%dma_start3A_694 : memref<1x1024xf32, #tpu.memory_space<vmem>>) target_semaphore(%arg4 : memref<!tpu.dma_semaphore, #tpu.memory_space<semaphore_mem>>)
      %mul3A_697 = arith.constant 16 : i32
      %mul3A_698 = arith.muli %add3A_675, %mul3A_697 : i32
      %add3A_699 = arith.constant 1 : i32
      %add3A_700 = arith.addi %mul3A_698, %add3A_699 : i32
      %get3A_701 = arith.index_cast %add3A_700 : i32 to index
      %get3A_702 = memref.load %arg0[%get3A_701] : memref<8192xi32, #tpu.memory_space<smem>>
      %dma_start3A_703 = arith.constant 0 : i32
      %dma_start3A_704 = arith.constant 1 : i32
      %dma_start3A_705 = arith.constant 0 : i32
      %dma_start3A_706 = tpu.memref_slice %arg3[%dma_start3A_703, %dma_start3A_704, %dma_start3A_705] : memref<4x16x1024xf32, #tpu.memory_space<vmem>> -> memref<1x1x1024xf32, #tpu.memory_space<vmem>>
      %dma_start3A_707 = tpu.memref_squeeze %dma_start3A_706 : memref<1x1x1024xf32, #tpu.memory_space<vmem>> -> memref<1x1024xf32, #tpu.memory_space<vmem>>
      %dma_start3A_708 = arith.constant 0 : i32
      %dma_start3A_709 = tpu.memref_slice %arg1[%get3A_702, %dma_start3A_708] : memref<8192x1024xf32, #tpu.memory_space<hbm>> -> memref<1x1024xf32, #tpu.memory_space<hbm>>
      tpu.enqueue_dma source(%dma_start3A_709 : memref<1x1024xf32, #tpu.memory_space<hbm>>) target(%dma_start3A_707 : memref<1x1024xf32, #tpu.memory_space<vmem>>) target_semaphore(%arg4 : memref<!tpu.dma_semaphore, #tpu.memory_space<semaphore_mem>>)
      %mul3A_710 = arith.constant 16 : i32
      %mul3A_711 = arith.muli %add3A_675, %mul3A_710 : i32
      %add3A_712 = arith.constant 2 : i32
      %add3A_713 = arith.addi %mul3A_711, %add3A_712 : i32
      %get3A_714 = arith.index_cast %add3A_713 : i32 to index
      %get3A_715 = memref.load %arg0[%get3A_714] : memref<8192xi32, #tpu.memory_space<smem>>
      %dma_start3A_716 = arith.constant 0 : i32
      %dma_start3A_717 = arith.constant 2 : i32
      %dma_start3A_718 = arith.constant 0 : i32
      %dma_start3A_719 = tpu.memref_slice %arg3[%dma_start3A_716, %dma_start3A_717, %dma_start3A_718] : memref<4x16x1024xf32, #tpu.memory_space<vmem>> -> memref<1x1x1024xf32, #tpu.memory_space<vmem>>
      %dma_start3A_720 = tpu.memref_squeeze %dma_start3A_719 : memref<1x1x1024xf32, #tpu.memory_space<vmem>> -> memref<1x1024xf32, #tpu.memory_space<vmem>>
      %dma_start3A_721 = arith.constant 0 : i32
      %dma_start3A_722 = tpu.memref_slice %arg1[%get3A_715, %dma_start3A_721] : memref<8192x1024xf32, #tpu.memory_space<hbm>> -> memref<1x1024xf32, #tpu.memory_space<hbm>>
      tpu.enqueue_dma source(%dma_start3A_722 : memref<1x1024xf32, #tpu.memory_space<hbm>>) target(%dma_start3A_720 : memref<1x1024xf32, #tpu.memory_space<vmem>>) target_semaphore(%arg4 : memref<!tpu.dma_semaphore, #tpu.memory_space<semaphore_mem>>)
      %mul3A_723 = arith.constant 16 : i32
      %mul3A_724 = arith.muli %add3A_675, %mul3A_723 : i32
      %add3A_725 = arith.constant 3 : i32
      %add3A_726 = arith.addi %mul3A_724, %add3A_725 : i32
      %get3A_727 = arith.index_cast %add3A_726 : i32 to index
      %get3A_728 = memref.load %arg0[%get3A_727] : memref<8192xi32, #tpu.memory_space<smem>>
      %dma_start3A_729 = arith.constant 0 : i32
      %dma_start3A_730 = arith.constant 3 : i32
      %dma_start3A_731 = arith.constant 0 : i32
      %dma_start3A_732 = tpu.memref_slice %arg3[%dma_start3A_729, %dma_start3A_730, %dma_start3A_731] : memref<4x16x1024xf32, #tpu.memory_space<vmem>> -> memref<1x1x1024xf32, #tpu.memory_space<vmem>>
      %dma_start3A_733 = tpu.memref_squeeze %dma_start3A_732 : memref<1x1x1024xf32, #tpu.memory_space<vmem>> -> memref<1x1024xf32, #tpu.memory_space<vmem>>
      %dma_start3A_734 = arith.constant 0 : i32
      %dma_start3A_735 = tpu.memref_slice %arg1[%get3A_728, %dma_start3A_734] : memref<8192x1024xf32, #tpu.memory_space<hbm>> -> memref<1x1024xf32, #tpu.memory_space<hbm>>
      tpu.enqueue_dma source(%dma_start3A_735 : memref<1x1024xf32, #tpu.memory_space<hbm>>) target(%dma_start3A_733 : memref<1x1024xf32, #tpu.memory_space<vmem>>) target_semaphore(%arg4 : memref<!tpu.dma_semaphore, #tpu.memory_space<semaphore_mem>>)
      %mul3A_736 = arith.constant 16 : i32
      %mul3A_737 = arith.muli %add3A_675, %mul3A_736 : i32
      %add3A_738 = arith.constant 4 : i32
      %add3A_739 = arith.addi %mul3A_737, %add3A_738 : i32
      %get3A_740 = arith.index_cast %add3A_739 : i32 to index
      %get3A_741 = memref.load %arg0[%get3A_740] : memref<8192xi32, #tpu.memory_space<smem>>
      %dma_start3A_742 = arith.constant 0 : i32
      %dma_start3A_743 = arith.constant 4 : i32
      %dma_start3A_744 = arith.constant 0 : i32
      %dma_start3A_745 = tpu.memref_slice %arg3[%dma_start3A_742, %dma_start3A_743, %dma_start3A_744] : memref<4x16x1024xf32, #tpu.memory_space<vmem>> -> memref<1x1x1024xf32, #tpu.memory_space<vmem>>
      %dma_start3A_746 = tpu.memref_squeeze %dma_start3A_745 : memref<1x1x1024xf32, #tpu.memory_space<vmem>> -> memref<1x1024xf32, #tpu.memory_space<vmem>>
      %dma_start3A_747 = arith.constant 0 : i32
      %dma_start3A_748 = tpu.memref_slice %arg1[%get3A_741, %dma_start3A_747] : memref<8192x1024xf32, #tpu.memory_space<hbm>> -> memref<1x1024xf32, #tpu.memory_space<hbm>>
      tpu.enqueue_dma source(%dma_start3A_748 : memref<1x1024xf32, #tpu.memory_space<hbm>>) target(%dma_start3A_746 : memref<1x1024xf32, #tpu.memory_space<vmem>>) target_semaphore(%arg4 : memref<!tpu.dma_semaphore, #tpu.memory_space<semaphore_mem>>)
      %mul3A_749 = arith.constant 16 : i32
      %mul3A_750 = arith.muli %add3A_675, %mul3A_749 : i32
      %add3A_751 = arith.constant 5 : i32
      %add3A_752 = arith.addi %mul3A_750, %add3A_751 : i32
      %get3A_753 = arith.index_cast %add3A_752 : i32 to index
      %get3A_754 = memref.load %arg0[%get3A_753] : memref<8192xi32, #tpu.memory_space<smem>>
      %dma_start3A_755 = arith.constant 0 : i32
      %dma_start3A_756 = arith.constant 5 : i32
      %dma_start3A_757 = arith.constant 0 : i32
      %dma_start3A_758 = tpu.memref_slice %arg3[%dma_start3A_755, %dma_start3A_756, %dma_start3A_757] : memref<4x16x1024xf32, #tpu.memory_space<vmem>> -> memref<1x1x1024xf32, #tpu.memory_space<vmem>>
      %dma_start3A_759 = tpu.memref_squeeze %dma_start3A_758 : memref<1x1x1024xf32, #tpu.memory_space<vmem>> -> memref<1x1024xf32, #tpu.memory_space<vmem>>
      %dma_start3A_760 = arith.constant 0 : i32
      %dma_start3A_761 = tpu.memref_slice %arg1[%get3A_754, %dma_start3A_760] : memref<8192x1024xf32, #tpu.memory_space<hbm>> -> memref<1x1024xf32, #tpu.memory_space<hbm>>
      tpu.enqueue_dma source(%dma_start3A_761 : memref<1x1024xf32, #tpu.memory_space<hbm>>) target(%dma_start3A_759 : memref<1x1024xf32, #tpu.memory_space<vmem>>) target_semaphore(%arg4 : memref<!tpu.dma_semaphore, #tpu.memory_space<semaphore_mem>>)
      %mul3A_762 = arith.constant 16 : i32
      %mul3A_763 = arith.muli %add3A_675, %mul3A_762 : i32
      %add3A_764 = arith.constant 6 : i32
      %add3A_765 = arith.addi %mul3A_763, %add3A_764 : i32
      %get3A_766 = arith.index_cast %add3A_765 : i32 to index
      %get3A_767 = memref.load %arg0[%get3A_766] : memref<8192xi32, #tpu.memory_space<smem>>
      %dma_start3A_768 = arith.constant 0 : i32
      %dma_start3A_769 = arith.constant 6 : i32
      %dma_start3A_770 = arith.constant 0 : i32
      %dma_start3A_771 = tpu.memref_slice %arg3[%dma_start3A_768, %dma_start3A_769, %dma_start3A_770] : memref<4x16x1024xf32, #tpu.memory_space<vmem>> -> memref<1x1x1024xf32, #tpu.memory_space<vmem>>
      %dma_start3A_772 = tpu.memref_squeeze %dma_start3A_771 : memref<1x1x1024xf32, #tpu.memory_space<vmem>> -> memref<1x1024xf32, #tpu.memory_space<vmem>>
      %dma_start3A_773 = arith.constant 0 : i32
      %dma_start3A_774 = tpu.memref_slice %arg1[%get3A_767, %dma_start3A_773] : memref<8192x1024xf32, #tpu.memory_space<hbm>> -> memref<1x1024xf32, #tpu.memory_space<hbm>>
      tpu.enqueue_dma source(%dma_start3A_774 : memref<1x1024xf32, #tpu.memory_space<hbm>>) target(%dma_start3A_772 : memref<1x1024xf32, #tpu.memory_space<vmem>>) target_semaphore(%arg4 : memref<!tpu.dma_semaphore, #tpu.memory_space<semaphore_mem>>)
      %mul3A_775 = arith.constant 16 : i32
      %mul3A_776 = arith.muli %add3A_675, %mul3A_775 : i32
      %add3A_777 = arith.constant 7 : i32
      %add3A_778 = arith.addi %mul3A_776, %add3A_777 : i32
      %get3A_779 = arith.index_cast %add3A_778 : i32 to index
      %get3A_780 = memref.load %arg0[%get3A_779] : memref<8192xi32, #tpu.memory_space<smem>>
      %dma_start3A_781 = arith.constant 0 : i32
      %dma_start3A_782 = arith.constant 7 : i32
      %dma_start3A_783 = arith.constant 0 : i32
      %dma_start3A_784 = tpu.memref_slice %arg3[%dma_start3A_781, %dma_start3A_782, %dma_start3A_783] : memref<4x16x1024xf32, #tpu.memory_space<vmem>> -> memref<1x1x1024xf32, #tpu.memory_space<vmem>>
      %dma_start3A_785 = tpu.memref_squeeze %dma_start3A_784 : memref<1x1x1024xf32, #tpu.memory_space<vmem>> -> memref<1x1024xf32, #tpu.memory_space<vmem>>
      %dma_start3A_786 = arith.constant 0 : i32
      %dma_start3A_787 = tpu.memref_slice %arg1[%get3A_780, %dma_start3A_786] : memref<8192x1024xf32, #tpu.memory_space<hbm>> -> memref<1x1024xf32, #tpu.memory_space<hbm>>
      tpu.enqueue_dma source(%dma_start3A_787 : memref<1x1024xf32, #tpu.memory_space<hbm>>) target(%dma_start3A_785 : memref<1x1024xf32, #tpu.memory_space<vmem>>) target_semaphore(%arg4 : memref<!tpu.dma_semaphore, #tpu.memory_space<semaphore_mem>>)
      %mul3A_788 = arith.constant 16 : i32
      %mul3A_789 = arith.muli %add3A_675, %mul3A_788 : i32
      %add3A_790 = arith.constant 8 : i32
      %add3A_791 = arith.addi %mul3A_789, %add3A_790 : i32
      %get3A_792 = arith.index_cast %add3A_791 : i32 to index
      %get3A_793 = memref.load %arg0[%get3A_792] : memref<8192xi32, #tpu.memory_space<smem>>
      %dma_start3A_794 = arith.constant 0 : i32
      %dma_start3A_795 = arith.constant 8 : i32
      %dma_start3A_796 = arith.constant 0 : i32
      %dma_start3A_797 = tpu.memref_slice %arg3[%dma_start3A_794, %dma_start3A_795, %dma_start3A_796] : memref<4x16x1024xf32, #tpu.memory_space<vmem>> -> memref<1x1x1024xf32, #tpu.memory_space<vmem>>
      %dma_start3A_798 = tpu.memref_squeeze %dma_start3A_797 : memref<1x1x1024xf32, #tpu.memory_space<vmem>> -> memref<1x1024xf32, #tpu.memory_space<vmem>>
      %dma_start3A_799 = arith.constant 0 : i32
      %dma_start3A_800 = tpu.memref_slice %arg1[%get3A_793, %dma_start3A_799] : memref<8192x1024xf32, #tpu.memory_space<hbm>> -> memref<1x1024xf32, #tpu.memory_space<hbm>>
      tpu.enqueue_dma source(%dma_start3A_800 : memref<1x1024xf32, #tpu.memory_space<hbm>>) target(%dma_start3A_798 : memref<1x1024xf32, #tpu.memory_space<vmem>>) target_semaphore(%arg4 : memref<!tpu.dma_semaphore, #tpu.memory_space<semaphore_mem>>)
      %mul3A_801 = arith.constant 16 : i32
      %mul3A_802 = arith.muli %add3A_675, %mul3A_801 : i32
      %add3A_803 = arith.constant 9 : i32
      %add3A_804 = arith.addi %mul3A_802, %add3A_803 : i32
      %get3A_805 = arith.index_cast %add3A_804 : i32 to index
      %get3A_806 = memref.load %arg0[%get3A_805] : memref<8192xi32, #tpu.memory_space<smem>>
      %dma_start3A_807 = arith.constant 0 : i32
      %dma_start3A_808 = arith.constant 9 : i32
      %dma_start3A_809 = arith.constant 0 : i32
      %dma_start3A_810 = tpu.memref_slice %arg3[%dma_start3A_807, %dma_start3A_808, %dma_start3A_809] : memref<4x16x1024xf32, #tpu.memory_space<vmem>> -> memref<1x1x1024xf32, #tpu.memory_space<vmem>>
      %dma_start3A_811 = tpu.memref_squeeze %dma_start3A_810 : memref<1x1x1024xf32, #tpu.memory_space<vmem>> -> memref<1x1024xf32, #tpu.memory_space<vmem>>
      %dma_start3A_812 = arith.constant 0 : i32
      %dma_start3A_813 = tpu.memref_slice %arg1[%get3A_806, %dma_start3A_812] : memref<8192x1024xf32, #tpu.memory_space<hbm>> -> memref<1x1024xf32, #tpu.memory_space<hbm>>
      tpu.enqueue_dma source(%dma_start3A_813 : memref<1x1024xf32, #tpu.memory_space<hbm>>) target(%dma_start3A_811 : memref<1x1024xf32, #tpu.memory_space<vmem>>) target_semaphore(%arg4 : memref<!tpu.dma_semaphore, #tpu.memory_space<semaphore_mem>>)
      %mul3A_814 = arith.constant 16 : i32
      %mul3A_815 = arith.muli %add3A_675, %mul3A_814 : i32
      %add3A_816 = arith.constant 10 : i32
      %add3A_817 = arith.addi %mul3A_815, %add3A_816 : i32
      %get3A_818 = arith.index_cast %add3A_817 : i32 to index
      %get3A_819 = memref.load %arg0[%get3A_818] : memref<8192xi32, #tpu.memory_space<smem>>
      %dma_start3A_820 = arith.constant 0 : i32
      %dma_start3A_821 = arith.constant 10 : i32
      %dma_start3A_822 = arith.constant 0 : i32
      %dma_start3A_823 = tpu.memref_slice %arg3[%dma_start3A_820, %dma_start3A_821, %dma_start3A_822] : memref<4x16x1024xf32, #tpu.memory_space<vmem>> -> memref<1x1x1024xf32, #tpu.memory_space<vmem>>
      %dma_start3A_824 = tpu.memref_squeeze %dma_start3A_823 : memref<1x1x1024xf32, #tpu.memory_space<vmem>> -> memref<1x1024xf32, #tpu.memory_space<vmem>>
      %dma_start3A_825 = arith.constant 0 : i32
      %dma_start3A_826 = tpu.memref_slice %arg1[%get3A_819, %dma_start3A_825] : memref<8192x1024xf32, #tpu.memory_space<hbm>> -> memref<1x1024xf32, #tpu.memory_space<hbm>>
      tpu.enqueue_dma source(%dma_start3A_826 : memref<1x1024xf32, #tpu.memory_space<hbm>>) target(%dma_start3A_824 : memref<1x1024xf32, #tpu.memory_space<vmem>>) target_semaphore(%arg4 : memref<!tpu.dma_semaphore, #tpu.memory_space<semaphore_mem>>)
      %mul3A_827 = arith.constant 16 : i32
      %mul3A_828 = arith.muli %add3A_675, %mul3A_827 : i32
      %add3A_829 = arith.constant 11 : i32
      %add3A_830 = arith.addi %mul3A_828, %add3A_829 : i32
      %get3A_831 = arith.index_cast %add3A_830 : i32 to index
      %get3A_832 = memref.load %arg0[%get3A_831] : memref<8192xi32, #tpu.memory_space<smem>>
      %dma_start3A_833 = arith.constant 0 : i32
      %dma_start3A_834 = arith.constant 11 : i32
      %dma_start3A_835 = arith.constant 0 : i32
      %dma_start3A_836 = tpu.memref_slice %arg3[%dma_start3A_833, %dma_start3A_834, %dma_start3A_835] : memref<4x16x1024xf32, #tpu.memory_space<vmem>> -> memref<1x1x1024xf32, #tpu.memory_space<vmem>>
      %dma_start3A_837 = tpu.memref_squeeze %dma_start3A_836 : memref<1x1x1024xf32, #tpu.memory_space<vmem>> -> memref<1x1024xf32, #tpu.memory_space<vmem>>
      %dma_start3A_838 = arith.constant 0 : i32
      %dma_start3A_839 = tpu.memref_slice %arg1[%get3A_832, %dma_start3A_838] : memref<8192x1024xf32, #tpu.memory_space<hbm>> -> memref<1x1024xf32, #tpu.memory_space<hbm>>
      tpu.enqueue_dma source(%dma_start3A_839 : memref<1x1024xf32, #tpu.memory_space<hbm>>) target(%dma_start3A_837 : memref<1x1024xf32, #tpu.memory_space<vmem>>) target_semaphore(%arg4 : memref<!tpu.dma_semaphore, #tpu.memory_space<semaphore_mem>>)
      %mul3A_840 = arith.constant 16 : i32
      %mul3A_841 = arith.muli %add3A_675, %mul3A_840 : i32
      %add3A_842 = arith.constant 12 : i32
      %add3A_843 = arith.addi %mul3A_841, %add3A_842 : i32
      %get3A_844 = arith.index_cast %add3A_843 : i32 to index
      %get3A_845 = memref.load %arg0[%get3A_844] : memref<8192xi32, #tpu.memory_space<smem>>
      %dma_start3A_846 = arith.constant 0 : i32
      %dma_start3A_847 = arith.constant 12 : i32
      %dma_start3A_848 = arith.constant 0 : i32
      %dma_start3A_849 = tpu.memref_slice %arg3[%dma_start3A_846, %dma_start3A_847, %dma_start3A_848] : memref<4x16x1024xf32, #tpu.memory_space<vmem>> -> memref<1x1x1024xf32, #tpu.memory_space<vmem>>
      %dma_start3A_850 = tpu.memref_squeeze %dma_start3A_849 : memref<1x1x1024xf32, #tpu.memory_space<vmem>> -> memref<1x1024xf32, #tpu.memory_space<vmem>>
      %dma_start3A_851 = arith.constant 0 : i32
      %dma_start3A_852 = tpu.memref_slice %arg1[%get3A_845, %dma_start3A_851] : memref<8192x1024xf32, #tpu.memory_space<hbm>> -> memref<1x1024xf32, #tpu.memory_space<hbm>>
      tpu.enqueue_dma source(%dma_start3A_852 : memref<1x1024xf32, #tpu.memory_space<hbm>>) target(%dma_start3A_850 : memref<1x1024xf32, #tpu.memory_space<vmem>>) target_semaphore(%arg4 : memref<!tpu.dma_semaphore, #tpu.memory_space<semaphore_mem>>)
      %mul3A_853 = arith.constant 16 : i32
      %mul3A_854 = arith.muli %add3A_675, %mul3A_853 : i32
      %add3A_855 = arith.constant 13 : i32
      %add3A_856 = arith.addi %mul3A_854, %add3A_855 : i32
      %get3A_857 = arith.index_cast %add3A_856 : i32 to index
      %get3A_858 = memref.load %arg0[%get3A_857] : memref<8192xi32, #tpu.memory_space<smem>>
      %dma_start3A_859 = arith.constant 0 : i32
      %dma_start3A_860 = arith.constant 13 : i32
      %dma_start3A_861 = arith.constant 0 : i32
      %dma_start3A_862 = tpu.memref_slice %arg3[%dma_start3A_859, %dma_start3A_860, %dma_start3A_861] : memref<4x16x1024xf32, #tpu.memory_space<vmem>> -> memref<1x1x1024xf32, #tpu.memory_space<vmem>>
      %dma_start3A_863 = tpu.memref_squeeze %dma_start3A_862 : memref<1x1x1024xf32, #tpu.memory_space<vmem>> -> memref<1x1024xf32, #tpu.memory_space<vmem>>
      %dma_start3A_864 = arith.constant 0 : i32
      %dma_start3A_865 = tpu.memref_slice %arg1[%get3A_858, %dma_start3A_864] : memref<8192x1024xf32, #tpu.memory_space<hbm>> -> memref<1x1024xf32, #tpu.memory_space<hbm>>
      tpu.enqueue_dma source(%dma_start3A_865 : memref<1x1024xf32, #tpu.memory_space<hbm>>) target(%dma_start3A_863 : memref<1x1024xf32, #tpu.memory_space<vmem>>) target_semaphore(%arg4 : memref<!tpu.dma_semaphore, #tpu.memory_space<semaphore_mem>>)
      %mul3A_866 = arith.constant 16 : i32
      %mul3A_867 = arith.muli %add3A_675, %mul3A_866 : i32
      %add3A_868 = arith.constant 14 : i32
      %add3A_869 = arith.addi %mul3A_867, %add3A_868 : i32
      %get3A_870 = arith.index_cast %add3A_869 : i32 to index
      %get3A_871 = memref.load %arg0[%get3A_870] : memref<8192xi32, #tpu.memory_space<smem>>
      %dma_start3A_872 = arith.constant 0 : i32
      %dma_start3A_873 = arith.constant 14 : i32
      %dma_start3A_874 = arith.constant 0 : i32
      %dma_start3A_875 = tpu.memref_slice %arg3[%dma_start3A_872, %dma_start3A_873, %dma_start3A_874] : memref<4x16x1024xf32, #tpu.memory_space<vmem>> -> memref<1x1x1024xf32, #tpu.memory_space<vmem>>
      %dma_start3A_876 = tpu.memref_squeeze %dma_start3A_875 : memref<1x1x1024xf32, #tpu.memory_space<vmem>> -> memref<1x1024xf32, #tpu.memory_space<vmem>>
      %dma_start3A_877 = arith.constant 0 : i32
      %dma_start3A_878 = tpu.memref_slice %arg1[%get3A_871, %dma_start3A_877] : memref<8192x1024xf32, #tpu.memory_space<hbm>> -> memref<1x1024xf32, #tpu.memory_space<hbm>>
      tpu.enqueue_dma source(%dma_start3A_878 : memref<1x1024xf32, #tpu.memory_space<hbm>>) target(%dma_start3A_876 : memref<1x1024xf32, #tpu.memory_space<vmem>>) target_semaphore(%arg4 : memref<!tpu.dma_semaphore, #tpu.memory_space<semaphore_mem>>)
      %mul3A_879 = arith.constant 16 : i32
      %mul3A_880 = arith.muli %add3A_675, %mul3A_879 : i32
      %add3A_881 = arith.constant 15 : i32
      %add3A_882 = arith.addi %mul3A_880, %add3A_881 : i32
      %get3A_883 = arith.index_cast %add3A_882 : i32 to index
      %get3A_884 = memref.load %arg0[%get3A_883] : memref<8192xi32, #tpu.memory_space<smem>>
      %dma_start3A_885 = arith.constant 0 : i32
      %dma_start3A_886 = arith.constant 15 : i32
      %dma_start3A_887 = arith.constant 0 : i32
      %dma_start3A_888 = tpu.memref_slice %arg3[%dma_start3A_885, %dma_start3A_886, %dma_start3A_887] : memref<4x16x1024xf32, #tpu.memory_space<vmem>> -> memref<1x1x1024xf32, #tpu.memory_space<vmem>>
      %dma_start3A_889 = tpu.memref_squeeze %dma_start3A_888 : memref<1x1x1024xf32, #tpu.memory_space<vmem>> -> memref<1x1024xf32, #tpu.memory_space<vmem>>
      %dma_start3A_890 = arith.constant 0 : i32
      %dma_start3A_891 = tpu.memref_slice %arg1[%get3A_884, %dma_start3A_890] : memref<8192x1024xf32, #tpu.memory_space<hbm>> -> memref<1x1024xf32, #tpu.memory_space<hbm>>
      tpu.enqueue_dma source(%dma_start3A_891 : memref<1x1024xf32, #tpu.memory_space<hbm>>) target(%dma_start3A_889 : memref<1x1024xf32, #tpu.memory_space<vmem>>) target_semaphore(%arg4 : memref<!tpu.dma_semaphore, #tpu.memory_space<semaphore_mem>>)
      %dma_wait3A_892 = arith.constant 2 : i32
      %dma_wait3A_893 = arith.constant 0 : i32
      %dma_wait3A_894 = arith.constant 0 : i32
      %dma_wait3A_895 = tpu.memref_slice %arg3[%dma_wait3A_892, %dma_wait3A_893, %dma_wait3A_894] : memref<4x16x1024xf32, #tpu.memory_space<vmem>> -> memref<1x16x1024xf32, #tpu.memory_space<vmem>>
      %dma_wait3A_896 = tpu.memref_squeeze %dma_wait3A_895 : memref<1x16x1024xf32, #tpu.memory_space<vmem>> -> memref<16x1024xf32, #tpu.memory_space<vmem>>
      %dma_wait3A_897 = arith.constant 0 : i32
      %dma_wait3A_898 = arith.constant 0 : i32
      %dma_wait3A_899 = tpu.memref_slice %arg1[%dma_wait3A_897, %dma_wait3A_898] : memref<8192x1024xf32, #tpu.memory_space<hbm>> -> memref<16x1024xf32, #tpu.memory_space<hbm>>
      tpu.wait_dma2 semaphore(%arg6 : memref<!tpu.dma_semaphore, #tpu.memory_space<semaphore_mem>>) src(%dma_wait3A_899 : memref<16x1024xf32, #tpu.memory_space<hbm>>) dst(%dma_wait3A_896 : memref<16x1024xf32, #tpu.memory_space<vmem>>)
      %sub3A = arith.constant 2 : i32
      %sub3A_900 = arith.subi %add3A_675, %sub3A : i32
      %mul3A_901 = arith.constant 16 : i32
      %mul3A_902 = arith.muli %sub3A_900, %mul3A_901 : i32
      %dma_start3A_903 = arith.constant 2 : i32
      %dma_start3A_904 = arith.constant 0 : i32
      %dma_start3A_905 = tpu.memref_slice %arg2[%mul3A_902, %dma_start3A_904] : memref<8192x1024xf32, #tpu.memory_space<hbm>> -> memref<16x1024xf32, #tpu.memory_space<hbm>>
      %dma_start3A_906 = arith.constant 0 : i32
      %dma_start3A_907 = arith.constant 0 : i32
      %dma_start3A_908 = tpu.memref_slice %arg3[%dma_start3A_903, %dma_start3A_906, %dma_start3A_907] : memref<4x16x1024xf32, #tpu.memory_space<vmem>> -> memref<1x16x1024xf32, #tpu.memory_space<vmem>>
      %dma_start3A_909 = tpu.memref_squeeze %dma_start3A_908 : memref<1x16x1024xf32, #tpu.memory_space<vmem>> -> memref<16x1024xf32, #tpu.memory_space<vmem>>
      tpu.enqueue_dma source(%dma_start3A_909 : memref<16x1024xf32, #tpu.memory_space<vmem>>) target(%dma_start3A_905 : memref<16x1024xf32, #tpu.memory_space<hbm>>) target_semaphore(%arg10 : memref<!tpu.dma_semaphore, #tpu.memory_space<semaphore_mem>>)
      %mul3A_910 = arith.constant 4 : i32
      %mul3A_911 = arith.muli %mul3A_910, %scan3A_673 : i32
      %add3A_912 = arith.constant 1 : i32
      %add3A_913 = arith.addi %mul3A_911, %add3A_912 : i32
      %dma_wait3A_914 = arith.constant 1 : i32
      %dma_wait3A_915 = arith.constant 0 : i32
      %dma_wait3A_916 = arith.constant 0 : i32
      %dma_wait3A_917 = tpu.memref_slice %arg2[%dma_wait3A_915, %dma_wait3A_916] : memref<8192x1024xf32, #tpu.memory_space<hbm>> -> memref<16x1024xf32, #tpu.memory_space<hbm>>
      %dma_wait3A_918 = arith.constant 0 : i32
      %dma_wait3A_919 = arith.constant 0 : i32
      %dma_wait3A_920 = tpu.memref_slice %arg3[%dma_wait3A_914, %dma_wait3A_918, %dma_wait3A_919] : memref<4x16x1024xf32, #tpu.memory_space<vmem>> -> memref<1x16x1024xf32, #tpu.memory_space<vmem>>
      %dma_wait3A_921 = tpu.memref_squeeze %dma_wait3A_920 : memref<1x16x1024xf32, #tpu.memory_space<vmem>> -> memref<16x1024xf32, #tpu.memory_space<vmem>>
      tpu.wait_dma2 semaphore(%arg9 : memref<!tpu.dma_semaphore, #tpu.memory_space<semaphore_mem>>) src(%dma_wait3A_921 : memref<16x1024xf32, #tpu.memory_space<vmem>>) dst(%dma_wait3A_917 : memref<16x1024xf32, #tpu.memory_space<hbm>>)
      %mul3A_922 = arith.constant 16 : i32
      %mul3A_923 = arith.muli %add3A_913, %mul3A_922 : i32
      %add3A_924 = arith.constant 0 : i32
      %add3A_925 = arith.addi %mul3A_923, %add3A_924 : i32
      %get3A_926 = arith.index_cast %add3A_925 : i32 to index
      %get3A_927 = memref.load %arg0[%get3A_926] : memref<8192xi32, #tpu.memory_space<smem>>
      %dma_start3A_928 = arith.constant 1 : i32
      %dma_start3A_929 = arith.constant 0 : i32
      %dma_start3A_930 = arith.constant 0 : i32
      %dma_start3A_931 = tpu.memref_slice %arg3[%dma_start3A_928, %dma_start3A_929, %dma_start3A_930] : memref<4x16x1024xf32, #tpu.memory_space<vmem>> -> memref<1x1x1024xf32, #tpu.memory_space<vmem>>
      %dma_start3A_932 = tpu.memref_squeeze %dma_start3A_931 : memref<1x1x1024xf32, #tpu.memory_space<vmem>> -> memref<1x1024xf32, #tpu.memory_space<vmem>>
      %dma_start3A_933 = arith.constant 0 : i32
      %dma_start3A_934 = tpu.memref_slice %arg1[%get3A_927, %dma_start3A_933] : memref<8192x1024xf32, #tpu.memory_space<hbm>> -> memref<1x1024xf32, #tpu.memory_space<hbm>>
      tpu.enqueue_dma source(%dma_start3A_934 : memref<1x1024xf32, #tpu.memory_space<hbm>>) target(%dma_start3A_932 : memref<1x1024xf32, #tpu.memory_space<vmem>>) target_semaphore(%arg5 : memref<!tpu.dma_semaphore, #tpu.memory_space<semaphore_mem>>)
      %mul3A_935 = arith.constant 16 : i32
      %mul3A_936 = arith.muli %add3A_913, %mul3A_935 : i32
      %add3A_937 = arith.constant 1 : i32
      %add3A_938 = arith.addi %mul3A_936, %add3A_937 : i32
      %get3A_939 = arith.index_cast %add3A_938 : i32 to index
      %get3A_940 = memref.load %arg0[%get3A_939] : memref<8192xi32, #tpu.memory_space<smem>>
      %dma_start3A_941 = arith.constant 1 : i32
      %dma_start3A_942 = arith.constant 1 : i32
      %dma_start3A_943 = arith.constant 0 : i32
      %dma_start3A_944 = tpu.memref_slice %arg3[%dma_start3A_941, %dma_start3A_942, %dma_start3A_943] : memref<4x16x1024xf32, #tpu.memory_space<vmem>> -> memref<1x1x1024xf32, #tpu.memory_space<vmem>>
      %dma_start3A_945 = tpu.memref_squeeze %dma_start3A_944 : memref<1x1x1024xf32, #tpu.memory_space<vmem>> -> memref<1x1024xf32, #tpu.memory_space<vmem>>
      %dma_start3A_946 = arith.constant 0 : i32
      %dma_start3A_947 = tpu.memref_slice %arg1[%get3A_940, %dma_start3A_946] : memref<8192x1024xf32, #tpu.memory_space<hbm>> -> memref<1x1024xf32, #tpu.memory_space<hbm>>
      tpu.enqueue_dma source(%dma_start3A_947 : memref<1x1024xf32, #tpu.memory_space<hbm>>) target(%dma_start3A_945 : memref<1x1024xf32, #tpu.memory_space<vmem>>) target_semaphore(%arg5 : memref<!tpu.dma_semaphore, #tpu.memory_space<semaphore_mem>>)
      %mul3A_948 = arith.constant 16 : i32
      %mul3A_949 = arith.muli %add3A_913, %mul3A_948 : i32
      %add3A_950 = arith.constant 2 : i32
      %add3A_951 = arith.addi %mul3A_949, %add3A_950 : i32
      %get3A_952 = arith.index_cast %add3A_951 : i32 to index
      %get3A_953 = memref.load %arg0[%get3A_952] : memref<8192xi32, #tpu.memory_space<smem>>
      %dma_start3A_954 = arith.constant 1 : i32
      %dma_start3A_955 = arith.constant 2 : i32
      %dma_start3A_956 = arith.constant 0 : i32
      %dma_start3A_957 = tpu.memref_slice %arg3[%dma_start3A_954, %dma_start3A_955, %dma_start3A_956] : memref<4x16x1024xf32, #tpu.memory_space<vmem>> -> memref<1x1x1024xf32, #tpu.memory_space<vmem>>
      %dma_start3A_958 = tpu.memref_squeeze %dma_start3A_957 : memref<1x1x1024xf32, #tpu.memory_space<vmem>> -> memref<1x1024xf32, #tpu.memory_space<vmem>>
      %dma_start3A_959 = arith.constant 0 : i32
      %dma_start3A_960 = tpu.memref_slice %arg1[%get3A_953, %dma_start3A_959] : memref<8192x1024xf32, #tpu.memory_space<hbm>> -> memref<1x1024xf32, #tpu.memory_space<hbm>>
      tpu.enqueue_dma source(%dma_start3A_960 : memref<1x1024xf32, #tpu.memory_space<hbm>>) target(%dma_start3A_958 : memref<1x1024xf32, #tpu.memory_space<vmem>>) target_semaphore(%arg5 : memref<!tpu.dma_semaphore, #tpu.memory_space<semaphore_mem>>)
      %mul3A_961 = arith.constant 16 : i32
      %mul3A_962 = arith.muli %add3A_913, %mul3A_961 : i32
      %add3A_963 = arith.constant 3 : i32
      %add3A_964 = arith.addi %mul3A_962, %add3A_963 : i32
      %get3A_965 = arith.index_cast %add3A_964 : i32 to index
      %get3A_966 = memref.load %arg0[%get3A_965] : memref<8192xi32, #tpu.memory_space<smem>>
      %dma_start3A_967 = arith.constant 1 : i32
      %dma_start3A_968 = arith.constant 3 : i32
      %dma_start3A_969 = arith.constant 0 : i32
      %dma_start3A_970 = tpu.memref_slice %arg3[%dma_start3A_967, %dma_start3A_968, %dma_start3A_969] : memref<4x16x1024xf32, #tpu.memory_space<vmem>> -> memref<1x1x1024xf32, #tpu.memory_space<vmem>>
      %dma_start3A_971 = tpu.memref_squeeze %dma_start3A_970 : memref<1x1x1024xf32, #tpu.memory_space<vmem>> -> memref<1x1024xf32, #tpu.memory_space<vmem>>
      %dma_start3A_972 = arith.constant 0 : i32
      %dma_start3A_973 = tpu.memref_slice %arg1[%get3A_966, %dma_start3A_972] : memref<8192x1024xf32, #tpu.memory_space<hbm>> -> memref<1x1024xf32, #tpu.memory_space<hbm>>
      tpu.enqueue_dma source(%dma_start3A_973 : memref<1x1024xf32, #tpu.memory_space<hbm>>) target(%dma_start3A_971 : memref<1x1024xf32, #tpu.memory_space<vmem>>) target_semaphore(%arg5 : memref<!tpu.dma_semaphore, #tpu.memory_space<semaphore_mem>>)
      %mul3A_974 = arith.constant 16 : i32
      %mul3A_975 = arith.muli %add3A_913, %mul3A_974 : i32
      %add3A_976 = arith.constant 4 : i32
      %add3A_977 = arith.addi %mul3A_975, %add3A_976 : i32
      %get3A_978 = arith.index_cast %add3A_977 : i32 to index
      %get3A_979 = memref.load %arg0[%get3A_978] : memref<8192xi32, #tpu.memory_space<smem>>
      %dma_start3A_980 = arith.constant 1 : i32
      %dma_start3A_981 = arith.constant 4 : i32
      %dma_start3A_982 = arith.constant 0 : i32
      %dma_start3A_983 = tpu.memref_slice %arg3[%dma_start3A_980, %dma_start3A_981, %dma_start3A_982] : memref<4x16x1024xf32, #tpu.memory_space<vmem>> -> memref<1x1x1024xf32, #tpu.memory_space<vmem>>
      %dma_start3A_984 = tpu.memref_squeeze %dma_start3A_983 : memref<1x1x1024xf32, #tpu.memory_space<vmem>> -> memref<1x1024xf32, #tpu.memory_space<vmem>>
      %dma_start3A_985 = arith.constant 0 : i32
      %dma_start3A_986 = tpu.memref_slice %arg1[%get3A_979, %dma_start3A_985] : memref<8192x1024xf32, #tpu.memory_space<hbm>> -> memref<1x1024xf32, #tpu.memory_space<hbm>>
      tpu.enqueue_dma source(%dma_start3A_986 : memref<1x1024xf32, #tpu.memory_space<hbm>>) target(%dma_start3A_984 : memref<1x1024xf32, #tpu.memory_space<vmem>>) target_semaphore(%arg5 : memref<!tpu.dma_semaphore, #tpu.memory_space<semaphore_mem>>)
      %mul3A_987 = arith.constant 16 : i32
      %mul3A_988 = arith.muli %add3A_913, %mul3A_987 : i32
      %add3A_989 = arith.constant 5 : i32
      %add3A_990 = arith.addi %mul3A_988, %add3A_989 : i32
      %get3A_991 = arith.index_cast %add3A_990 : i32 to index
      %get3A_992 = memref.load %arg0[%get3A_991] : memref<8192xi32, #tpu.memory_space<smem>>
      %dma_start3A_993 = arith.constant 1 : i32
      %dma_start3A_994 = arith.constant 5 : i32
      %dma_start3A_995 = arith.constant 0 : i32
      %dma_start3A_996 = tpu.memref_slice %arg3[%dma_start3A_993, %dma_start3A_994, %dma_start3A_995] : memref<4x16x1024xf32, #tpu.memory_space<vmem>> -> memref<1x1x1024xf32, #tpu.memory_space<vmem>>
      %dma_start3A_997 = tpu.memref_squeeze %dma_start3A_996 : memref<1x1x1024xf32, #tpu.memory_space<vmem>> -> memref<1x1024xf32, #tpu.memory_space<vmem>>
      %dma_start3A_998 = arith.constant 0 : i32
      %dma_start3A_999 = tpu.memref_slice %arg1[%get3A_992, %dma_start3A_998] : memref<8192x1024xf32, #tpu.memory_space<hbm>> -> memref<1x1024xf32, #tpu.memory_space<hbm>>
      tpu.enqueue_dma source(%dma_start3A_999 : memref<1x1024xf32, #tpu.memory_space<hbm>>) target(%dma_start3A_997 : memref<1x1024xf32, #tpu.memory_space<vmem>>) target_semaphore(%arg5 : memref<!tpu.dma_semaphore, #tpu.memory_space<semaphore_mem>>)
      %mul3A_1000 = arith.constant 16 : i32
      %mul3A_1001 = arith.muli %add3A_913, %mul3A_1000 : i32
      %add3A_1002 = arith.constant 6 : i32
      %add3A_1003 = arith.addi %mul3A_1001, %add3A_1002 : i32
      %get3A_1004 = arith.index_cast %add3A_1003 : i32 to index
      %get3A_1005 = memref.load %arg0[%get3A_1004] : memref<8192xi32, #tpu.memory_space<smem>>
      %dma_start3A_1006 = arith.constant 1 : i32
      %dma_start3A_1007 = arith.constant 6 : i32
      %dma_start3A_1008 = arith.constant 0 : i32
      %dma_start3A_1009 = tpu.memref_slice %arg3[%dma_start3A_1006, %dma_start3A_1007, %dma_start3A_1008] : memref<4x16x1024xf32, #tpu.memory_space<vmem>> -> memref<1x1x1024xf32, #tpu.memory_space<vmem>>
      %dma_start3A_1010 = tpu.memref_squeeze %dma_start3A_1009 : memref<1x1x1024xf32, #tpu.memory_space<vmem>> -> memref<1x1024xf32, #tpu.memory_space<vmem>>
      %dma_start3A_1011 = arith.constant 0 : i32
      %dma_start3A_1012 = tpu.memref_slice %arg1[%get3A_1005, %dma_start3A_1011] : memref<8192x1024xf32, #tpu.memory_space<hbm>> -> memref<1x1024xf32, #tpu.memory_space<hbm>>
      tpu.enqueue_dma source(%dma_start3A_1012 : memref<1x1024xf32, #tpu.memory_space<hbm>>) target(%dma_start3A_1010 : memref<1x1024xf32, #tpu.memory_space<vmem>>) target_semaphore(%arg5 : memref<!tpu.dma_semaphore, #tpu.memory_space<semaphore_mem>>)
      %mul3A_1013 = arith.constant 16 : i32
      %mul3A_1014 = arith.muli %add3A_913, %mul3A_1013 : i32
      %add3A_1015 = arith.constant 7 : i32
      %add3A_1016 = arith.addi %mul3A_1014, %add3A_1015 : i32
      %get3A_1017 = arith.index_cast %add3A_1016 : i32 to index
      %get3A_1018 = memref.load %arg0[%get3A_1017] : memref<8192xi32, #tpu.memory_space<smem>>
      %dma_start3A_1019 = arith.constant 1 : i32
      %dma_start3A_1020 = arith.constant 7 : i32
      %dma_start3A_1021 = arith.constant 0 : i32
      %dma_start3A_1022 = tpu.memref_slice %arg3[%dma_start3A_1019, %dma_start3A_1020, %dma_start3A_1021] : memref<4x16x1024xf32, #tpu.memory_space<vmem>> -> memref<1x1x1024xf32, #tpu.memory_space<vmem>>
      %dma_start3A_1023 = tpu.memref_squeeze %dma_start3A_1022 : memref<1x1x1024xf32, #tpu.memory_space<vmem>> -> memref<1x1024xf32, #tpu.memory_space<vmem>>
      %dma_start3A_1024 = arith.constant 0 : i32
      %dma_start3A_1025 = tpu.memref_slice %arg1[%get3A_1018, %dma_start3A_1024] : memref<8192x1024xf32, #tpu.memory_space<hbm>> -> memref<1x1024xf32, #tpu.memory_space<hbm>>
      tpu.enqueue_dma source(%dma_start3A_1025 : memref<1x1024xf32, #tpu.memory_space<hbm>>) target(%dma_start3A_1023 : memref<1x1024xf32, #tpu.memory_space<vmem>>) target_semaphore(%arg5 : memref<!tpu.dma_semaphore, #tpu.memory_space<semaphore_mem>>)
      %mul3A_1026 = arith.constant 16 : i32
      %mul3A_1027 = arith.muli %add3A_913, %mul3A_1026 : i32
      %add3A_1028 = arith.constant 8 : i32
      %add3A_1029 = arith.addi %mul3A_1027, %add3A_1028 : i32
      %get3A_1030 = arith.index_cast %add3A_1029 : i32 to index
      %get3A_1031 = memref.load %arg0[%get3A_1030] : memref<8192xi32, #tpu.memory_space<smem>>
      %dma_start3A_1032 = arith.constant 1 : i32
      %dma_start3A_1033 = arith.constant 8 : i32
      %dma_start3A_1034 = arith.constant 0 : i32
      %dma_start3A_1035 = tpu.memref_slice %arg3[%dma_start3A_1032, %dma_start3A_1033, %dma_start3A_1034] : memref<4x16x1024xf32, #tpu.memory_space<vmem>> -> memref<1x1x1024xf32, #tpu.memory_space<vmem>>
      %dma_start3A_1036 = tpu.memref_squeeze %dma_start3A_1035 : memref<1x1x1024xf32, #tpu.memory_space<vmem>> -> memref<1x1024xf32, #tpu.memory_space<vmem>>
      %dma_start3A_1037 = arith.constant 0 : i32
      %dma_start3A_1038 = tpu.memref_slice %arg1[%get3A_1031, %dma_start3A_1037] : memref<8192x1024xf32, #tpu.memory_space<hbm>> -> memref<1x1024xf32, #tpu.memory_space<hbm>>
      tpu.enqueue_dma source(%dma_start3A_1038 : memref<1x1024xf32, #tpu.memory_space<hbm>>) target(%dma_start3A_1036 : memref<1x1024xf32, #tpu.memory_space<vmem>>) target_semaphore(%arg5 : memref<!tpu.dma_semaphore, #tpu.memory_space<semaphore_mem>>)
      %mul3A_1039 = arith.constant 16 : i32
      %mul3A_1040 = arith.muli %add3A_913, %mul3A_1039 : i32
      %add3A_1041 = arith.constant 9 : i32
      %add3A_1042 = arith.addi %mul3A_1040, %add3A_1041 : i32
      %get3A_1043 = arith.index_cast %add3A_1042 : i32 to index
      %get3A_1044 = memref.load %arg0[%get3A_1043] : memref<8192xi32, #tpu.memory_space<smem>>
      %dma_start3A_1045 = arith.constant 1 : i32
      %dma_start3A_1046 = arith.constant 9 : i32
      %dma_start3A_1047 = arith.constant 0 : i32
      %dma_start3A_1048 = tpu.memref_slice %arg3[%dma_start3A_1045, %dma_start3A_1046, %dma_start3A_1047] : memref<4x16x1024xf32, #tpu.memory_space<vmem>> -> memref<1x1x1024xf32, #tpu.memory_space<vmem>>
      %dma_start3A_1049 = tpu.memref_squeeze %dma_start3A_1048 : memref<1x1x1024xf32, #tpu.memory_space<vmem>> -> memref<1x1024xf32, #tpu.memory_space<vmem>>
      %dma_start3A_1050 = arith.constant 0 : i32
      %dma_start3A_1051 = tpu.memref_slice %arg1[%get3A_1044, %dma_start3A_1050] : memref<8192x1024xf32, #tpu.memory_space<hbm>> -> memref<1x1024xf32, #tpu.memory_space<hbm>>
      tpu.enqueue_dma source(%dma_start3A_1051 : memref<1x1024xf32, #tpu.memory_space<hbm>>) target(%dma_start3A_1049 : memref<1x1024xf32, #tpu.memory_space<vmem>>) target_semaphore(%arg5 : memref<!tpu.dma_semaphore, #tpu.memory_space<semaphore_mem>>)
      %mul3A_1052 = arith.constant 16 : i32
      %mul3A_1053 = arith.muli %add3A_913, %mul3A_1052 : i32
      %add3A_1054 = arith.constant 10 : i32
      %add3A_1055 = arith.addi %mul3A_1053, %add3A_1054 : i32
      %get3A_1056 = arith.index_cast %add3A_1055 : i32 to index
      %get3A_1057 = memref.load %arg0[%get3A_1056] : memref<8192xi32, #tpu.memory_space<smem>>
      %dma_start3A_1058 = arith.constant 1 : i32
      %dma_start3A_1059 = arith.constant 10 : i32
      %dma_start3A_1060 = arith.constant 0 : i32
      %dma_start3A_1061 = tpu.memref_slice %arg3[%dma_start3A_1058, %dma_start3A_1059, %dma_start3A_1060] : memref<4x16x1024xf32, #tpu.memory_space<vmem>> -> memref<1x1x1024xf32, #tpu.memory_space<vmem>>
      %dma_start3A_1062 = tpu.memref_squeeze %dma_start3A_1061 : memref<1x1x1024xf32, #tpu.memory_space<vmem>> -> memref<1x1024xf32, #tpu.memory_space<vmem>>
      %dma_start3A_1063 = arith.constant 0 : i32
      %dma_start3A_1064 = tpu.memref_slice %arg1[%get3A_1057, %dma_start3A_1063] : memref<8192x1024xf32, #tpu.memory_space<hbm>> -> memref<1x1024xf32, #tpu.memory_space<hbm>>
      tpu.enqueue_dma source(%dma_start3A_1064 : memref<1x1024xf32, #tpu.memory_space<hbm>>) target(%dma_start3A_1062 : memref<1x1024xf32, #tpu.memory_space<vmem>>) target_semaphore(%arg5 : memref<!tpu.dma_semaphore, #tpu.memory_space<semaphore_mem>>)
      %mul3A_1065 = arith.constant 16 : i32
      %mul3A_1066 = arith.muli %add3A_913, %mul3A_1065 : i32
      %add3A_1067 = arith.constant 11 : i32
      %add3A_1068 = arith.addi %mul3A_1066, %add3A_1067 : i32
      %get3A_1069 = arith.index_cast %add3A_1068 : i32 to index
      %get3A_1070 = memref.load %arg0[%get3A_1069] : memref<8192xi32, #tpu.memory_space<smem>>
      %dma_start3A_1071 = arith.constant 1 : i32
      %dma_start3A_1072 = arith.constant 11 : i32
      %dma_start3A_1073 = arith.constant 0 : i32
      %dma_start3A_1074 = tpu.memref_slice %arg3[%dma_start3A_1071, %dma_start3A_1072, %dma_start3A_1073] : memref<4x16x1024xf32, #tpu.memory_space<vmem>> -> memref<1x1x1024xf32, #tpu.memory_space<vmem>>
      %dma_start3A_1075 = tpu.memref_squeeze %dma_start3A_1074 : memref<1x1x1024xf32, #tpu.memory_space<vmem>> -> memref<1x1024xf32, #tpu.memory_space<vmem>>
      %dma_start3A_1076 = arith.constant 0 : i32
      %dma_start3A_1077 = tpu.memref_slice %arg1[%get3A_1070, %dma_start3A_1076] : memref<8192x1024xf32, #tpu.memory_space<hbm>> -> memref<1x1024xf32, #tpu.memory_space<hbm>>
      tpu.enqueue_dma source(%dma_start3A_1077 : memref<1x1024xf32, #tpu.memory_space<hbm>>) target(%dma_start3A_1075 : memref<1x1024xf32, #tpu.memory_space<vmem>>) target_semaphore(%arg5 : memref<!tpu.dma_semaphore, #tpu.memory_space<semaphore_mem>>)
      %mul3A_1078 = arith.constant 16 : i32
      %mul3A_1079 = arith.muli %add3A_913, %mul3A_1078 : i32
      %add3A_1080 = arith.constant 12 : i32
      %add3A_1081 = arith.addi %mul3A_1079, %add3A_1080 : i32
      %get3A_1082 = arith.index_cast %add3A_1081 : i32 to index
      %get3A_1083 = memref.load %arg0[%get3A_1082] : memref<8192xi32, #tpu.memory_space<smem>>
      %dma_start3A_1084 = arith.constant 1 : i32
      %dma_start3A_1085 = arith.constant 12 : i32
      %dma_start3A_1086 = arith.constant 0 : i32
      %dma_start3A_1087 = tpu.memref_slice %arg3[%dma_start3A_1084, %dma_start3A_1085, %dma_start3A_1086] : memref<4x16x1024xf32, #tpu.memory_space<vmem>> -> memref<1x1x1024xf32, #tpu.memory_space<vmem>>
      %dma_start3A_1088 = tpu.memref_squeeze %dma_start3A_1087 : memref<1x1x1024xf32, #tpu.memory_space<vmem>> -> memref<1x1024xf32, #tpu.memory_space<vmem>>
      %dma_start3A_1089 = arith.constant 0 : i32
      %dma_start3A_1090 = tpu.memref_slice %arg1[%get3A_1083, %dma_start3A_1089] : memref<8192x1024xf32, #tpu.memory_space<hbm>> -> memref<1x1024xf32, #tpu.memory_space<hbm>>
      tpu.enqueue_dma source(%dma_start3A_1090 : memref<1x1024xf32, #tpu.memory_space<hbm>>) target(%dma_start3A_1088 : memref<1x1024xf32, #tpu.memory_space<vmem>>) target_semaphore(%arg5 : memref<!tpu.dma_semaphore, #tpu.memory_space<semaphore_mem>>)
      %mul3A_1091 = arith.constant 16 : i32
      %mul3A_1092 = arith.muli %add3A_913, %mul3A_1091 : i32
      %add3A_1093 = arith.constant 13 : i32
      %add3A_1094 = arith.addi %mul3A_1092, %add3A_1093 : i32
      %get3A_1095 = arith.index_cast %add3A_1094 : i32 to index
      %get3A_1096 = memref.load %arg0[%get3A_1095] : memref<8192xi32, #tpu.memory_space<smem>>
      %dma_start3A_1097 = arith.constant 1 : i32
      %dma_start3A_1098 = arith.constant 13 : i32
      %dma_start3A_1099 = arith.constant 0 : i32
      %dma_start3A_1100 = tpu.memref_slice %arg3[%dma_start3A_1097, %dma_start3A_1098, %dma_start3A_1099] : memref<4x16x1024xf32, #tpu.memory_space<vmem>> -> memref<1x1x1024xf32, #tpu.memory_space<vmem>>
      %dma_start3A_1101 = tpu.memref_squeeze %dma_start3A_1100 : memref<1x1x1024xf32, #tpu.memory_space<vmem>> -> memref<1x1024xf32, #tpu.memory_space<vmem>>
      %dma_start3A_1102 = arith.constant 0 : i32
      %dma_start3A_1103 = tpu.memref_slice %arg1[%get3A_1096, %dma_start3A_1102] : memref<8192x1024xf32, #tpu.memory_space<hbm>> -> memref<1x1024xf32, #tpu.memory_space<hbm>>
      tpu.enqueue_dma source(%dma_start3A_1103 : memref<1x1024xf32, #tpu.memory_space<hbm>>) target(%dma_start3A_1101 : memref<1x1024xf32, #tpu.memory_space<vmem>>) target_semaphore(%arg5 : memref<!tpu.dma_semaphore, #tpu.memory_space<semaphore_mem>>)
      %mul3A_1104 = arith.constant 16 : i32
      %mul3A_1105 = arith.muli %add3A_913, %mul3A_1104 : i32
      %add3A_1106 = arith.constant 14 : i32
      %add3A_1107 = arith.addi %mul3A_1105, %add3A_1106 : i32
      %get3A_1108 = arith.index_cast %add3A_1107 : i32 to index
      %get3A_1109 = memref.load %arg0[%get3A_1108] : memref<8192xi32, #tpu.memory_space<smem>>
      %dma_start3A_1110 = arith.constant 1 : i32
      %dma_start3A_1111 = arith.constant 14 : i32
      %dma_start3A_1112 = arith.constant 0 : i32
      %dma_start3A_1113 = tpu.memref_slice %arg3[%dma_start3A_1110, %dma_start3A_1111, %dma_start3A_1112] : memref<4x16x1024xf32, #tpu.memory_space<vmem>> -> memref<1x1x1024xf32, #tpu.memory_space<vmem>>
      %dma_start3A_1114 = tpu.memref_squeeze %dma_start3A_1113 : memref<1x1x1024xf32, #tpu.memory_space<vmem>> -> memref<1x1024xf32, #tpu.memory_space<vmem>>
      %dma_start3A_1115 = arith.constant 0 : i32
      %dma_start3A_1116 = tpu.memref_slice %arg1[%get3A_1109, %dma_start3A_1115] : memref<8192x1024xf32, #tpu.memory_space<hbm>> -> memref<1x1024xf32, #tpu.memory_space<hbm>>
      tpu.enqueue_dma source(%dma_start3A_1116 : memref<1x1024xf32, #tpu.memory_space<hbm>>) target(%dma_start3A_1114 : memref<1x1024xf32, #tpu.memory_space<vmem>>) target_semaphore(%arg5 : memref<!tpu.dma_semaphore, #tpu.memory_space<semaphore_mem>>)
      %mul3A_1117 = arith.constant 16 : i32
      %mul3A_1118 = arith.muli %add3A_913, %mul3A_1117 : i32
      %add3A_1119 = arith.constant 15 : i32
      %add3A_1120 = arith.addi %mul3A_1118, %add3A_1119 : i32
      %get3A_1121 = arith.index_cast %add3A_1120 : i32 to index
      %get3A_1122 = memref.load %arg0[%get3A_1121] : memref<8192xi32, #tpu.memory_space<smem>>
      %dma_start3A_1123 = arith.constant 1 : i32
      %dma_start3A_1124 = arith.constant 15 : i32
      %dma_start3A_1125 = arith.constant 0 : i32
      %dma_start3A_1126 = tpu.memref_slice %arg3[%dma_start3A_1123, %dma_start3A_1124, %dma_start3A_1125] : memref<4x16x1024xf32, #tpu.memory_space<vmem>> -> memref<1x1x1024xf32, #tpu.memory_space<vmem>>
      %dma_start3A_1127 = tpu.memref_squeeze %dma_start3A_1126 : memref<1x1x1024xf32, #tpu.memory_space<vmem>> -> memref<1x1024xf32, #tpu.memory_space<vmem>>
      %dma_start3A_1128 = arith.constant 0 : i32
      %dma_start3A_1129 = tpu.memref_slice %arg1[%get3A_1122, %dma_start3A_1128] : memref<8192x1024xf32, #tpu.memory_space<hbm>> -> memref<1x1024xf32, #tpu.memory_space<hbm>>
      tpu.enqueue_dma source(%dma_start3A_1129 : memref<1x1024xf32, #tpu.memory_space<hbm>>) target(%dma_start3A_1127 : memref<1x1024xf32, #tpu.memory_space<vmem>>) target_semaphore(%arg5 : memref<!tpu.dma_semaphore, #tpu.memory_space<semaphore_mem>>)
      %dma_wait3A_1130 = arith.constant 3 : i32
      %dma_wait3A_1131 = arith.constant 0 : i32
      %dma_wait3A_1132 = arith.constant 0 : i32
      %dma_wait3A_1133 = tpu.memref_slice %arg3[%dma_wait3A_1130, %dma_wait3A_1131, %dma_wait3A_1132] : memref<4x16x1024xf32, #tpu.memory_space<vmem>> -> memref<1x16x1024xf32, #tpu.memory_space<vmem>>
      %dma_wait3A_1134 = tpu.memref_squeeze %dma_wait3A_1133 : memref<1x16x1024xf32, #tpu.memory_space<vmem>> -> memref<16x1024xf32, #tpu.memory_space<vmem>>
      %dma_wait3A_1135 = arith.constant 0 : i32
      %dma_wait3A_1136 = arith.constant 0 : i32
      %dma_wait3A_1137 = tpu.memref_slice %arg1[%dma_wait3A_1135, %dma_wait3A_1136] : memref<8192x1024xf32, #tpu.memory_space<hbm>> -> memref<16x1024xf32, #tpu.memory_space<hbm>>
      tpu.wait_dma2 semaphore(%arg7 : memref<!tpu.dma_semaphore, #tpu.memory_space<semaphore_mem>>) src(%dma_wait3A_1137 : memref<16x1024xf32, #tpu.memory_space<hbm>>) dst(%dma_wait3A_1134 : memref<16x1024xf32, #tpu.memory_space<vmem>>)
      %sub3A_1138 = arith.constant 2 : i32
      %sub3A_1139 = arith.subi %add3A_913, %sub3A_1138 : i32
      %mul3A_1140 = arith.constant 16 : i32
      %mul3A_1141 = arith.muli %sub3A_1139, %mul3A_1140 : i32
      %dma_start3A_1142 = arith.constant 3 : i32
      %dma_start3A_1143 = arith.constant 0 : i32
      %dma_start3A_1144 = tpu.memref_slice %arg2[%mul3A_1141, %dma_start3A_1143] : memref<8192x1024xf32, #tpu.memory_space<hbm>> -> memref<16x1024xf32, #tpu.memory_space<hbm>>
      %dma_start3A_1145 = arith.constant 0 : i32
      %dma_start3A_1146 = arith.constant 0 : i32
      %dma_start3A_1147 = tpu.memref_slice %arg3[%dma_start3A_1142, %dma_start3A_1145, %dma_start3A_1146] : memref<4x16x1024xf32, #tpu.memory_space<vmem>> -> memref<1x16x1024xf32, #tpu.memory_space<vmem>>
      %dma_start3A_1148 = tpu.memref_squeeze %dma_start3A_1147 : memref<1x16x1024xf32, #tpu.memory_space<vmem>> -> memref<16x1024xf32, #tpu.memory_space<vmem>>
      tpu.enqueue_dma source(%dma_start3A_1148 : memref<16x1024xf32, #tpu.memory_space<vmem>>) target(%dma_start3A_1144 : memref<16x1024xf32, #tpu.memory_space<hbm>>) target_semaphore(%arg11 : memref<!tpu.dma_semaphore, #tpu.memory_space<semaphore_mem>>)
      %mul3A_1149 = arith.constant 4 : i32
      %mul3A_1150 = arith.muli %mul3A_1149, %scan3A_673 : i32
      %add3A_1151 = arith.constant 2 : i32
      %add3A_1152 = arith.addi %mul3A_1150, %add3A_1151 : i32
      %dma_wait3A_1153 = arith.constant 2 : i32
      %dma_wait3A_1154 = arith.constant 0 : i32
      %dma_wait3A_1155 = arith.constant 0 : i32
      %dma_wait3A_1156 = tpu.memref_slice %arg2[%dma_wait3A_1154, %dma_wait3A_1155] : memref<8192x1024xf32, #tpu.memory_space<hbm>> -> memref<16x1024xf32, #tpu.memory_space<hbm>>
      %dma_wait3A_1157 = arith.constant 0 : i32
      %dma_wait3A_1158 = arith.constant 0 : i32
      %dma_wait3A_1159 = tpu.memref_slice %arg3[%dma_wait3A_1153, %dma_wait3A_1157, %dma_wait3A_1158] : memref<4x16x1024xf32, #tpu.memory_space<vmem>> -> memref<1x16x1024xf32, #tpu.memory_space<vmem>>
      %dma_wait3A_1160 = tpu.memref_squeeze %dma_wait3A_1159 : memref<1x16x1024xf32, #tpu.memory_space<vmem>> -> memref<16x1024xf32, #tpu.memory_space<vmem>>
      tpu.wait_dma2 semaphore(%arg10 : memref<!tpu.dma_semaphore, #tpu.memory_space<semaphore_mem>>) src(%dma_wait3A_1160 : memref<16x1024xf32, #tpu.memory_space<vmem>>) dst(%dma_wait3A_1156 : memref<16x1024xf32, #tpu.memory_space<hbm>>)
      %mul3A_1161 = arith.constant 16 : i32
      %mul3A_1162 = arith.muli %add3A_1152, %mul3A_1161 : i32
      %add3A_1163 = arith.constant 0 : i32
      %add3A_1164 = arith.addi %mul3A_1162, %add3A_1163 : i32
      %get3A_1165 = arith.index_cast %add3A_1164 : i32 to index
      %get3A_1166 = memref.load %arg0[%get3A_1165] : memref<8192xi32, #tpu.memory_space<smem>>
      %dma_start3A_1167 = arith.constant 2 : i32
      %dma_start3A_1168 = arith.constant 0 : i32
      %dma_start3A_1169 = arith.constant 0 : i32
      %dma_start3A_1170 = tpu.memref_slice %arg3[%dma_start3A_1167, %dma_start3A_1168, %dma_start3A_1169] : memref<4x16x1024xf32, #tpu.memory_space<vmem>> -> memref<1x1x1024xf32, #tpu.memory_space<vmem>>
      %dma_start3A_1171 = tpu.memref_squeeze %dma_start3A_1170 : memref<1x1x1024xf32, #tpu.memory_space<vmem>> -> memref<1x1024xf32, #tpu.memory_space<vmem>>
      %dma_start3A_1172 = arith.constant 0 : i32
      %dma_start3A_1173 = tpu.memref_slice %arg1[%get3A_1166, %dma_start3A_1172] : memref<8192x1024xf32, #tpu.memory_space<hbm>> -> memref<1x1024xf32, #tpu.memory_space<hbm>>
      tpu.enqueue_dma source(%dma_start3A_1173 : memref<1x1024xf32, #tpu.memory_space<hbm>>) target(%dma_start3A_1171 : memref<1x1024xf32, #tpu.memory_space<vmem>>) target_semaphore(%arg6 : memref<!tpu.dma_semaphore, #tpu.memory_space<semaphore_mem>>)
      %mul3A_1174 = arith.constant 16 : i32
      %mul3A_1175 = arith.muli %add3A_1152, %mul3A_1174 : i32
      %add3A_1176 = arith.constant 1 : i32
      %add3A_1177 = arith.addi %mul3A_1175, %add3A_1176 : i32
      %get3A_1178 = arith.index_cast %add3A_1177 : i32 to index
      %get3A_1179 = memref.load %arg0[%get3A_1178] : memref<8192xi32, #tpu.memory_space<smem>>
      %dma_start3A_1180 = arith.constant 2 : i32
      %dma_start3A_1181 = arith.constant 1 : i32
      %dma_start3A_1182 = arith.constant 0 : i32
      %dma_start3A_1183 = tpu.memref_slice %arg3[%dma_start3A_1180, %dma_start3A_1181, %dma_start3A_1182] : memref<4x16x1024xf32, #tpu.memory_space<vmem>> -> memref<1x1x1024xf32, #tpu.memory_space<vmem>>
      %dma_start3A_1184 = tpu.memref_squeeze %dma_start3A_1183 : memref<1x1x1024xf32, #tpu.memory_space<vmem>> -> memref<1x1024xf32, #tpu.memory_space<vmem>>
      %dma_start3A_1185 = arith.constant 0 : i32
      %dma_start3A_1186 = tpu.memref_slice %arg1[%get3A_1179, %dma_start3A_1185] : memref<8192x1024xf32, #tpu.memory_space<hbm>> -> memref<1x1024xf32, #tpu.memory_space<hbm>>
      tpu.enqueue_dma source(%dma_start3A_1186 : memref<1x1024xf32, #tpu.memory_space<hbm>>) target(%dma_start3A_1184 : memref<1x1024xf32, #tpu.memory_space<vmem>>) target_semaphore(%arg6 : memref<!tpu.dma_semaphore, #tpu.memory_space<semaphore_mem>>)
      %mul3A_1187 = arith.constant 16 : i32
      %mul3A_1188 = arith.muli %add3A_1152, %mul3A_1187 : i32
      %add3A_1189 = arith.constant 2 : i32
      %add3A_1190 = arith.addi %mul3A_1188, %add3A_1189 : i32
      %get3A_1191 = arith.index_cast %add3A_1190 : i32 to index
      %get3A_1192 = memref.load %arg0[%get3A_1191] : memref<8192xi32, #tpu.memory_space<smem>>
      %dma_start3A_1193 = arith.constant 2 : i32
      %dma_start3A_1194 = arith.constant 2 : i32
      %dma_start3A_1195 = arith.constant 0 : i32
      %dma_start3A_1196 = tpu.memref_slice %arg3[%dma_start3A_1193, %dma_start3A_1194, %dma_start3A_1195] : memref<4x16x1024xf32, #tpu.memory_space<vmem>> -> memref<1x1x1024xf32, #tpu.memory_space<vmem>>
      %dma_start3A_1197 = tpu.memref_squeeze %dma_start3A_1196 : memref<1x1x1024xf32, #tpu.memory_space<vmem>> -> memref<1x1024xf32, #tpu.memory_space<vmem>>
      %dma_start3A_1198 = arith.constant 0 : i32
      %dma_start3A_1199 = tpu.memref_slice %arg1[%get3A_1192, %dma_start3A_1198] : memref<8192x1024xf32, #tpu.memory_space<hbm>> -> memref<1x1024xf32, #tpu.memory_space<hbm>>
      tpu.enqueue_dma source(%dma_start3A_1199 : memref<1x1024xf32, #tpu.memory_space<hbm>>) target(%dma_start3A_1197 : memref<1x1024xf32, #tpu.memory_space<vmem>>) target_semaphore(%arg6 : memref<!tpu.dma_semaphore, #tpu.memory_space<semaphore_mem>>)
      %mul3A_1200 = arith.constant 16 : i32
      %mul3A_1201 = arith.muli %add3A_1152, %mul3A_1200 : i32
      %add3A_1202 = arith.constant 3 : i32
      %add3A_1203 = arith.addi %mul3A_1201, %add3A_1202 : i32
      %get3A_1204 = arith.index_cast %add3A_1203 : i32 to index
      %get3A_1205 = memref.load %arg0[%get3A_1204] : memref<8192xi32, #tpu.memory_space<smem>>
      %dma_start3A_1206 = arith.constant 2 : i32
      %dma_start3A_1207 = arith.constant 3 : i32
      %dma_start3A_1208 = arith.constant 0 : i32
      %dma_start3A_1209 = tpu.memref_slice %arg3[%dma_start3A_1206, %dma_start3A_1207, %dma_start3A_1208] : memref<4x16x1024xf32, #tpu.memory_space<vmem>> -> memref<1x1x1024xf32, #tpu.memory_space<vmem>>
      %dma_start3A_1210 = tpu.memref_squeeze %dma_start3A_1209 : memref<1x1x1024xf32, #tpu.memory_space<vmem>> -> memref<1x1024xf32, #tpu.memory_space<vmem>>
      %dma_start3A_1211 = arith.constant 0 : i32
      %dma_start3A_1212 = tpu.memref_slice %arg1[%get3A_1205, %dma_start3A_1211] : memref<8192x1024xf32, #tpu.memory_space<hbm>> -> memref<1x1024xf32, #tpu.memory_space<hbm>>
      tpu.enqueue_dma source(%dma_start3A_1212 : memref<1x1024xf32, #tpu.memory_space<hbm>>) target(%dma_start3A_1210 : memref<1x1024xf32, #tpu.memory_space<vmem>>) target_semaphore(%arg6 : memref<!tpu.dma_semaphore, #tpu.memory_space<semaphore_mem>>)
      %mul3A_1213 = arith.constant 16 : i32
      %mul3A_1214 = arith.muli %add3A_1152, %mul3A_1213 : i32
      %add3A_1215 = arith.constant 4 : i32
      %add3A_1216 = arith.addi %mul3A_1214, %add3A_1215 : i32
      %get3A_1217 = arith.index_cast %add3A_1216 : i32 to index
      %get3A_1218 = memref.load %arg0[%get3A_1217] : memref<8192xi32, #tpu.memory_space<smem>>
      %dma_start3A_1219 = arith.constant 2 : i32
      %dma_start3A_1220 = arith.constant 4 : i32
      %dma_start3A_1221 = arith.constant 0 : i32
      %dma_start3A_1222 = tpu.memref_slice %arg3[%dma_start3A_1219, %dma_start3A_1220, %dma_start3A_1221] : memref<4x16x1024xf32, #tpu.memory_space<vmem>> -> memref<1x1x1024xf32, #tpu.memory_space<vmem>>
      %dma_start3A_1223 = tpu.memref_squeeze %dma_start3A_1222 : memref<1x1x1024xf32, #tpu.memory_space<vmem>> -> memref<1x1024xf32, #tpu.memory_space<vmem>>
      %dma_start3A_1224 = arith.constant 0 : i32
      %dma_start3A_1225 = tpu.memref_slice %arg1[%get3A_1218, %dma_start3A_1224] : memref<8192x1024xf32, #tpu.memory_space<hbm>> -> memref<1x1024xf32, #tpu.memory_space<hbm>>
      tpu.enqueue_dma source(%dma_start3A_1225 : memref<1x1024xf32, #tpu.memory_space<hbm>>) target(%dma_start3A_1223 : memref<1x1024xf32, #tpu.memory_space<vmem>>) target_semaphore(%arg6 : memref<!tpu.dma_semaphore, #tpu.memory_space<semaphore_mem>>)
      %mul3A_1226 = arith.constant 16 : i32
      %mul3A_1227 = arith.muli %add3A_1152, %mul3A_1226 : i32
      %add3A_1228 = arith.constant 5 : i32
      %add3A_1229 = arith.addi %mul3A_1227, %add3A_1228 : i32
      %get3A_1230 = arith.index_cast %add3A_1229 : i32 to index
      %get3A_1231 = memref.load %arg0[%get3A_1230] : memref<8192xi32, #tpu.memory_space<smem>>
      %dma_start3A_1232 = arith.constant 2 : i32
      %dma_start3A_1233 = arith.constant 5 : i32
      %dma_start3A_1234 = arith.constant 0 : i32
      %dma_start3A_1235 = tpu.memref_slice %arg3[%dma_start3A_1232, %dma_start3A_1233, %dma_start3A_1234] : memref<4x16x1024xf32, #tpu.memory_space<vmem>> -> memref<1x1x1024xf32, #tpu.memory_space<vmem>>
      %dma_start3A_1236 = tpu.memref_squeeze %dma_start3A_1235 : memref<1x1x1024xf32, #tpu.memory_space<vmem>> -> memref<1x1024xf32, #tpu.memory_space<vmem>>
      %dma_start3A_1237 = arith.constant 0 : i32
      %dma_start3A_1238 = tpu.memref_slice %arg1[%get3A_1231, %dma_start3A_1237] : memref<8192x1024xf32, #tpu.memory_space<hbm>> -> memref<1x1024xf32, #tpu.memory_space<hbm>>
      tpu.enqueue_dma source(%dma_start3A_1238 : memref<1x1024xf32, #tpu.memory_space<hbm>>) target(%dma_start3A_1236 : memref<1x1024xf32, #tpu.memory_space<vmem>>) target_semaphore(%arg6 : memref<!tpu.dma_semaphore, #tpu.memory_space<semaphore_mem>>)
      %mul3A_1239 = arith.constant 16 : i32
      %mul3A_1240 = arith.muli %add3A_1152, %mul3A_1239 : i32
      %add3A_1241 = arith.constant 6 : i32
      %add3A_1242 = arith.addi %mul3A_1240, %add3A_1241 : i32
      %get3A_1243 = arith.index_cast %add3A_1242 : i32 to index
      %get3A_1244 = memref.load %arg0[%get3A_1243] : memref<8192xi32, #tpu.memory_space<smem>>
      %dma_start3A_1245 = arith.constant 2 : i32
      %dma_start3A_1246 = arith.constant 6 : i32
      %dma_start3A_1247 = arith.constant 0 : i32
      %dma_start3A_1248 = tpu.memref_slice %arg3[%dma_start3A_1245, %dma_start3A_1246, %dma_start3A_1247] : memref<4x16x1024xf32, #tpu.memory_space<vmem>> -> memref<1x1x1024xf32, #tpu.memory_space<vmem>>
      %dma_start3A_1249 = tpu.memref_squeeze %dma_start3A_1248 : memref<1x1x1024xf32, #tpu.memory_space<vmem>> -> memref<1x1024xf32, #tpu.memory_space<vmem>>
      %dma_start3A_1250 = arith.constant 0 : i32
      %dma_start3A_1251 = tpu.memref_slice %arg1[%get3A_1244, %dma_start3A_1250] : memref<8192x1024xf32, #tpu.memory_space<hbm>> -> memref<1x1024xf32, #tpu.memory_space<hbm>>
      tpu.enqueue_dma source(%dma_start3A_1251 : memref<1x1024xf32, #tpu.memory_space<hbm>>) target(%dma_start3A_1249 : memref<1x1024xf32, #tpu.memory_space<vmem>>) target_semaphore(%arg6 : memref<!tpu.dma_semaphore, #tpu.memory_space<semaphore_mem>>)
      %mul3A_1252 = arith.constant 16 : i32
      %mul3A_1253 = arith.muli %add3A_1152, %mul3A_1252 : i32
      %add3A_1254 = arith.constant 7 : i32
      %add3A_1255 = arith.addi %mul3A_1253, %add3A_1254 : i32
      %get3A_1256 = arith.index_cast %add3A_1255 : i32 to index
      %get3A_1257 = memref.load %arg0[%get3A_1256] : memref<8192xi32, #tpu.memory_space<smem>>
      %dma_start3A_1258 = arith.constant 2 : i32
      %dma_start3A_1259 = arith.constant 7 : i32
      %dma_start3A_1260 = arith.constant 0 : i32
      %dma_start3A_1261 = tpu.memref_slice %arg3[%dma_start3A_1258, %dma_start3A_1259, %dma_start3A_1260] : memref<4x16x1024xf32, #tpu.memory_space<vmem>> -> memref<1x1x1024xf32, #tpu.memory_space<vmem>>
      %dma_start3A_1262 = tpu.memref_squeeze %dma_start3A_1261 : memref<1x1x1024xf32, #tpu.memory_space<vmem>> -> memref<1x1024xf32, #tpu.memory_space<vmem>>
      %dma_start3A_1263 = arith.constant 0 : i32
      %dma_start3A_1264 = tpu.memref_slice %arg1[%get3A_1257, %dma_start3A_1263] : memref<8192x1024xf32, #tpu.memory_space<hbm>> -> memref<1x1024xf32, #tpu.memory_space<hbm>>
      tpu.enqueue_dma source(%dma_start3A_1264 : memref<1x1024xf32, #tpu.memory_space<hbm>>) target(%dma_start3A_1262 : memref<1x1024xf32, #tpu.memory_space<vmem>>) target_semaphore(%arg6 : memref<!tpu.dma_semaphore, #tpu.memory_space<semaphore_mem>>)
      %mul3A_1265 = arith.constant 16 : i32
      %mul3A_1266 = arith.muli %add3A_1152, %mul3A_1265 : i32
      %add3A_1267 = arith.constant 8 : i32
      %add3A_1268 = arith.addi %mul3A_1266, %add3A_1267 : i32
      %get3A_1269 = arith.index_cast %add3A_1268 : i32 to index
      %get3A_1270 = memref.load %arg0[%get3A_1269] : memref<8192xi32, #tpu.memory_space<smem>>
      %dma_start3A_1271 = arith.constant 2 : i32
      %dma_start3A_1272 = arith.constant 8 : i32
      %dma_start3A_1273 = arith.constant 0 : i32
      %dma_start3A_1274 = tpu.memref_slice %arg3[%dma_start3A_1271, %dma_start3A_1272, %dma_start3A_1273] : memref<4x16x1024xf32, #tpu.memory_space<vmem>> -> memref<1x1x1024xf32, #tpu.memory_space<vmem>>
      %dma_start3A_1275 = tpu.memref_squeeze %dma_start3A_1274 : memref<1x1x1024xf32, #tpu.memory_space<vmem>> -> memref<1x1024xf32, #tpu.memory_space<vmem>>
      %dma_start3A_1276 = arith.constant 0 : i32
      %dma_start3A_1277 = tpu.memref_slice %arg1[%get3A_1270, %dma_start3A_1276] : memref<8192x1024xf32, #tpu.memory_space<hbm>> -> memref<1x1024xf32, #tpu.memory_space<hbm>>
      tpu.enqueue_dma source(%dma_start3A_1277 : memref<1x1024xf32, #tpu.memory_space<hbm>>) target(%dma_start3A_1275 : memref<1x1024xf32, #tpu.memory_space<vmem>>) target_semaphore(%arg6 : memref<!tpu.dma_semaphore, #tpu.memory_space<semaphore_mem>>)
      %mul3A_1278 = arith.constant 16 : i32
      %mul3A_1279 = arith.muli %add3A_1152, %mul3A_1278 : i32
      %add3A_1280 = arith.constant 9 : i32
      %add3A_1281 = arith.addi %mul3A_1279, %add3A_1280 : i32
      %get3A_1282 = arith.index_cast %add3A_1281 : i32 to index
      %get3A_1283 = memref.load %arg0[%get3A_1282] : memref<8192xi32, #tpu.memory_space<smem>>
      %dma_start3A_1284 = arith.constant 2 : i32
      %dma_start3A_1285 = arith.constant 9 : i32
      %dma_start3A_1286 = arith.constant 0 : i32
      %dma_start3A_1287 = tpu.memref_slice %arg3[%dma_start3A_1284, %dma_start3A_1285, %dma_start3A_1286] : memref<4x16x1024xf32, #tpu.memory_space<vmem>> -> memref<1x1x1024xf32, #tpu.memory_space<vmem>>
      %dma_start3A_1288 = tpu.memref_squeeze %dma_start3A_1287 : memref<1x1x1024xf32, #tpu.memory_space<vmem>> -> memref<1x1024xf32, #tpu.memory_space<vmem>>
      %dma_start3A_1289 = arith.constant 0 : i32
      %dma_start3A_1290 = tpu.memref_slice %arg1[%get3A_1283, %dma_start3A_1289] : memref<8192x1024xf32, #tpu.memory_space<hbm>> -> memref<1x1024xf32, #tpu.memory_space<hbm>>
      tpu.enqueue_dma source(%dma_start3A_1290 : memref<1x1024xf32, #tpu.memory_space<hbm>>) target(%dma_start3A_1288 : memref<1x1024xf32, #tpu.memory_space<vmem>>) target_semaphore(%arg6 : memref<!tpu.dma_semaphore, #tpu.memory_space<semaphore_mem>>)
      %mul3A_1291 = arith.constant 16 : i32
      %mul3A_1292 = arith.muli %add3A_1152, %mul3A_1291 : i32
      %add3A_1293 = arith.constant 10 : i32
      %add3A_1294 = arith.addi %mul3A_1292, %add3A_1293 : i32
      %get3A_1295 = arith.index_cast %add3A_1294 : i32 to index
      %get3A_1296 = memref.load %arg0[%get3A_1295] : memref<8192xi32, #tpu.memory_space<smem>>
      %dma_start3A_1297 = arith.constant 2 : i32
      %dma_start3A_1298 = arith.constant 10 : i32
      %dma_start3A_1299 = arith.constant 0 : i32
      %dma_start3A_1300 = tpu.memref_slice %arg3[%dma_start3A_1297, %dma_start3A_1298, %dma_start3A_1299] : memref<4x16x1024xf32, #tpu.memory_space<vmem>> -> memref<1x1x1024xf32, #tpu.memory_space<vmem>>
      %dma_start3A_1301 = tpu.memref_squeeze %dma_start3A_1300 : memref<1x1x1024xf32, #tpu.memory_space<vmem>> -> memref<1x1024xf32, #tpu.memory_space<vmem>>
      %dma_start3A_1302 = arith.constant 0 : i32
      %dma_start3A_1303 = tpu.memref_slice %arg1[%get3A_1296, %dma_start3A_1302] : memref<8192x1024xf32, #tpu.memory_space<hbm>> -> memref<1x1024xf32, #tpu.memory_space<hbm>>
      tpu.enqueue_dma source(%dma_start3A_1303 : memref<1x1024xf32, #tpu.memory_space<hbm>>) target(%dma_start3A_1301 : memref<1x1024xf32, #tpu.memory_space<vmem>>) target_semaphore(%arg6 : memref<!tpu.dma_semaphore, #tpu.memory_space<semaphore_mem>>)
      %mul3A_1304 = arith.constant 16 : i32
      %mul3A_1305 = arith.muli %add3A_1152, %mul3A_1304 : i32
      %add3A_1306 = arith.constant 11 : i32
      %add3A_1307 = arith.addi %mul3A_1305, %add3A_1306 : i32
      %get3A_1308 = arith.index_cast %add3A_1307 : i32 to index
      %get3A_1309 = memref.load %arg0[%get3A_1308] : memref<8192xi32, #tpu.memory_space<smem>>
      %dma_start3A_1310 = arith.constant 2 : i32
      %dma_start3A_1311 = arith.constant 11 : i32
      %dma_start3A_1312 = arith.constant 0 : i32
      %dma_start3A_1313 = tpu.memref_slice %arg3[%dma_start3A_1310, %dma_start3A_1311, %dma_start3A_1312] : memref<4x16x1024xf32, #tpu.memory_space<vmem>> -> memref<1x1x1024xf32, #tpu.memory_space<vmem>>
      %dma_start3A_1314 = tpu.memref_squeeze %dma_start3A_1313 : memref<1x1x1024xf32, #tpu.memory_space<vmem>> -> memref<1x1024xf32, #tpu.memory_space<vmem>>
      %dma_start3A_1315 = arith.constant 0 : i32
      %dma_start3A_1316 = tpu.memref_slice %arg1[%get3A_1309, %dma_start3A_1315] : memref<8192x1024xf32, #tpu.memory_space<hbm>> -> memref<1x1024xf32, #tpu.memory_space<hbm>>
      tpu.enqueue_dma source(%dma_start3A_1316 : memref<1x1024xf32, #tpu.memory_space<hbm>>) target(%dma_start3A_1314 : memref<1x1024xf32, #tpu.memory_space<vmem>>) target_semaphore(%arg6 : memref<!tpu.dma_semaphore, #tpu.memory_space<semaphore_mem>>)
      %mul3A_1317 = arith.constant 16 : i32
      %mul3A_1318 = arith.muli %add3A_1152, %mul3A_1317 : i32
      %add3A_1319 = arith.constant 12 : i32
      %add3A_1320 = arith.addi %mul3A_1318, %add3A_1319 : i32
      %get3A_1321 = arith.index_cast %add3A_1320 : i32 to index
      %get3A_1322 = memref.load %arg0[%get3A_1321] : memref<8192xi32, #tpu.memory_space<smem>>
      %dma_start3A_1323 = arith.constant 2 : i32
      %dma_start3A_1324 = arith.constant 12 : i32
      %dma_start3A_1325 = arith.constant 0 : i32
      %dma_start3A_1326 = tpu.memref_slice %arg3[%dma_start3A_1323, %dma_start3A_1324, %dma_start3A_1325] : memref<4x16x1024xf32, #tpu.memory_space<vmem>> -> memref<1x1x1024xf32, #tpu.memory_space<vmem>>
      %dma_start3A_1327 = tpu.memref_squeeze %dma_start3A_1326 : memref<1x1x1024xf32, #tpu.memory_space<vmem>> -> memref<1x1024xf32, #tpu.memory_space<vmem>>
      %dma_start3A_1328 = arith.constant 0 : i32
      %dma_start3A_1329 = tpu.memref_slice %arg1[%get3A_1322, %dma_start3A_1328] : memref<8192x1024xf32, #tpu.memory_space<hbm>> -> memref<1x1024xf32, #tpu.memory_space<hbm>>
      tpu.enqueue_dma source(%dma_start3A_1329 : memref<1x1024xf32, #tpu.memory_space<hbm>>) target(%dma_start3A_1327 : memref<1x1024xf32, #tpu.memory_space<vmem>>) target_semaphore(%arg6 : memref<!tpu.dma_semaphore, #tpu.memory_space<semaphore_mem>>)
      %mul3A_1330 = arith.constant 16 : i32
      %mul3A_1331 = arith.muli %add3A_1152, %mul3A_1330 : i32
      %add3A_1332 = arith.constant 13 : i32
      %add3A_1333 = arith.addi %mul3A_1331, %add3A_1332 : i32
      %get3A_1334 = arith.index_cast %add3A_1333 : i32 to index
      %get3A_1335 = memref.load %arg0[%get3A_1334] : memref<8192xi32, #tpu.memory_space<smem>>
      %dma_start3A_1336 = arith.constant 2 : i32
      %dma_start3A_1337 = arith.constant 13 : i32
      %dma_start3A_1338 = arith.constant 0 : i32
      %dma_start3A_1339 = tpu.memref_slice %arg3[%dma_start3A_1336, %dma_start3A_1337, %dma_start3A_1338] : memref<4x16x1024xf32, #tpu.memory_space<vmem>> -> memref<1x1x1024xf32, #tpu.memory_space<vmem>>
      %dma_start3A_1340 = tpu.memref_squeeze %dma_start3A_1339 : memref<1x1x1024xf32, #tpu.memory_space<vmem>> -> memref<1x1024xf32, #tpu.memory_space<vmem>>
      %dma_start3A_1341 = arith.constant 0 : i32
      %dma_start3A_1342 = tpu.memref_slice %arg1[%get3A_1335, %dma_start3A_1341] : memref<8192x1024xf32, #tpu.memory_space<hbm>> -> memref<1x1024xf32, #tpu.memory_space<hbm>>
      tpu.enqueue_dma source(%dma_start3A_1342 : memref<1x1024xf32, #tpu.memory_space<hbm>>) target(%dma_start3A_1340 : memref<1x1024xf32, #tpu.memory_space<vmem>>) target_semaphore(%arg6 : memref<!tpu.dma_semaphore, #tpu.memory_space<semaphore_mem>>)
      %mul3A_1343 = arith.constant 16 : i32
      %mul3A_1344 = arith.muli %add3A_1152, %mul3A_1343 : i32
      %add3A_1345 = arith.constant 14 : i32
      %add3A_1346 = arith.addi %mul3A_1344, %add3A_1345 : i32
      %get3A_1347 = arith.index_cast %add3A_1346 : i32 to index
      %get3A_1348 = memref.load %arg0[%get3A_1347] : memref<8192xi32, #tpu.memory_space<smem>>
      %dma_start3A_1349 = arith.constant 2 : i32
      %dma_start3A_1350 = arith.constant 14 : i32
      %dma_start3A_1351 = arith.constant 0 : i32
      %dma_start3A_1352 = tpu.memref_slice %arg3[%dma_start3A_1349, %dma_start3A_1350, %dma_start3A_1351] : memref<4x16x1024xf32, #tpu.memory_space<vmem>> -> memref<1x1x1024xf32, #tpu.memory_space<vmem>>
      %dma_start3A_1353 = tpu.memref_squeeze %dma_start3A_1352 : memref<1x1x1024xf32, #tpu.memory_space<vmem>> -> memref<1x1024xf32, #tpu.memory_space<vmem>>
      %dma_start3A_1354 = arith.constant 0 : i32
      %dma_start3A_1355 = tpu.memref_slice %arg1[%get3A_1348, %dma_start3A_1354] : memref<8192x1024xf32, #tpu.memory_space<hbm>> -> memref<1x1024xf32, #tpu.memory_space<hbm>>
      tpu.enqueue_dma source(%dma_start3A_1355 : memref<1x1024xf32, #tpu.memory_space<hbm>>) target(%dma_start3A_1353 : memref<1x1024xf32, #tpu.memory_space<vmem>>) target_semaphore(%arg6 : memref<!tpu.dma_semaphore, #tpu.memory_space<semaphore_mem>>)
      %mul3A_1356 = arith.constant 16 : i32
      %mul3A_1357 = arith.muli %add3A_1152, %mul3A_1356 : i32
      %add3A_1358 = arith.constant 15 : i32
      %add3A_1359 = arith.addi %mul3A_1357, %add3A_1358 : i32
      %get3A_1360 = arith.index_cast %add3A_1359 : i32 to index
      %get3A_1361 = memref.load %arg0[%get3A_1360] : memref<8192xi32, #tpu.memory_space<smem>>
      %dma_start3A_1362 = arith.constant 2 : i32
      %dma_start3A_1363 = arith.constant 15 : i32
      %dma_start3A_1364 = arith.constant 0 : i32
      %dma_start3A_1365 = tpu.memref_slice %arg3[%dma_start3A_1362, %dma_start3A_1363, %dma_start3A_1364] : memref<4x16x1024xf32, #tpu.memory_space<vmem>> -> memref<1x1x1024xf32, #tpu.memory_space<vmem>>
      %dma_start3A_1366 = tpu.memref_squeeze %dma_start3A_1365 : memref<1x1x1024xf32, #tpu.memory_space<vmem>> -> memref<1x1024xf32, #tpu.memory_space<vmem>>
      %dma_start3A_1367 = arith.constant 0 : i32
      %dma_start3A_1368 = tpu.memref_slice %arg1[%get3A_1361, %dma_start3A_1367] : memref<8192x1024xf32, #tpu.memory_space<hbm>> -> memref<1x1024xf32, #tpu.memory_space<hbm>>
      tpu.enqueue_dma source(%dma_start3A_1368 : memref<1x1024xf32, #tpu.memory_space<hbm>>) target(%dma_start3A_1366 : memref<1x1024xf32, #tpu.memory_space<vmem>>) target_semaphore(%arg6 : memref<!tpu.dma_semaphore, #tpu.memory_space<semaphore_mem>>)
      %dma_wait3A_1369 = arith.constant 0 : i32
      %dma_wait3A_1370 = arith.constant 0 : i32
      %dma_wait3A_1371 = arith.constant 0 : i32
      %dma_wait3A_1372 = tpu.memref_slice %arg3[%dma_wait3A_1369, %dma_wait3A_1370, %dma_wait3A_1371] : memref<4x16x1024xf32, #tpu.memory_space<vmem>> -> memref<1x16x1024xf32, #tpu.memory_space<vmem>>
      %dma_wait3A_1373 = tpu.memref_squeeze %dma_wait3A_1372 : memref<1x16x1024xf32, #tpu.memory_space<vmem>> -> memref<16x1024xf32, #tpu.memory_space<vmem>>
      %dma_wait3A_1374 = arith.constant 0 : i32
      %dma_wait3A_1375 = arith.constant 0 : i32
      %dma_wait3A_1376 = tpu.memref_slice %arg1[%dma_wait3A_1374, %dma_wait3A_1375] : memref<8192x1024xf32, #tpu.memory_space<hbm>> -> memref<16x1024xf32, #tpu.memory_space<hbm>>
      tpu.wait_dma2 semaphore(%arg4 : memref<!tpu.dma_semaphore, #tpu.memory_space<semaphore_mem>>) src(%dma_wait3A_1376 : memref<16x1024xf32, #tpu.memory_space<hbm>>) dst(%dma_wait3A_1373 : memref<16x1024xf32, #tpu.memory_space<vmem>>)
      %sub3A_1377 = arith.constant 2 : i32
      %sub3A_1378 = arith.subi %add3A_1152, %sub3A_1377 : i32
      %mul3A_1379 = arith.constant 16 : i32
      %mul3A_1380 = arith.muli %sub3A_1378, %mul3A_1379 : i32
      %dma_start3A_1381 = arith.constant 0 : i32
      %dma_start3A_1382 = arith.constant 0 : i32
      %dma_start3A_1383 = tpu.memref_slice %arg2[%mul3A_1380, %dma_start3A_1382] : memref<8192x1024xf32, #tpu.memory_space<hbm>> -> memref<16x1024xf32, #tpu.memory_space<hbm>>
      %dma_start3A_1384 = arith.constant 0 : i32
      %dma_start3A_1385 = arith.constant 0 : i32
      %dma_start3A_1386 = tpu.memref_slice %arg3[%dma_start3A_1381, %dma_start3A_1384, %dma_start3A_1385] : memref<4x16x1024xf32, #tpu.memory_space<vmem>> -> memref<1x16x1024xf32, #tpu.memory_space<vmem>>
      %dma_start3A_1387 = tpu.memref_squeeze %dma_start3A_1386 : memref<1x16x1024xf32, #tpu.memory_space<vmem>> -> memref<16x1024xf32, #tpu.memory_space<vmem>>
      tpu.enqueue_dma source(%dma_start3A_1387 : memref<16x1024xf32, #tpu.memory_space<vmem>>) target(%dma_start3A_1383 : memref<16x1024xf32, #tpu.memory_space<hbm>>) target_semaphore(%arg8 : memref<!tpu.dma_semaphore, #tpu.memory_space<semaphore_mem>>)
      %mul3A_1388 = arith.constant 4 : i32
      %mul3A_1389 = arith.muli %mul3A_1388, %scan3A_673 : i32
      %add3A_1390 = arith.constant 3 : i32
      %add3A_1391 = arith.addi %mul3A_1389, %add3A_1390 : i32
      %dma_wait3A_1392 = arith.constant 3 : i32
      %dma_wait3A_1393 = arith.constant 0 : i32
      %dma_wait3A_1394 = arith.constant 0 : i32
      %dma_wait3A_1395 = tpu.memref_slice %arg2[%dma_wait3A_1393, %dma_wait3A_1394] : memref<8192x1024xf32, #tpu.memory_space<hbm>> -> memref<16x1024xf32, #tpu.memory_space<hbm>>
      %dma_wait3A_1396 = arith.constant 0 : i32
      %dma_wait3A_1397 = arith.constant 0 : i32
      %dma_wait3A_1398 = tpu.memref_slice %arg3[%dma_wait3A_1392, %dma_wait3A_1396, %dma_wait3A_1397] : memref<4x16x1024xf32, #tpu.memory_space<vmem>> -> memref<1x16x1024xf32, #tpu.memory_space<vmem>>
      %dma_wait3A_1399 = tpu.memref_squeeze %dma_wait3A_1398 : memref<1x16x1024xf32, #tpu.memory_space<vmem>> -> memref<16x1024xf32, #tpu.memory_space<vmem>>
      tpu.wait_dma2 semaphore(%arg11 : memref<!tpu.dma_semaphore, #tpu.memory_space<semaphore_mem>>) src(%dma_wait3A_1399 : memref<16x1024xf32, #tpu.memory_space<vmem>>) dst(%dma_wait3A_1395 : memref<16x1024xf32, #tpu.memory_space<hbm>>)
      %mul3A_1400 = arith.constant 16 : i32
      %mul3A_1401 = arith.muli %add3A_1391, %mul3A_1400 : i32
      %add3A_1402 = arith.constant 0 : i32
      %add3A_1403 = arith.addi %mul3A_1401, %add3A_1402 : i32
      %get3A_1404 = arith.index_cast %add3A_1403 : i32 to index
      %get3A_1405 = memref.load %arg0[%get3A_1404] : memref<8192xi32, #tpu.memory_space<smem>>
      %dma_start3A_1406 = arith.constant 3 : i32
      %dma_start3A_1407 = arith.constant 0 : i32
      %dma_start3A_1408 = arith.constant 0 : i32
      %dma_start3A_1409 = tpu.memref_slice %arg3[%dma_start3A_1406, %dma_start3A_1407, %dma_start3A_1408] : memref<4x16x1024xf32, #tpu.memory_space<vmem>> -> memref<1x1x1024xf32, #tpu.memory_space<vmem>>
      %dma_start3A_1410 = tpu.memref_squeeze %dma_start3A_1409 : memref<1x1x1024xf32, #tpu.memory_space<vmem>> -> memref<1x1024xf32, #tpu.memory_space<vmem>>
      %dma_start3A_1411 = arith.constant 0 : i32
      %dma_start3A_1412 = tpu.memref_slice %arg1[%get3A_1405, %dma_start3A_1411] : memref<8192x1024xf32, #tpu.memory_space<hbm>> -> memref<1x1024xf32, #tpu.memory_space<hbm>>
      tpu.enqueue_dma source(%dma_start3A_1412 : memref<1x1024xf32, #tpu.memory_space<hbm>>) target(%dma_start3A_1410 : memref<1x1024xf32, #tpu.memory_space<vmem>>) target_semaphore(%arg7 : memref<!tpu.dma_semaphore, #tpu.memory_space<semaphore_mem>>)
      %mul3A_1413 = arith.constant 16 : i32
      %mul3A_1414 = arith.muli %add3A_1391, %mul3A_1413 : i32
      %add3A_1415 = arith.constant 1 : i32
      %add3A_1416 = arith.addi %mul3A_1414, %add3A_1415 : i32
      %get3A_1417 = arith.index_cast %add3A_1416 : i32 to index
      %get3A_1418 = memref.load %arg0[%get3A_1417] : memref<8192xi32, #tpu.memory_space<smem>>
      %dma_start3A_1419 = arith.constant 3 : i32
      %dma_start3A_1420 = arith.constant 1 : i32
      %dma_start3A_1421 = arith.constant 0 : i32
      %dma_start3A_1422 = tpu.memref_slice %arg3[%dma_start3A_1419, %dma_start3A_1420, %dma_start3A_1421] : memref<4x16x1024xf32, #tpu.memory_space<vmem>> -> memref<1x1x1024xf32, #tpu.memory_space<vmem>>
      %dma_start3A_1423 = tpu.memref_squeeze %dma_start3A_1422 : memref<1x1x1024xf32, #tpu.memory_space<vmem>> -> memref<1x1024xf32, #tpu.memory_space<vmem>>
      %dma_start3A_1424 = arith.constant 0 : i32
      %dma_start3A_1425 = tpu.memref_slice %arg1[%get3A_1418, %dma_start3A_1424] : memref<8192x1024xf32, #tpu.memory_space<hbm>> -> memref<1x1024xf32, #tpu.memory_space<hbm>>
      tpu.enqueue_dma source(%dma_start3A_1425 : memref<1x1024xf32, #tpu.memory_space<hbm>>) target(%dma_start3A_1423 : memref<1x1024xf32, #tpu.memory_space<vmem>>) target_semaphore(%arg7 : memref<!tpu.dma_semaphore, #tpu.memory_space<semaphore_mem>>)
      %mul3A_1426 = arith.constant 16 : i32
      %mul3A_1427 = arith.muli %add3A_1391, %mul3A_1426 : i32
      %add3A_1428 = arith.constant 2 : i32
      %add3A_1429 = arith.addi %mul3A_1427, %add3A_1428 : i32
      %get3A_1430 = arith.index_cast %add3A_1429 : i32 to index
      %get3A_1431 = memref.load %arg0[%get3A_1430] : memref<8192xi32, #tpu.memory_space<smem>>
      %dma_start3A_1432 = arith.constant 3 : i32
      %dma_start3A_1433 = arith.constant 2 : i32
      %dma_start3A_1434 = arith.constant 0 : i32
      %dma_start3A_1435 = tpu.memref_slice %arg3[%dma_start3A_1432, %dma_start3A_1433, %dma_start3A_1434] : memref<4x16x1024xf32, #tpu.memory_space<vmem>> -> memref<1x1x1024xf32, #tpu.memory_space<vmem>>
      %dma_start3A_1436 = tpu.memref_squeeze %dma_start3A_1435 : memref<1x1x1024xf32, #tpu.memory_space<vmem>> -> memref<1x1024xf32, #tpu.memory_space<vmem>>
      %dma_start3A_1437 = arith.constant 0 : i32
      %dma_start3A_1438 = tpu.memref_slice %arg1[%get3A_1431, %dma_start3A_1437] : memref<8192x1024xf32, #tpu.memory_space<hbm>> -> memref<1x1024xf32, #tpu.memory_space<hbm>>
      tpu.enqueue_dma source(%dma_start3A_1438 : memref<1x1024xf32, #tpu.memory_space<hbm>>) target(%dma_start3A_1436 : memref<1x1024xf32, #tpu.memory_space<vmem>>) target_semaphore(%arg7 : memref<!tpu.dma_semaphore, #tpu.memory_space<semaphore_mem>>)
      %mul3A_1439 = arith.constant 16 : i32
      %mul3A_1440 = arith.muli %add3A_1391, %mul3A_1439 : i32
      %add3A_1441 = arith.constant 3 : i32
      %add3A_1442 = arith.addi %mul3A_1440, %add3A_1441 : i32
      %get3A_1443 = arith.index_cast %add3A_1442 : i32 to index
      %get3A_1444 = memref.load %arg0[%get3A_1443] : memref<8192xi32, #tpu.memory_space<smem>>
      %dma_start3A_1445 = arith.constant 3 : i32
      %dma_start3A_1446 = arith.constant 3 : i32
      %dma_start3A_1447 = arith.constant 0 : i32
      %dma_start3A_1448 = tpu.memref_slice %arg3[%dma_start3A_1445, %dma_start3A_1446, %dma_start3A_1447] : memref<4x16x1024xf32, #tpu.memory_space<vmem>> -> memref<1x1x1024xf32, #tpu.memory_space<vmem>>
      %dma_start3A_1449 = tpu.memref_squeeze %dma_start3A_1448 : memref<1x1x1024xf32, #tpu.memory_space<vmem>> -> memref<1x1024xf32, #tpu.memory_space<vmem>>
      %dma_start3A_1450 = arith.constant 0 : i32
      %dma_start3A_1451 = tpu.memref_slice %arg1[%get3A_1444, %dma_start3A_1450] : memref<8192x1024xf32, #tpu.memory_space<hbm>> -> memref<1x1024xf32, #tpu.memory_space<hbm>>
      tpu.enqueue_dma source(%dma_start3A_1451 : memref<1x1024xf32, #tpu.memory_space<hbm>>) target(%dma_start3A_1449 : memref<1x1024xf32, #tpu.memory_space<vmem>>) target_semaphore(%arg7 : memref<!tpu.dma_semaphore, #tpu.memory_space<semaphore_mem>>)
      %mul3A_1452 = arith.constant 16 : i32
      %mul3A_1453 = arith.muli %add3A_1391, %mul3A_1452 : i32
      %add3A_1454 = arith.constant 4 : i32
      %add3A_1455 = arith.addi %mul3A_1453, %add3A_1454 : i32
      %get3A_1456 = arith.index_cast %add3A_1455 : i32 to index
      %get3A_1457 = memref.load %arg0[%get3A_1456] : memref<8192xi32, #tpu.memory_space<smem>>
      %dma_start3A_1458 = arith.constant 3 : i32
      %dma_start3A_1459 = arith.constant 4 : i32
      %dma_start3A_1460 = arith.constant 0 : i32
      %dma_start3A_1461 = tpu.memref_slice %arg3[%dma_start3A_1458, %dma_start3A_1459, %dma_start3A_1460] : memref<4x16x1024xf32, #tpu.memory_space<vmem>> -> memref<1x1x1024xf32, #tpu.memory_space<vmem>>
      %dma_start3A_1462 = tpu.memref_squeeze %dma_start3A_1461 : memref<1x1x1024xf32, #tpu.memory_space<vmem>> -> memref<1x1024xf32, #tpu.memory_space<vmem>>
      %dma_start3A_1463 = arith.constant 0 : i32
      %dma_start3A_1464 = tpu.memref_slice %arg1[%get3A_1457, %dma_start3A_1463] : memref<8192x1024xf32, #tpu.memory_space<hbm>> -> memref<1x1024xf32, #tpu.memory_space<hbm>>
      tpu.enqueue_dma source(%dma_start3A_1464 : memref<1x1024xf32, #tpu.memory_space<hbm>>) target(%dma_start3A_1462 : memref<1x1024xf32, #tpu.memory_space<vmem>>) target_semaphore(%arg7 : memref<!tpu.dma_semaphore, #tpu.memory_space<semaphore_mem>>)
      %mul3A_1465 = arith.constant 16 : i32
      %mul3A_1466 = arith.muli %add3A_1391, %mul3A_1465 : i32
      %add3A_1467 = arith.constant 5 : i32
      %add3A_1468 = arith.addi %mul3A_1466, %add3A_1467 : i32
      %get3A_1469 = arith.index_cast %add3A_1468 : i32 to index
      %get3A_1470 = memref.load %arg0[%get3A_1469] : memref<8192xi32, #tpu.memory_space<smem>>
      %dma_start3A_1471 = arith.constant 3 : i32
      %dma_start3A_1472 = arith.constant 5 : i32
      %dma_start3A_1473 = arith.constant 0 : i32
      %dma_start3A_1474 = tpu.memref_slice %arg3[%dma_start3A_1471, %dma_start3A_1472, %dma_start3A_1473] : memref<4x16x1024xf32, #tpu.memory_space<vmem>> -> memref<1x1x1024xf32, #tpu.memory_space<vmem>>
      %dma_start3A_1475 = tpu.memref_squeeze %dma_start3A_1474 : memref<1x1x1024xf32, #tpu.memory_space<vmem>> -> memref<1x1024xf32, #tpu.memory_space<vmem>>
      %dma_start3A_1476 = arith.constant 0 : i32
      %dma_start3A_1477 = tpu.memref_slice %arg1[%get3A_1470, %dma_start3A_1476] : memref<8192x1024xf32, #tpu.memory_space<hbm>> -> memref<1x1024xf32, #tpu.memory_space<hbm>>
      tpu.enqueue_dma source(%dma_start3A_1477 : memref<1x1024xf32, #tpu.memory_space<hbm>>) target(%dma_start3A_1475 : memref<1x1024xf32, #tpu.memory_space<vmem>>) target_semaphore(%arg7 : memref<!tpu.dma_semaphore, #tpu.memory_space<semaphore_mem>>)
      %mul3A_1478 = arith.constant 16 : i32
      %mul3A_1479 = arith.muli %add3A_1391, %mul3A_1478 : i32
      %add3A_1480 = arith.constant 6 : i32
      %add3A_1481 = arith.addi %mul3A_1479, %add3A_1480 : i32
      %get3A_1482 = arith.index_cast %add3A_1481 : i32 to index
      %get3A_1483 = memref.load %arg0[%get3A_1482] : memref<8192xi32, #tpu.memory_space<smem>>
      %dma_start3A_1484 = arith.constant 3 : i32
      %dma_start3A_1485 = arith.constant 6 : i32
      %dma_start3A_1486 = arith.constant 0 : i32
      %dma_start3A_1487 = tpu.memref_slice %arg3[%dma_start3A_1484, %dma_start3A_1485, %dma_start3A_1486] : memref<4x16x1024xf32, #tpu.memory_space<vmem>> -> memref<1x1x1024xf32, #tpu.memory_space<vmem>>
      %dma_start3A_1488 = tpu.memref_squeeze %dma_start3A_1487 : memref<1x1x1024xf32, #tpu.memory_space<vmem>> -> memref<1x1024xf32, #tpu.memory_space<vmem>>
      %dma_start3A_1489 = arith.constant 0 : i32
      %dma_start3A_1490 = tpu.memref_slice %arg1[%get3A_1483, %dma_start3A_1489] : memref<8192x1024xf32, #tpu.memory_space<hbm>> -> memref<1x1024xf32, #tpu.memory_space<hbm>>
      tpu.enqueue_dma source(%dma_start3A_1490 : memref<1x1024xf32, #tpu.memory_space<hbm>>) target(%dma_start3A_1488 : memref<1x1024xf32, #tpu.memory_space<vmem>>) target_semaphore(%arg7 : memref<!tpu.dma_semaphore, #tpu.memory_space<semaphore_mem>>)
      %mul3A_1491 = arith.constant 16 : i32
      %mul3A_1492 = arith.muli %add3A_1391, %mul3A_1491 : i32
      %add3A_1493 = arith.constant 7 : i32
      %add3A_1494 = arith.addi %mul3A_1492, %add3A_1493 : i32
      %get3A_1495 = arith.index_cast %add3A_1494 : i32 to index
      %get3A_1496 = memref.load %arg0[%get3A_1495] : memref<8192xi32, #tpu.memory_space<smem>>
      %dma_start3A_1497 = arith.constant 3 : i32
      %dma_start3A_1498 = arith.constant 7 : i32
      %dma_start3A_1499 = arith.constant 0 : i32
      %dma_start3A_1500 = tpu.memref_slice %arg3[%dma_start3A_1497, %dma_start3A_1498, %dma_start3A_1499] : memref<4x16x1024xf32, #tpu.memory_space<vmem>> -> memref<1x1x1024xf32, #tpu.memory_space<vmem>>
      %dma_start3A_1501 = tpu.memref_squeeze %dma_start3A_1500 : memref<1x1x1024xf32, #tpu.memory_space<vmem>> -> memref<1x1024xf32, #tpu.memory_space<vmem>>
      %dma_start3A_1502 = arith.constant 0 : i32
      %dma_start3A_1503 = tpu.memref_slice %arg1[%get3A_1496, %dma_start3A_1502] : memref<8192x1024xf32, #tpu.memory_space<hbm>> -> memref<1x1024xf32, #tpu.memory_space<hbm>>
      tpu.enqueue_dma source(%dma_start3A_1503 : memref<1x1024xf32, #tpu.memory_space<hbm>>) target(%dma_start3A_1501 : memref<1x1024xf32, #tpu.memory_space<vmem>>) target_semaphore(%arg7 : memref<!tpu.dma_semaphore, #tpu.memory_space<semaphore_mem>>)
      %mul3A_1504 = arith.constant 16 : i32
      %mul3A_1505 = arith.muli %add3A_1391, %mul3A_1504 : i32
      %add3A_1506 = arith.constant 8 : i32
      %add3A_1507 = arith.addi %mul3A_1505, %add3A_1506 : i32
      %get3A_1508 = arith.index_cast %add3A_1507 : i32 to index
      %get3A_1509 = memref.load %arg0[%get3A_1508] : memref<8192xi32, #tpu.memory_space<smem>>
      %dma_start3A_1510 = arith.constant 3 : i32
      %dma_start3A_1511 = arith.constant 8 : i32
      %dma_start3A_1512 = arith.constant 0 : i32
      %dma_start3A_1513 = tpu.memref_slice %arg3[%dma_start3A_1510, %dma_start3A_1511, %dma_start3A_1512] : memref<4x16x1024xf32, #tpu.memory_space<vmem>> -> memref<1x1x1024xf32, #tpu.memory_space<vmem>>
      %dma_start3A_1514 = tpu.memref_squeeze %dma_start3A_1513 : memref<1x1x1024xf32, #tpu.memory_space<vmem>> -> memref<1x1024xf32, #tpu.memory_space<vmem>>
      %dma_start3A_1515 = arith.constant 0 : i32
      %dma_start3A_1516 = tpu.memref_slice %arg1[%get3A_1509, %dma_start3A_1515] : memref<8192x1024xf32, #tpu.memory_space<hbm>> -> memref<1x1024xf32, #tpu.memory_space<hbm>>
      tpu.enqueue_dma source(%dma_start3A_1516 : memref<1x1024xf32, #tpu.memory_space<hbm>>) target(%dma_start3A_1514 : memref<1x1024xf32, #tpu.memory_space<vmem>>) target_semaphore(%arg7 : memref<!tpu.dma_semaphore, #tpu.memory_space<semaphore_mem>>)
      %mul3A_1517 = arith.constant 16 : i32
      %mul3A_1518 = arith.muli %add3A_1391, %mul3A_1517 : i32
      %add3A_1519 = arith.constant 9 : i32
      %add3A_1520 = arith.addi %mul3A_1518, %add3A_1519 : i32
      %get3A_1521 = arith.index_cast %add3A_1520 : i32 to index
      %get3A_1522 = memref.load %arg0[%get3A_1521] : memref<8192xi32, #tpu.memory_space<smem>>
      %dma_start3A_1523 = arith.constant 3 : i32
      %dma_start3A_1524 = arith.constant 9 : i32
      %dma_start3A_1525 = arith.constant 0 : i32
      %dma_start3A_1526 = tpu.memref_slice %arg3[%dma_start3A_1523, %dma_start3A_1524, %dma_start3A_1525] : memref<4x16x1024xf32, #tpu.memory_space<vmem>> -> memref<1x1x1024xf32, #tpu.memory_space<vmem>>
      %dma_start3A_1527 = tpu.memref_squeeze %dma_start3A_1526 : memref<1x1x1024xf32, #tpu.memory_space<vmem>> -> memref<1x1024xf32, #tpu.memory_space<vmem>>
      %dma_start3A_1528 = arith.constant 0 : i32
      %dma_start3A_1529 = tpu.memref_slice %arg1[%get3A_1522, %dma_start3A_1528] : memref<8192x1024xf32, #tpu.memory_space<hbm>> -> memref<1x1024xf32, #tpu.memory_space<hbm>>
      tpu.enqueue_dma source(%dma_start3A_1529 : memref<1x1024xf32, #tpu.memory_space<hbm>>) target(%dma_start3A_1527 : memref<1x1024xf32, #tpu.memory_space<vmem>>) target_semaphore(%arg7 : memref<!tpu.dma_semaphore, #tpu.memory_space<semaphore_mem>>)
      %mul3A_1530 = arith.constant 16 : i32
      %mul3A_1531 = arith.muli %add3A_1391, %mul3A_1530 : i32
      %add3A_1532 = arith.constant 10 : i32
      %add3A_1533 = arith.addi %mul3A_1531, %add3A_1532 : i32
      %get3A_1534 = arith.index_cast %add3A_1533 : i32 to index
      %get3A_1535 = memref.load %arg0[%get3A_1534] : memref<8192xi32, #tpu.memory_space<smem>>
      %dma_start3A_1536 = arith.constant 3 : i32
      %dma_start3A_1537 = arith.constant 10 : i32
      %dma_start3A_1538 = arith.constant 0 : i32
      %dma_start3A_1539 = tpu.memref_slice %arg3[%dma_start3A_1536, %dma_start3A_1537, %dma_start3A_1538] : memref<4x16x1024xf32, #tpu.memory_space<vmem>> -> memref<1x1x1024xf32, #tpu.memory_space<vmem>>
      %dma_start3A_1540 = tpu.memref_squeeze %dma_start3A_1539 : memref<1x1x1024xf32, #tpu.memory_space<vmem>> -> memref<1x1024xf32, #tpu.memory_space<vmem>>
      %dma_start3A_1541 = arith.constant 0 : i32
      %dma_start3A_1542 = tpu.memref_slice %arg1[%get3A_1535, %dma_start3A_1541] : memref<8192x1024xf32, #tpu.memory_space<hbm>> -> memref<1x1024xf32, #tpu.memory_space<hbm>>
      tpu.enqueue_dma source(%dma_start3A_1542 : memref<1x1024xf32, #tpu.memory_space<hbm>>) target(%dma_start3A_1540 : memref<1x1024xf32, #tpu.memory_space<vmem>>) target_semaphore(%arg7 : memref<!tpu.dma_semaphore, #tpu.memory_space<semaphore_mem>>)
      %mul3A_1543 = arith.constant 16 : i32
      %mul3A_1544 = arith.muli %add3A_1391, %mul3A_1543 : i32
      %add3A_1545 = arith.constant 11 : i32
      %add3A_1546 = arith.addi %mul3A_1544, %add3A_1545 : i32
      %get3A_1547 = arith.index_cast %add3A_1546 : i32 to index
      %get3A_1548 = memref.load %arg0[%get3A_1547] : memref<8192xi32, #tpu.memory_space<smem>>
      %dma_start3A_1549 = arith.constant 3 : i32
      %dma_start3A_1550 = arith.constant 11 : i32
      %dma_start3A_1551 = arith.constant 0 : i32
      %dma_start3A_1552 = tpu.memref_slice %arg3[%dma_start3A_1549, %dma_start3A_1550, %dma_start3A_1551] : memref<4x16x1024xf32, #tpu.memory_space<vmem>> -> memref<1x1x1024xf32, #tpu.memory_space<vmem>>
      %dma_start3A_1553 = tpu.memref_squeeze %dma_start3A_1552 : memref<1x1x1024xf32, #tpu.memory_space<vmem>> -> memref<1x1024xf32, #tpu.memory_space<vmem>>
      %dma_start3A_1554 = arith.constant 0 : i32
      %dma_start3A_1555 = tpu.memref_slice %arg1[%get3A_1548, %dma_start3A_1554] : memref<8192x1024xf32, #tpu.memory_space<hbm>> -> memref<1x1024xf32, #tpu.memory_space<hbm>>
      tpu.enqueue_dma source(%dma_start3A_1555 : memref<1x1024xf32, #tpu.memory_space<hbm>>) target(%dma_start3A_1553 : memref<1x1024xf32, #tpu.memory_space<vmem>>) target_semaphore(%arg7 : memref<!tpu.dma_semaphore, #tpu.memory_space<semaphore_mem>>)
      %mul3A_1556 = arith.constant 16 : i32
      %mul3A_1557 = arith.muli %add3A_1391, %mul3A_1556 : i32
      %add3A_1558 = arith.constant 12 : i32
      %add3A_1559 = arith.addi %mul3A_1557, %add3A_1558 : i32
      %get3A_1560 = arith.index_cast %add3A_1559 : i32 to index
      %get3A_1561 = memref.load %arg0[%get3A_1560] : memref<8192xi32, #tpu.memory_space<smem>>
      %dma_start3A_1562 = arith.constant 3 : i32
      %dma_start3A_1563 = arith.constant 12 : i32
      %dma_start3A_1564 = arith.constant 0 : i32
      %dma_start3A_1565 = tpu.memref_slice %arg3[%dma_start3A_1562, %dma_start3A_1563, %dma_start3A_1564] : memref<4x16x1024xf32, #tpu.memory_space<vmem>> -> memref<1x1x1024xf32, #tpu.memory_space<vmem>>
      %dma_start3A_1566 = tpu.memref_squeeze %dma_start3A_1565 : memref<1x1x1024xf32, #tpu.memory_space<vmem>> -> memref<1x1024xf32, #tpu.memory_space<vmem>>
      %dma_start3A_1567 = arith.constant 0 : i32
      %dma_start3A_1568 = tpu.memref_slice %arg1[%get3A_1561, %dma_start3A_1567] : memref<8192x1024xf32, #tpu.memory_space<hbm>> -> memref<1x1024xf32, #tpu.memory_space<hbm>>
      tpu.enqueue_dma source(%dma_start3A_1568 : memref<1x1024xf32, #tpu.memory_space<hbm>>) target(%dma_start3A_1566 : memref<1x1024xf32, #tpu.memory_space<vmem>>) target_semaphore(%arg7 : memref<!tpu.dma_semaphore, #tpu.memory_space<semaphore_mem>>)
      %mul3A_1569 = arith.constant 16 : i32
      %mul3A_1570 = arith.muli %add3A_1391, %mul3A_1569 : i32
      %add3A_1571 = arith.constant 13 : i32
      %add3A_1572 = arith.addi %mul3A_1570, %add3A_1571 : i32
      %get3A_1573 = arith.index_cast %add3A_1572 : i32 to index
      %get3A_1574 = memref.load %arg0[%get3A_1573] : memref<8192xi32, #tpu.memory_space<smem>>
      %dma_start3A_1575 = arith.constant 3 : i32
      %dma_start3A_1576 = arith.constant 13 : i32
      %dma_start3A_1577 = arith.constant 0 : i32
      %dma_start3A_1578 = tpu.memref_slice %arg3[%dma_start3A_1575, %dma_start3A_1576, %dma_start3A_1577] : memref<4x16x1024xf32, #tpu.memory_space<vmem>> -> memref<1x1x1024xf32, #tpu.memory_space<vmem>>
      %dma_start3A_1579 = tpu.memref_squeeze %dma_start3A_1578 : memref<1x1x1024xf32, #tpu.memory_space<vmem>> -> memref<1x1024xf32, #tpu.memory_space<vmem>>
      %dma_start3A_1580 = arith.constant 0 : i32
      %dma_start3A_1581 = tpu.memref_slice %arg1[%get3A_1574, %dma_start3A_1580] : memref<8192x1024xf32, #tpu.memory_space<hbm>> -> memref<1x1024xf32, #tpu.memory_space<hbm>>
      tpu.enqueue_dma source(%dma_start3A_1581 : memref<1x1024xf32, #tpu.memory_space<hbm>>) target(%dma_start3A_1579 : memref<1x1024xf32, #tpu.memory_space<vmem>>) target_semaphore(%arg7 : memref<!tpu.dma_semaphore, #tpu.memory_space<semaphore_mem>>)
      %mul3A_1582 = arith.constant 16 : i32
      %mul3A_1583 = arith.muli %add3A_1391, %mul3A_1582 : i32
      %add3A_1584 = arith.constant 14 : i32
      %add3A_1585 = arith.addi %mul3A_1583, %add3A_1584 : i32
      %get3A_1586 = arith.index_cast %add3A_1585 : i32 to index
      %get3A_1587 = memref.load %arg0[%get3A_1586] : memref<8192xi32, #tpu.memory_space<smem>>
      %dma_start3A_1588 = arith.constant 3 : i32
      %dma_start3A_1589 = arith.constant 14 : i32
      %dma_start3A_1590 = arith.constant 0 : i32
      %dma_start3A_1591 = tpu.memref_slice %arg3[%dma_start3A_1588, %dma_start3A_1589, %dma_start3A_1590] : memref<4x16x1024xf32, #tpu.memory_space<vmem>> -> memref<1x1x1024xf32, #tpu.memory_space<vmem>>
      %dma_start3A_1592 = tpu.memref_squeeze %dma_start3A_1591 : memref<1x1x1024xf32, #tpu.memory_space<vmem>> -> memref<1x1024xf32, #tpu.memory_space<vmem>>
      %dma_start3A_1593 = arith.constant 0 : i32
      %dma_start3A_1594 = tpu.memref_slice %arg1[%get3A_1587, %dma_start3A_1593] : memref<8192x1024xf32, #tpu.memory_space<hbm>> -> memref<1x1024xf32, #tpu.memory_space<hbm>>
      tpu.enqueue_dma source(%dma_start3A_1594 : memref<1x1024xf32, #tpu.memory_space<hbm>>) target(%dma_start3A_1592 : memref<1x1024xf32, #tpu.memory_space<vmem>>) target_semaphore(%arg7 : memref<!tpu.dma_semaphore, #tpu.memory_space<semaphore_mem>>)
      %mul3A_1595 = arith.constant 16 : i32
      %mul3A_1596 = arith.muli %add3A_1391, %mul3A_1595 : i32
      %add3A_1597 = arith.constant 15 : i32
      %add3A_1598 = arith.addi %mul3A_1596, %add3A_1597 : i32
      %get3A_1599 = arith.index_cast %add3A_1598 : i32 to index
      %get3A_1600 = memref.load %arg0[%get3A_1599] : memref<8192xi32, #tpu.memory_space<smem>>
      %dma_start3A_1601 = arith.constant 3 : i32
      %dma_start3A_1602 = arith.constant 15 : i32
      %dma_start3A_1603 = arith.constant 0 : i32
      %dma_start3A_1604 = tpu.memref_slice %arg3[%dma_start3A_1601, %dma_start3A_1602, %dma_start3A_1603] : memref<4x16x1024xf32, #tpu.memory_space<vmem>> -> memref<1x1x1024xf32, #tpu.memory_space<vmem>>
      %dma_start3A_1605 = tpu.memref_squeeze %dma_start3A_1604 : memref<1x1x1024xf32, #tpu.memory_space<vmem>> -> memref<1x1024xf32, #tpu.memory_space<vmem>>
      %dma_start3A_1606 = arith.constant 0 : i32
      %dma_start3A_1607 = tpu.memref_slice %arg1[%get3A_1600, %dma_start3A_1606] : memref<8192x1024xf32, #tpu.memory_space<hbm>> -> memref<1x1024xf32, #tpu.memory_space<hbm>>
      tpu.enqueue_dma source(%dma_start3A_1607 : memref<1x1024xf32, #tpu.memory_space<hbm>>) target(%dma_start3A_1605 : memref<1x1024xf32, #tpu.memory_space<vmem>>) target_semaphore(%arg7 : memref<!tpu.dma_semaphore, #tpu.memory_space<semaphore_mem>>)
      %dma_wait3A_1608 = arith.constant 1 : i32
      %dma_wait3A_1609 = arith.constant 0 : i32
      %dma_wait3A_1610 = arith.constant 0 : i32
      %dma_wait3A_1611 = tpu.memref_slice %arg3[%dma_wait3A_1608, %dma_wait3A_1609, %dma_wait3A_1610] : memref<4x16x1024xf32, #tpu.memory_space<vmem>> -> memref<1x16x1024xf32, #tpu.memory_space<vmem>>
      %dma_wait3A_1612 = tpu.memref_squeeze %dma_wait3A_1611 : memref<1x16x1024xf32, #tpu.memory_space<vmem>> -> memref<16x1024xf32, #tpu.memory_space<vmem>>
      %dma_wait3A_1613 = arith.constant 0 : i32
      %dma_wait3A_1614 = arith.constant 0 : i32
      %dma_wait3A_1615 = tpu.memref_slice %arg1[%dma_wait3A_1613, %dma_wait3A_1614] : memref<8192x1024xf32, #tpu.memory_space<hbm>> -> memref<16x1024xf32, #tpu.memory_space<hbm>>
      tpu.wait_dma2 semaphore(%arg5 : memref<!tpu.dma_semaphore, #tpu.memory_space<semaphore_mem>>) src(%dma_wait3A_1615 : memref<16x1024xf32, #tpu.memory_space<hbm>>) dst(%dma_wait3A_1612 : memref<16x1024xf32, #tpu.memory_space<vmem>>)
      %sub3A_1616 = arith.constant 2 : i32
      %sub3A_1617 = arith.subi %add3A_1391, %sub3A_1616 : i32
      %mul3A_1618 = arith.constant 16 : i32
      %mul3A_1619 = arith.muli %sub3A_1617, %mul3A_1618 : i32
      %dma_start3A_1620 = arith.constant 1 : i32
      %dma_start3A_1621 = arith.constant 0 : i32
      %dma_start3A_1622 = tpu.memref_slice %arg2[%mul3A_1619, %dma_start3A_1621] : memref<8192x1024xf32, #tpu.memory_space<hbm>> -> memref<16x1024xf32, #tpu.memory_space<hbm>>
      %dma_start3A_1623 = arith.constant 0 : i32
      %dma_start3A_1624 = arith.constant 0 : i32
      %dma_start3A_1625 = tpu.memref_slice %arg3[%dma_start3A_1620, %dma_start3A_1623, %dma_start3A_1624] : memref<4x16x1024xf32, #tpu.memory_space<vmem>> -> memref<1x16x1024xf32, #tpu.memory_space<vmem>>
      %dma_start3A_1626 = tpu.memref_squeeze %dma_start3A_1625 : memref<1x16x1024xf32, #tpu.memory_space<vmem>> -> memref<16x1024xf32, #tpu.memory_space<vmem>>
      tpu.enqueue_dma source(%dma_start3A_1626 : memref<16x1024xf32, #tpu.memory_space<vmem>>) target(%dma_start3A_1622 : memref<16x1024xf32, #tpu.memory_space<hbm>>) target_semaphore(%arg9 : memref<!tpu.dma_semaphore, #tpu.memory_space<semaphore_mem>>)
    }
    %scan3A_608 = arith.constant 127 : i32
    %dma_wait3A_609 = arith.constant 2 : i32
    %dma_wait3A_610 = arith.constant 0 : i32
    %dma_wait3A_611 = arith.constant 0 : i32
    %dma_wait3A_612 = tpu.memref_slice %arg3[%dma_wait3A_609, %dma_wait3A_610, %dma_wait3A_611] : memref<4x16x1024xf32, #tpu.memory_space<vmem>> -> memref<1x16x1024xf32, #tpu.memory_space<vmem>>
    %dma_wait3A_613 = tpu.memref_squeeze %dma_wait3A_612 : memref<1x16x1024xf32, #tpu.memory_space<vmem>> -> memref<16x1024xf32, #tpu.memory_space<vmem>>
    %dma_wait3A_614 = arith.constant 0 : i32
    %dma_wait3A_615 = arith.constant 0 : i32
    %dma_wait3A_616 = tpu.memref_slice %arg1[%dma_wait3A_614, %dma_wait3A_615] : memref<8192x1024xf32, #tpu.memory_space<hbm>> -> memref<16x1024xf32, #tpu.memory_space<hbm>>
    tpu.wait_dma2 semaphore(%arg6 : memref<!tpu.dma_semaphore, #tpu.memory_space<semaphore_mem>>) src(%dma_wait3A_616 : memref<16x1024xf32, #tpu.memory_space<hbm>>) dst(%dma_wait3A_613 : memref<16x1024xf32, #tpu.memory_space<vmem>>)
    %dma_start3A_617 = arith.constant 2 : i32
    %dma_start3A_618 = arith.constant 8160 : i32
    %dma_start3A_619 = arith.constant 0 : i32
    %dma_start3A_620 = tpu.memref_slice %arg2[%dma_start3A_618, %dma_start3A_619] : memref<8192x1024xf32, #tpu.memory_space<hbm>> -> memref<16x1024xf32, #tpu.memory_space<hbm>>
    %dma_start3A_621 = arith.constant 0 : i32
    %dma_start3A_622 = arith.constant 0 : i32
    %dma_start3A_623 = tpu.memref_slice %arg3[%dma_start3A_617, %dma_start3A_621, %dma_start3A_622] : memref<4x16x1024xf32, #tpu.memory_space<vmem>> -> memref<1x16x1024xf32, #tpu.memory_space<vmem>>
    %dma_start3A_624 = tpu.memref_squeeze %dma_start3A_623 : memref<1x16x1024xf32, #tpu.memory_space<vmem>> -> memref<16x1024xf32, #tpu.memory_space<vmem>>
    tpu.enqueue_dma source(%dma_start3A_624 : memref<16x1024xf32, #tpu.memory_space<vmem>>) target(%dma_start3A_620 : memref<16x1024xf32, #tpu.memory_space<hbm>>) target_semaphore(%arg10 : memref<!tpu.dma_semaphore, #tpu.memory_space<semaphore_mem>>)
    %dma_wait3A_625 = arith.constant 3 : i32
    %dma_wait3A_626 = arith.constant 0 : i32
    %dma_wait3A_627 = arith.constant 0 : i32
    %dma_wait3A_628 = tpu.memref_slice %arg3[%dma_wait3A_625, %dma_wait3A_626, %dma_wait3A_627] : memref<4x16x1024xf32, #tpu.memory_space<vmem>> -> memref<1x16x1024xf32, #tpu.memory_space<vmem>>
    %dma_wait3A_629 = tpu.memref_squeeze %dma_wait3A_628 : memref<1x16x1024xf32, #tpu.memory_space<vmem>> -> memref<16x1024xf32, #tpu.memory_space<vmem>>
    %dma_wait3A_630 = arith.constant 0 : i32
    %dma_wait3A_631 = arith.constant 0 : i32
    %dma_wait3A_632 = tpu.memref_slice %arg1[%dma_wait3A_630, %dma_wait3A_631] : memref<8192x1024xf32, #tpu.memory_space<hbm>> -> memref<16x1024xf32, #tpu.memory_space<hbm>>
    tpu.wait_dma2 semaphore(%arg7 : memref<!tpu.dma_semaphore, #tpu.memory_space<semaphore_mem>>) src(%dma_wait3A_632 : memref<16x1024xf32, #tpu.memory_space<hbm>>) dst(%dma_wait3A_629 : memref<16x1024xf32, #tpu.memory_space<vmem>>)
    %dma_start3A_633 = arith.constant 3 : i32
    %dma_start3A_634 = arith.constant 8176 : i32
    %dma_start3A_635 = arith.constant 0 : i32
    %dma_start3A_636 = tpu.memref_slice %arg2[%dma_start3A_634, %dma_start3A_635] : memref<8192x1024xf32, #tpu.memory_space<hbm>> -> memref<16x1024xf32, #tpu.memory_space<hbm>>
    %dma_start3A_637 = arith.constant 0 : i32
    %dma_start3A_638 = arith.constant 0 : i32
    %dma_start3A_639 = tpu.memref_slice %arg3[%dma_start3A_633, %dma_start3A_637, %dma_start3A_638] : memref<4x16x1024xf32, #tpu.memory_space<vmem>> -> memref<1x16x1024xf32, #tpu.memory_space<vmem>>
    %dma_start3A_640 = tpu.memref_squeeze %dma_start3A_639 : memref<1x16x1024xf32, #tpu.memory_space<vmem>> -> memref<16x1024xf32, #tpu.memory_space<vmem>>
    tpu.enqueue_dma source(%dma_start3A_640 : memref<16x1024xf32, #tpu.memory_space<vmem>>) target(%dma_start3A_636 : memref<16x1024xf32, #tpu.memory_space<hbm>>) target_semaphore(%arg11 : memref<!tpu.dma_semaphore, #tpu.memory_space<semaphore_mem>>)
    %dma_wait3A_641 = arith.constant 0 : i32
    %dma_wait3A_642 = arith.constant 0 : i32
    %dma_wait3A_643 = arith.constant 0 : i32
    %dma_wait3A_644 = tpu.memref_slice %arg2[%dma_wait3A_642, %dma_wait3A_643] : memref<8192x1024xf32, #tpu.memory_space<hbm>> -> memref<16x1024xf32, #tpu.memory_space<hbm>>
    %dma_wait3A_645 = arith.constant 0 : i32
    %dma_wait3A_646 = arith.constant 0 : i32
    %dma_wait3A_647 = tpu.memref_slice %arg3[%dma_wait3A_641, %dma_wait3A_645, %dma_wait3A_646] : memref<4x16x1024xf32, #tpu.memory_space<vmem>> -> memref<1x16x1024xf32, #tpu.memory_space<vmem>>
    %dma_wait3A_648 = tpu.memref_squeeze %dma_wait3A_647 : memref<1x16x1024xf32, #tpu.memory_space<vmem>> -> memref<16x1024xf32, #tpu.memory_space<vmem>>
    tpu.wait_dma2 semaphore(%arg8 : memref<!tpu.dma_semaphore, #tpu.memory_space<semaphore_mem>>) src(%dma_wait3A_648 : memref<16x1024xf32, #tpu.memory_space<vmem>>) dst(%dma_wait3A_644 : memref<16x1024xf32, #tpu.memory_space<hbm>>)
    %dma_wait3A_649 = arith.constant 1 : i32
    %dma_wait3A_650 = arith.constant 0 : i32
    %dma_wait3A_651 = arith.constant 0 : i32
    %dma_wait3A_652 = tpu.memref_slice %arg2[%dma_wait3A_650, %dma_wait3A_651] : memref<8192x1024xf32, #tpu.memory_space<hbm>> -> memref<16x1024xf32, #tpu.memory_space<hbm>>
    %dma_wait3A_653 = arith.constant 0 : i32
    %dma_wait3A_654 = arith.constant 0 : i32
    %dma_wait3A_655 = tpu.memref_slice %arg3[%dma_wait3A_649, %dma_wait3A_653, %dma_wait3A_654] : memref<4x16x1024xf32, #tpu.memory_space<vmem>> -> memref<1x16x1024xf32, #tpu.memory_space<vmem>>
    %dma_wait3A_656 = tpu.memref_squeeze %dma_wait3A_655 : memref<1x16x1024xf32, #tpu.memory_space<vmem>> -> memref<16x1024xf32, #tpu.memory_space<vmem>>
    tpu.wait_dma2 semaphore(%arg9 : memref<!tpu.dma_semaphore, #tpu.memory_space<semaphore_mem>>) src(%dma_wait3A_656 : memref<16x1024xf32, #tpu.memory_space<vmem>>) dst(%dma_wait3A_652 : memref<16x1024xf32, #tpu.memory_space<hbm>>)
    %dma_wait3A_657 = arith.constant 2 : i32
    %dma_wait3A_658 = arith.constant 0 : i32
    %dma_wait3A_659 = arith.constant 0 : i32
    %dma_wait3A_660 = tpu.memref_slice %arg2[%dma_wait3A_658, %dma_wait3A_659] : memref<8192x1024xf32, #tpu.memory_space<hbm>> -> memref<16x1024xf32, #tpu.memory_space<hbm>>
    %dma_wait3A_661 = arith.constant 0 : i32
    %dma_wait3A_662 = arith.constant 0 : i32
    %dma_wait3A_663 = tpu.memref_slice %arg3[%dma_wait3A_657, %dma_wait3A_661, %dma_wait3A_662] : memref<4x16x1024xf32, #tpu.memory_space<vmem>> -> memref<1x16x1024xf32, #tpu.memory_space<vmem>>
    %dma_wait3A_664 = tpu.memref_squeeze %dma_wait3A_663 : memref<1x16x1024xf32, #tpu.memory_space<vmem>> -> memref<16x1024xf32, #tpu.memory_space<vmem>>
    tpu.wait_dma2 semaphore(%arg10 : memref<!tpu.dma_semaphore, #tpu.memory_space<semaphore_mem>>) src(%dma_wait3A_664 : memref<16x1024xf32, #tpu.memory_space<vmem>>) dst(%dma_wait3A_660 : memref<16x1024xf32, #tpu.memory_space<hbm>>)
    %dma_wait3A_665 = arith.constant 3 : i32
    %dma_wait3A_666 = arith.constant 0 : i32
    %dma_wait3A_667 = arith.constant 0 : i32
    %dma_wait3A_668 = tpu.memref_slice %arg2[%dma_wait3A_666, %dma_wait3A_667] : memref<8192x1024xf32, #tpu.memory_space<hbm>> -> memref<16x1024xf32, #tpu.memory_space<hbm>>
    %dma_wait3A_669 = arith.constant 0 : i32
    %dma_wait3A_670 = arith.constant 0 : i32
    %dma_wait3A_671 = tpu.memref_slice %arg3[%dma_wait3A_665, %dma_wait3A_669, %dma_wait3A_670] : memref<4x16x1024xf32, #tpu.memory_space<vmem>> -> memref<1x16x1024xf32, #tpu.memory_space<vmem>>
    %dma_wait3A_672 = tpu.memref_squeeze %dma_wait3A_671 : memref<1x16x1024xf32, #tpu.memory_space<vmem>> -> memref<16x1024xf32, #tpu.memory_space<vmem>>
    tpu.wait_dma2 semaphore(%arg11 : memref<!tpu.dma_semaphore, #tpu.memory_space<semaphore_mem>>) src(%dma_wait3A_672 : memref<16x1024xf32, #tpu.memory_space<vmem>>) dst(%dma_wait3A_668 : memref<16x1024xf32, #tpu.memory_space<hbm>>)
    return
  }
}

</mosaic_0001>

<sc_bundles>
// kernel: kernel.4.cloned.1.call-start
scs
__scs_entry_jumppad:
0x0: {  	(pc) =	sbr.rel $0x88, $3  }
0x1: {  	(tag) =	ssettag $0x0;
	lr =	simm.s32 $0x1  }
0x2: {  	[smem:$0x3F9F] =	sst lr;
	_ =	strace $0xD0000000  }
0x3: {  	_ = 	snop  }
0x4: {  	_ = 	snop  }
0x5: {  	_ = 	snop  }
0x6: {  	_ = 	snop  }
0x7: {  	_ = 	snop  }
__scs_overlays_trampoline_lowered:
0x8: {  	[smem:$0x3FAE] =	sst s0  }
0x9: {  	[smem:$0x3FAF] =	sst s1  }
0xa: {  	[smem:$0x3FB0] =	sst s2  }
0xb: {  	[smem:$0x3FB1] =	sst s3  }
0xc: {  	[smem:$0x3FB2] =	sst s4  }
0xd: {  	[smem:$0x3FB3] =	sst s5  }
0xe: {  	[smem:$0x3FB4] =	sst s6  }
0xf: {  	[smem:$0x3FB5] =	sst s7  }
0x10: {  	[smem:$0x3FB6] =	sst s8  }
0x11: {  	[smem:$0x3FB7] =	sst s9;
	s0 =	simm.s32 @!p0 $0x0  }
0x12: {  	s1 =	sld [smem:$0x3F9D];
	s0 =	simm.s32 @p0 $0x1  }
0x13: {  	[smem:$0x3FB8] =	sst s0;
	s0 =	simm.s32 @!p1 $0x0  }
0x14: {  	s2 =	sld [smem:$0x3F9C];
	s0 =	simm.s32 @p1 $0x1  }
0x15: {  	[smem:$0x3FB9] =	sst s0;
	s0 =	simm.s32 @!p2 $0x0  }
0x16: {  	s3 =	sld [smem:$0x3FDB];
	s0 =	simm.s32 @p2 $0x1  }
0x17: {  	s4 =	simm.s32 $0x1BF5;
	[smem:$0x3FBB] =	sst s0  }
0x18: {  	s0 =	sld [smem:$0x3F9E];
	_ =	swait.ge [sflag:s4], $0x0  }
0x19: {  	s7 =	sld [smem:$0x3F9F]  }
0x1a: {  	s8 =	sadd.s32 $0xFFFFE003, lr  }
0x1b: {  	s9 =	sadd.s32 $0xFFFFFEF7, lr;
	s5 =	simm.s32 $0xFFFFFFFF;
	p2 =	slt.u32 s8, $0xFFFFF086  }
0x1c: {  	p1 =	slt.u32 s9, $0xF7A;
	s5 =	simm.s32 @!p2 $0x0  }
0x1d: {  	s5 =	simm.s32 @p1 $0x1;
	p0 =	seq.s32 s7, s2  }
0x1e: {  	s7 =	smul.u32 @!p0 $0xF7A, s2;
	p2 =	seq.s32 @!p0 s5, $0x0  }
0x1f: {  	s9 =	smul.u32 $0xF7A, s1;
	s8 =	simm.s32 @!p0 $0x1BF5;
	p2 =	por !p2, p0  }
0x20: {  	[sflag:s8] =	ssyncset.s32 @!p0 $0xFFFFF086;
	s6 =	sadd.s32 @!p0 s3, s7;
	s7 =	simm.s32 @!p0 $0x108  }
0x21: {  	s3 =	sadd.s32 s3, s9;
	s6 =	sadd.s32 @!p0 $0x88, s6;
	s7 =	simm.s32 @p2 $0x1082  }
0x22: {  	[simem:s7], [sflag:s8] =	dma.local @!p0 [hbm:s6], $0xF7A  }
0x23: {  	s9 =	sor.u32 $0xD0000000, s2;
	s6 =	simm.s32 $0x108;
	_ =	swait.ge @!p0 [sflag:s8], $0x0  }
0x24: {  	s3 =	sadd.s32 $0x88, s3;
	s6 =	simm.s32 @!p1 $0x1082;
	[sflag:s4] =	ssyncset.s32 $0xFFFFF086  }
0x25: {  	[simem:s6], [sflag:s4] =	dma.local [hbm:s3], $0xF7A  }
0x26: {  	[smem:$0x3F9F] =	sst s1;
	(tag) =	ssettag s2;
	_ =	strace s9  }
0x27: {  	s1 =	sld [smem:$0x3FAF]  }
0x28: {  	s2 =	sld [smem:$0x3FB0]  }
0x29: {  	s4 =	sld [smem:$0x3FB2]  }
0x2a: {  	p0 =	seq.s32 s5, $0x0;
	s5 =	sld [smem:$0x3FB3]  }
0x2b: {  	s6 =	sld [smem:$0x3FB4]  }
0x2c: {  	s7 =	sld [smem:$0x3FB5]  }
0x2d: {  	s3 =	simm.s32 $0x108;
	s8 =	sld [smem:$0x3FB6]  }
0x2e: {  	s3 =	simm.s32 @!p0 $0x1082;
	s9 =	sld [smem:$0x3FB7]  }
0x2f: {  	lr =	sadd.s32 s0, s3;
	s0 =	sld [smem:$0x3FAE]  }
0x30: {  	s3 =	sld [smem:$0x3FB1]  }
0x31: {  	[smem:$0x3FBA] =	sst s10  }
0x32: {  	s10 =	sld [smem:$0x3FB8];
	_ =	sdelay $0x3  }
0x33: {  	p0 =	seq.s32 s10, $0x1;
	s10 =	sld [smem:$0x3FBA];
	_ =	sdelay $0x3  }
0x34: {  	[smem:$0x3FBA] =	sst s10  }
0x35: {  	s10 =	sld [smem:$0x3FB9];
	_ =	sdelay $0x3  }
0x36: {  	p1 =	seq.s32 s10, $0x1;
	s10 =	sld [smem:$0x3FBA];
	_ =	sdelay $0x3  }
0x37: {  	[smem:$0x3FBA] =	sst s10  }
0x38: {  	s10 =	sld [smem:$0x3FBB]  }
0x39: {  	_ = 	snop;
	(pc) =	sbr.ind lr, $3  }
0x3a: {  	_ = 	snop  }
0x3b: {  	_ = 	snop  }
0x3c: {  	p2 =	seq.s32 s10, $0x1;
	s10 =	sld [smem:$0x3FBA]  }
0x3d: {  	_ =	shalt  }
0x3e: {  	_ =	shalt  }
0x3f: {  	_ =	shalt  }
0x40: {  	_ =	shalt  }
0x41: {  	_ =	shalt  }
0x42: {  	_ =	shalt  }
0x43: {  	_ =	shalt  }
0x44: {  	_ =	shalt  }
0x45: {  	_ =	shalt  }
0x46: {  	_ =	shalt  }
0x47: {  	_ =	shalt  }
0x48: {  	_ =	shalt  }
0x49: {  	_ =	shalt  }
0x4a: {  	_ =	shalt  }
0x4b: {  	_ =	shalt  }
0x4c: {  	_ =	shalt  }
0x4d: {  	_ =	shalt  }
0x4e: {  	_ =	shalt  }
0x4f: {  	_ =	shalt  }
0x50: {  	_ =	shalt  }
0x51: {  	_ =	shalt  }
0x52: {  	_ =	shalt  }
0x53: {  	_ =	shalt  }
0x54: {  	_ =	shalt  }
0x55: {  	_ =	shalt  }
0x56: {  	_ =	shalt  }
0x57: {  	_ =	shalt  }
0x58: {  	_ =	shalt  }
0x59: {  	_ =	shalt  }
0x5a: {  	_ =	shalt  }
0x5b: {  	_ =	shalt  }
0x5c: {  	_ =	shalt  }
0x5d: {  	_ =	shalt  }
0x5e: {  	_ =	shalt  }
0x5f: {  	_ =	shalt  }
0x60: {  	_ =	shalt  }
0x61: {  	_ =	shalt  }
0x62: {  	_ =	shalt  }
0x63: {  	_ =	shalt  }
0x64: {  	_ =	shalt  }
0x65: {  	_ =	shalt  }
0x66: {  	_ =	shalt  }
0x67: {  	_ =	shalt  }
0x68: {  	_ =	shalt  }
0x69: {  	_ =	shalt  }
0x6a: {  	_ =	shalt  }
0x6b: {  	_ =	shalt  }
0x6c: {  	_ =	shalt  }
0x6d: {  	_ =	shalt  }
0x6e: {  	_ =	shalt  }
0x6f: {  	_ =	shalt  }
0x70: {  	_ =	shalt  }
0x71: {  	_ =	shalt  }
0x72: {  	_ =	shalt  }
0x73: {  	_ =	shalt  }
0x74: {  	_ =	shalt  }
0x75: {  	_ =	shalt  }
0x76: {  	_ =	shalt  }
0x77: {  	_ =	shalt  }
0x78: {  	_ =	shalt  }
0x79: {  	_ =	shalt  }
0x7a: {  	_ =	shalt  }
0x7b: {  	_ =	shalt  }
0x7c: {  	_ =	shalt  }
0x7d: {  	_ =	shalt  }
0x7e: {  	_ =	shalt  }
0x7f: {  	_ =	shalt  }
0x80: {  	_ =	shalt  }
0x81: {  	_ =	shalt  }
0x82: {  	_ =	shalt  }
0x83: {  	_ =	shalt  }
0x84: {  	_ =	shalt  }
0x85: {  	_ =	shalt  }
0x86: {  	_ =	shalt  }
0x87: {  	_ =	shalt  }
.Lfunc_end0:
.L_simem_size_0:
called_computation_lowered:
.L_overlay_start_0:
0x88: {  	s2 =	sld [smem:$0x3FD9]  }
0x89: {  	s3 =	sld [smem:$0x3FFE];
	_ =	sdelay $0x1  }
0x8a: {  	s1 =	srdreg.scid  }
0x8b: {  	s0 =	sand.u32 $0x1, s1  }
0x8c: {  	s17 =	sshll.u32 s0, $0xA;
	s2 =	sadd.s32 s3, s2  }
0x8d: {  	s2 =	sadd.s32 s2, s17  }
0x8e: {  	[smem:$0x3FC6] =	sst s2  }
0x8f: {  	_ = 	snop  }
0x90: {  	s2 =	sld [smem:$0x3FC9]  }
0x91: {  	s18 =	sld [smem:$0x3FD0];
	(tm) =	ssettm $0x1  }
0x92: {  	s4 =	sld [smem:$0x3FFB];
	_ =	sdelay $0x3  }
0x93: {  	_ =	strace s4  }
0x94: {  	s4 =	sld [smem:$0x3FFC];
	_ =	sdelay $0x3  }
0x95: {  	_ =	strace s4  }
0x96: {  	s4 =	sld [smem:$0x3FFD];
	_ =	sdelay $0x3  }
0x97: {  	_ =	strace s4  }
0x98: {  	_ =	strace $0x8FFFFFFF  }
0x99: {  	s19 =	sld [smem:$0x3FDB];
	_ =	sdelay $0x1  }
0x9a: {  	s5 =	simm.s32 $_scs_section_size  }
0x9b: {  	s6 =	simm.s32 $_size__tile_overlayer_lowered;
	s7 =	simm.s32 $_tile_overlayer_lowered  }
0x9c: {  	s22 =	simm.s32 $0x1BFF;
	s21 =	sshll.u32 s7, $0x1;
	s4 =	sadd.s32 s5, s19  }
0x9d: {  	s8 =	simm.s32 $0x0;
	s20 =	sshll.u32 s6, $0x1;
	s6 =	sadd.s32 s21, s4  }
0x9e: {  	[timem:s8], [sflag:s22] =	dma.local [hbm:s6], s20  }
0x9f: {  	_ =	swait.ge [sflag:s22], s20  }
0xa0: {  	s5 =	ssub.s32 $0x0, s20;
	[sflag:s22] =	ssyncset.done $0x0  }
0xa1: {  	[sflag:s22] =	ssyncadd.s32 s5;
	_ =	sdelay $0x1  }
0xa2: {  	s23 =	simm.s32 $0x1B8B  }
0xa3: {  	_ =	swait.ge [sflag:s23], $0x1  }
0xa4: {  	[sflag:s23] =	ssyncset.done $0x0  }
0xa5: {  	s25 =	simm.s32 $0x1B8E;
	s24 =	sld [smem:$0x3FFE];
	[sflag:s23] =	ssyncadd.s32 $0xFFFFFFFF  }
0xa6: {  	s26 =	simm.s32 $execute0_lowered;
	[smem:$0x3FD2] =	sst s25  }
0xa7: {  	s6 =	sshll.u32 s26, $0x1;
	_ =	strace $0x80000046;
	[dreg:$0x1] =	wrdreg $0xFFFFFFFF  }
0xa8: {  	s28 =	simm.s32 $_size_execute0_lowered;
	s4 =	sadd.s32 s4, s6;
	[dreg:$0x0] =	wrdreg $0x0  }
0xa9: {  	s6 =	sshll.u32 s28, $0x1;
	[dreg:$0x2] =	wrdreg s4  }
0xaa: {  	[dreg:$0x3] =	wrdreg s6  }
0xab: {  	[dreg:$0x4] =	wrdreg $0xC0  }
0xac: {  	_ =	task [dreg:s8], $0x5FFFF  }
0xad: {  	[dreg:$0x1] =	wrdreg $0xFFFFFFFF  }
0xae: {  	[dreg:$0x0] =	wrdreg $0x60  }
0xaf: {  	[dreg:$0x2] =	wrdreg s2  }
0xb0: {  	[dreg:$0x3] =	wrdreg s24  }
0xb1: {  	[dreg:$0x4] =	wrdreg s18  }
0xb2: {  	[dreg:$0x5] =	wrdreg $0x9  }
0xb3: {  	_ =	task.clear_ibuf [dreg:s8], $0x6FFFF;
	_ =	strace $0x90000046  }
0xb4: {  	s29 =	simm.s32 $0x9;
	_ =	strace $0x80000048  }
0xb5: {  	_ =	swait.ge [sflag:s29], $0x1  }
0xb6: {  	[sflag:s29] =	ssyncadd.s32 $0xFFFFFFFF  }
0xb7: {  	_ =	strace $0x90000048  }
0xb8: {  	_ =	sfence  }
0xb9: {  	s30 =	sld [smem:$0x0];
	_ =	sdelay $0x2  }
0xba: {  	s31 =	sshll.u32 s1, $0xD;
	s1 =	sshrl.u32 s1, $0x2  }
0xbb: {  	s3 =	sand.u32 $0x4000, s31;
	s1 =	sadd.s32 s1, s30  }
0xbc: {  	s0 =	sor.u32 s3, s0;
	s1 =	sshll.u32 s1, $0x11  }
0xbd: {  	s0 =	sor.u32 s1, s0  }
0xbe: {  	s0 =	sadd.s32 $0x8F2B, s0  }
0xbf: {  	[sflag:s0] =	ssyncadd.remote.s32 $0x1  }
0xc0: {  	_ =	sfence.sel $0xFFFF  }
0xc1: {  	[dreg:$0x0] =	wrdreg $0xFFFFFFFF;
	(pc) =	sbr.abs _section_cstart, $3  }
0xc2: {  	[dreg:$0x1] =	wrdreg $0xFFFFFFFF  }
0xc3: {  	_ =	task.clear_ibuf [dreg:s8], $0x2FFFF;
	_ =	strace $0x9FFFFFFF  }
0xc4: {  	(tm) =	ssettm $0x7FFFFFFF  }
0xc5: {  	_ =	shalt  }
tec
execute0_lowered:
.L_overlay_start_1:
0x0: {  	(tag) =	ssettag $0x1  }
0x1: {  	s1 =	rddreg [dreg:$0x0]  }
0x2: {  	s0 =	srdreg.scid;
	s2 =	rddreg [dreg:$0x1]  }
0x3: {  	s10 =	stileid.u32;
	s4 =	rddreg [dreg:$0x2]  }
0x4: {  	s21 =	simm.s32 $0x300;
	s31 =	simm.s32 $0x2B00;
	s12 =	simm.s32 $0x3300  }
0x5: {  	s15 =	simm.s32 $0x3B00;
	s22 =	simm.s32 $0x4300;
	s16 =	simm.s32 $0x4B00  }
0x6: {  	s17 =	simm.s32 $0x5300;
	s18 =	simm.s32 $0x5B00;
	s19 =	simm.s32 $0x6300  }
0x7: {  	s20 =	simm.s32 $0x6B00;
	s14 =	simm.s32 $0x7300;
	s11 =	simm.s32 $0x8300  }
0x8: {  	s13 =	simm.s32 $0xC300;
	s28 =	simm.s32 $0x4;
	s29 =	simm.s32 $0x7  }
0x9: {  	s0 =	sand.u32 $0x1, s0;
	s3 =	sshll.u32 s10, $0x1;
	s10 =	smul.u32 $0x30000, s10  }
0xa: {  	s5 =	sor.u32 s0, s3;
	s7 =	ssub.s32 $0x2, s0;
	s0 =	smul.u32 $0x18000, s0  }
0xb: {  	s30 =	simm.s32 $0x8;
	s3 =	simm.s32 $0x0;
	s6 =	smul.u32 $0x300, s5  }
0xc: {  	[smem:$0x7FF] =	sst s3;
	s23 =	sshrl.u32 s7, $0x1;
	s8 =	smul.u32 $0x18000, s5  }
0xd: {  	s24 =	smul.u32 $0xC0000, s5;
	s5 =	sadd.s32 $0x100, s1;
	_ =	strace $0x80000047  }
0xe: {  	s9 =	ssub.s32 s7, s23;
	s7 =	sadd.s32 $0x300, s1;
	s23 =	simm.s32 $0x2  }
0xf: {  	s6 =	sshrl.u32 s6, $0x3;
	s8 =	sadd.s32 s4, s8;
	s26 =	smax.u32 s9, $0x1  }
0x10: {  	s9 =	simm.s32 $0x1300;
	s2 =	sadd.s32 s6, s2;
	[dreg:$0x6] =	wrdreg s8  }
0x11: {  	s6 =	sadd.s32 $0x200, s1;
	[dreg:$0xa] =	wrdreg s26;
	s2 =	sadd.s32 $0x400, s2  }
0x12: {  	s8 =	sadd.s32 $0x800, s8;
	[dreg:$0x5] =	wrdreg s2;
	s2 =	sshrl.u32 s24, $0x3  }
0x13: {  	s26 =	simm.s32 $0x6;
	[dreg:$0x7] =	wrdreg s8;
	s2 =	sadd.s32 s4, s2  }
0x14: {  	s8 =	simm.s32 $0x1;
	s24 =	simm.s32 $0x5;
	s25 =	sadd.s32 $0x17000, s2  }
0x15: {  	s4 =	sadd.s32 s10, s4;
	s2 =	sadd.s32 $0x17800, s2;
	[dreg:$0x8] =	wrdreg s25  }
0x16: {  	v2 =	vlaneseq.u32;
	s10 =	simm.s32 $0x2300;
	s0 =	sadd.s32 s0, s4;
	[dreg:$0x9] =	wrdreg s2  }
0x17: {  	vm0 =	vmmov $0xffff;
	v1 =	vshrl.u32 v2, $0x3;
	s4 =	simm.s32 $0xB00;
	[dreg:$0x4] =	wrdreg s0;
	s0 =	simm.s32 $0x0  }
0x18: {  	v0 =	vand.u32 $0x7, v2;
	v2 =	vor.u32 $0x8, v2;
	v1 =	vmul.u32 $0x8, v1;
	s2 =	simm.s32 $0x1B00;
	s25 =	simm.s32 $0x3;
	[dreg:$0xb] =	wrdreg s0  }
.LBB2_1:
0x19: {  	s0 =	rddreg [dreg:$0x5]  }
0x1a: {  	[tilespmem:s3], [sflag:$0x9] =	stream.linear.gather [hbm4b:s0+s3], $0x300, $0x38;
	[tilespmem:$0x10300] =	vst v63  }
0x1b: {  	s0 =	simm.s32 $0x9  }
0x1c: {  	_ =	swait.ge [sflag:s0], $0x300  }
0x1d: {  	[sflag:s0] =	ssyncset.done $0x0  }
0x1e: {  	[sflag:s0] =	ssyncadd.s32 $0xFFFFFD00  }
0x1f: {  	v3 =	vld [tilespmem:$0x0];
	_ =	sdelay $0x4  }
0x20: {  	v4 =	vshll.u32 v3, $0x3  }
0x21: {  	v3 =	vand.u32 $0x7, v3;
	v4 =	vand.u32 $0xFFFFFFC0, v4  }
0x22: {  	v3 =	vor.u32 v3, v4  }
0x23: {  	v4 =	vperm.xlane v3, v0;
	_ =	sdelay $0x1  }
0x24: {  	v4 =	vadd.s32 v1, v4;
	_ =	sdelay $0x4  }
0x25: {  	[tilespmem:s21], [sflag:$0x1] =	stream.indirect_vreg.gather [hbm4b:s1+s3], $0x80, v4, vm0, $0xb8;
	[tilespmem:$0x10300] =	vst v63  }
0x26: {  	v3 =	vperm.xlane v3, v2  }
0x27: {  	[tilespmem:s4], [sflag:$0x1] =	stream.indirect_vreg.gather [hbm4b:s5+s3], $0x80, v4, vm0, $0xb8;
	[tilespmem:$0x10300] =	vst v63  }
0x28: {  	v3 =	vadd.s32 v1, v3  }
0x29: {  	[tilespmem:s9], [sflag:$0x1] =	stream.indirect_vreg.gather [hbm4b:s6+s3], $0x80, v4, vm0, $0xb8;
	[tilespmem:$0x10300] =	vst v63  }
0x2a: {  	_ = 	snop  }
0x2b: {  	[tilespmem:s2], [sflag:$0x1] =	stream.indirect_vreg.gather [hbm4b:s7+s3], $0x80, v4, vm0, $0xb8;
	[tilespmem:$0x10300] =	vst v63  }
0x2c: {  	_ = 	snop  }
0x2d: {  	[tilespmem:s10], [sflag:$0x1] =	stream.indirect_vreg.gather [hbm4b:s1+s3], $0x80, v3, vm0, $0xb8;
	[tilespmem:$0x10300] =	vst v63  }
0x2e: {  	_ = 	snop  }
0x2f: {  	[tilespmem:s31], [sflag:$0x1] =	stream.indirect_vreg.gather [hbm4b:s5+s3], $0x80, v3, vm0, $0xb8;
	[tilespmem:$0x10300] =	vst v63  }
0x30: {  	_ = 	snop  }
0x31: {  	[tilespmem:s12], [sflag:$0x1] =	stream.indirect_vreg.gather [hbm4b:s6+s3], $0x80, v3, vm0, $0xb8;
	[tilespmem:$0x10300] =	vst v63  }
0x32: {  	_ = 	snop  }
0x33: {  	[tilespmem:s15], [sflag:$0x1] =	stream.indirect_vreg.gather [hbm4b:s7+s3], $0x80, v3, vm0, $0xb8;
	[tilespmem:$0x10300] =	vst v63  }
0x34: {  	v3 =	vld [tilespmem:$0x10];
	_ =	sdelay $0x4  }
0x35: {  	v61 =	vshll.u32 v3, $0x3  }
0x36: {  	v3 =	vand.u32 $0x7, v3;
	v4 =	vand.u32 $0xFFFFFFC0, v61  }
0x37: {  	v3 =	vor.u32 v3, v4  }
0x38: {  	v4 =	vperm.xlane v3, v0;
	_ =	sdelay $0x1  }
0x39: {  	v4 =	vadd.s32 v1, v4;
	_ =	sdelay $0x4  }
0x3a: {  	[tilespmem:s22], [sflag:$0x2] =	stream.indirect_vreg.gather [hbm4b:s1+s3], $0x80, v4, vm0, $0xb8;
	[tilespmem:$0x10300] =	vst v63  }
0x3b: {  	v3 =	vperm.xlane v3, v2  }
0x3c: {  	[tilespmem:s16], [sflag:$0x2] =	stream.indirect_vreg.gather [hbm4b:s5+s3], $0x80, v4, vm0, $0xb8;
	[tilespmem:$0x10300] =	vst v63  }
0x3d: {  	v3 =	vadd.s32 v1, v3  }
0x3e: {  	[tilespmem:s17], [sflag:$0x2] =	stream.indirect_vreg.gather [hbm4b:s6+s3], $0x80, v4, vm0, $0xb8;
	[tilespmem:$0x10300] =	vst v63  }
0x3f: {  	_ = 	snop  }
0x40: {  	[tilespmem:s18], [sflag:$0x2] =	stream.indirect_vreg.gather [hbm4b:s7+s3], $0x80, v4, vm0, $0xb8;
	[tilespmem:$0x10300] =	vst v63  }
0x41: {  	_ = 	snop  }
0x42: {  	[tilespmem:s19], [sflag:$0x2] =	stream.indirect_vreg.gather [hbm4b:s1+s3], $0x80, v3, vm0, $0xb8;
	[tilespmem:$0x10300] =	vst v63  }
0x43: {  	_ = 	snop  }
0x44: {  	[tilespmem:s20], [sflag:$0x2] =	stream.indirect_vreg.gather [hbm4b:s5+s3], $0x80, v3, vm0, $0xb8;
	[tilespmem:$0x10300] =	vst v63  }
0x45: {  	_ = 	snop  }
0x46: {  	[tilespmem:s14], [sflag:$0x2] =	stream.indirect_vreg.gather [hbm4b:s6+s3], $0x80, v3, vm0, $0xb8;
	[tilespmem:$0x10300] =	vst v63  }
0x47: {  	s16 =	simm.s32 $0x7B00  }
0x48: {  	[tilespmem:s16], [sflag:$0x2] =	stream.indirect_vreg.gather [hbm4b:s7+s3], $0x80, v3, vm0, $0xb8;
	[tilespmem:$0x10300] =	vst v63  }
0x49: {  	v3 =	vld [tilespmem:$0x20];
	_ =	sdelay $0x4  }
0x4a: {  	v62 =	vshll.u32 v3, $0x3  }
0x4b: {  	v3 =	vand.u32 $0x7, v3;
	v4 =	vand.u32 $0xFFFFFFC0, v62  }
0x4c: {  	v3 =	vor.u32 v3, v4  }
0x4d: {  	v4 =	vperm.xlane v3, v0;
	_ =	sdelay $0x1  }
0x4e: {  	v4 =	vadd.s32 v1, v4;
	_ =	sdelay $0x4  }
0x4f: {  	[tilespmem:s11], [sflag:$0x3] =	stream.indirect_vreg.gather [hbm4b:s1+s3], $0x80, v4, vm0, $0xb8;
	[tilespmem:$0x10300] =	vst v63  }
0x50: {  	s17 =	simm.s32 $0x8B00;
	v3 =	vperm.xlane v3, v2  }
0x51: {  	[tilespmem:s17], [sflag:$0x3] =	stream.indirect_vreg.gather [hbm4b:s5+s3], $0x80, v4, vm0, $0xb8;
	[tilespmem:$0x10300] =	vst v63  }
0x52: {  	s18 =	simm.s32 $0x9300;
	v3 =	vadd.s32 v1, v3  }
0x53: {  	[tilespmem:s18], [sflag:$0x3] =	stream.indirect_vreg.gather [hbm4b:s6+s3], $0x80, v4, vm0, $0xb8;
	[tilespmem:$0x10300] =	vst v63  }
0x54: {  	s19 =	simm.s32 $0x9B00  }
0x55: {  	[tilespmem:s19], [sflag:$0x3] =	stream.indirect_vreg.gather [hbm4b:s7+s3], $0x80, v4, vm0, $0xb8;
	[tilespmem:$0x10300] =	vst v63  }
0x56: {  	s20 =	simm.s32 $0xA300  }
0x57: {  	[tilespmem:s20], [sflag:$0x3] =	stream.indirect_vreg.gather [hbm4b:s1+s3], $0x80, v3, vm0, $0xb8;
	[tilespmem:$0x10300] =	vst v63  }
0x58: {  	s2 =	simm.s32 $0xAB00  }
0x59: {  	[tilespmem:s2], [sflag:$0x3] =	stream.indirect_vreg.gather [hbm4b:s5+s3], $0x80, v3, vm0, $0xb8;
	[tilespmem:$0x10300] =	vst v63  }
0x5a: {  	s10 =	simm.s32 $0xB300  }
0x5b: {  	[tilespmem:s10], [sflag:$0x3] =	stream.indirect_vreg.gather [hbm4b:s6+s3], $0x80, v3, vm0, $0xb8;
	[tilespmem:$0x10300] =	vst v63  }
0x5c: {  	s11 =	simm.s32 $0xBB00  }
0x5d: {  	[tilespmem:s11], [sflag:$0x3] =	stream.indirect_vreg.gather [hbm4b:s7+s3], $0x80, v3, vm0, $0xb8;
	[tilespmem:$0x10300] =	vst v63  }
0x5e: {  	_ =	swait.ge [sflag:s8], $0x4000  }
0x5f: {  	[sflag:s8] =	ssyncset.done $0x0  }
0x60: {  	s12 =	rddreg [dreg:$0x6];
	[sflag:s8] =	ssyncadd.s32 $0xFFFFC000  }
0x61: {  	[hbm4b:s12+s3] =	stream.linear.scatter [tilespmem:s21], [sflag:$0x5], $0x4000, $0x38;
	[tilespmem:$0x10300] =	vst v63  }
0x62: {  	v3 =	vld [tilespmem:$0x30];
	_ =	sdelay $0x4  }
0x63: {  	v63 =	vshll.u32 v3, $0x3  }
0x64: {  	v3 =	vand.u32 $0x7, v3;
	v4 =	vand.u32 $0xFFFFFFC0, v63  }
0x65: {  	v3 =	vor.u32 v3, v4  }
0x66: {  	v4 =	vperm.xlane v3, v0;
	_ =	sdelay $0x1  }
0x67: {  	v4 =	vadd.s32 v1, v4;
	_ =	sdelay $0x4  }
0x68: {  	[tilespmem:s13], [sflag:$0x4] =	stream.indirect_vreg.gather [hbm4b:s1+s3], $0x80, v4, vm0, $0xb8;
	[tilespmem:$0x10300] =	vst v63  }
0x69: {  	s14 =	simm.s32 $0xCB00;
	v3 =	vperm.xlane v3, v2  }
0x6a: {  	[tilespmem:s14], [sflag:$0x4] =	stream.indirect_vreg.gather [hbm4b:s5+s3], $0x80, v4, vm0, $0xb8;
	[tilespmem:$0x10300] =	vst v63  }
0x6b: {  	s15 =	simm.s32 $0xD300;
	v3 =	vadd.s32 v1, v3  }
0x6c: {  	[tilespmem:s15], [sflag:$0x4] =	stream.indirect_vreg.gather [hbm4b:s6+s3], $0x80, v4, vm0, $0xb8;
	[tilespmem:$0x10300] =	vst v63  }
0x6d: {  	s16 =	simm.s32 $0xDB00  }
0x6e: {  	[tilespmem:s16], [sflag:$0x4] =	stream.indirect_vreg.gather [hbm4b:s7+s3], $0x80, v4, vm0, $0xb8;
	[tilespmem:$0x10300] =	vst v63  }
0x6f: {  	s17 =	simm.s32 $0xE300  }
0x70: {  	[tilespmem:s17], [sflag:$0x4] =	stream.indirect_vreg.gather [hbm4b:s1+s3], $0x80, v3, vm0, $0xb8;
	[tilespmem:$0x10300] =	vst v63  }
0x71: {  	s0 =	simm.s32 $0x0;
	s18 =	simm.s32 $0xEB00  }
0x72: {  	[tilespmem:s18], [sflag:$0x4] =	stream.indirect_vreg.gather [hbm4b:s5+s3], $0x80, v3, vm0, $0xb8;
	[tilespmem:$0x10300] =	vst v63  }
0x73: {  	s31 =	simm.s32 $0x4300;
	s19 =	simm.s32 $0xF300;
	s20 =	simm.s32 $0xFB00  }
0x74: {  	[tilespmem:s19], [sflag:$0x4] =	stream.indirect_vreg.gather [hbm4b:s6+s3], $0x80, v3, vm0, $0xb8;
	[tilespmem:$0x10300] =	vst v63  }
0x75: {  	s2 =	simm.s32 $0x70;
	s10 =	simm.s32 $0x1B00;
	s12 =	simm.s32 $0x2B00  }
0x76: {  	[tilespmem:s20], [sflag:$0x4] =	stream.indirect_vreg.gather [hbm4b:s7+s3], $0x80, v3, vm0, $0xb8;
	[tilespmem:$0x10300] =	vst v63  }
0x77: {  	s14 =	simm.s32 $0x7300;
	s16 =	simm.s32 $0x3B00;
	_ =	swait.ge [sflag:s23], $0x4000  }
0x78: {  	s17 =	simm.s32 $0x4B00;
	s18 =	simm.s32 $0x5300;
	[sflag:s23] =	ssyncset.done $0x0  }
0x79: {  	s19 =	simm.s32 $0x5B00;
	s21 =	rddreg [dreg:$0x7];
	[sflag:s23] =	ssyncadd.s32 $0xFFFFC000  }
0x7a: {  	[hbm4b:s21+s3] =	stream.linear.scatter [tilespmem:s22], [sflag:$0x6], $0x4000, $0x38;
	[tilespmem:$0x10300] =	vst v63  }
0x7b: {  	s20 =	simm.s32 $0x6300;
	s22 =	simm.s32 $0x300;
	s21 =	simm.s32 $0x6B00  }
.LBB2_2:
0x7c: {  	_ =	swait.ge [sflag:s24], $0x4000  }
0x7d: {  	[sflag:s24] =	ssyncset.done $0x0  }
0x7e: {  	[sflag:s24] =	ssyncadd.s32 $0xFFFFC000  }
0x7f: {  	v3 =	vld [tilespmem:s2+$0xFFFFFFD0];
	_ =	sdelay $0x4  }
0x80: {  	v4 =	vshll.u32 v3, $0x3  }
0x81: {  	v3 =	vand.u32 $0x7, v3;
	v4 =	vand.u32 $0xFFFFFFC0, v4  }
0x82: {  	v3 =	vor.u32 v3, v4  }
0x83: {  	v4 =	vperm.xlane v3, v0;
	_ =	sdelay $0x1  }
0x84: {  	v4 =	vadd.s32 v1, v4;
	_ =	sdelay $0x4  }
0x85: {  	[tilespmem:s22], [sflag:$0x1] =	stream.indirect_vreg.gather [hbm4b:s1+s3], $0x80, v4, vm0, $0xb8;
	[tilespmem:$0x10300] =	vst v63  }
0x86: {  	v3 =	vperm.xlane v3, v2  }
0x87: {  	[tilespmem:s4], [sflag:$0x1] =	stream.indirect_vreg.gather [hbm4b:s5+s3], $0x80, v4, vm0, $0xb8;
	[tilespmem:$0x10300] =	vst v63  }
0x88: {  	v3 =	vadd.s32 v1, v3  }
0x89: {  	[tilespmem:s9], [sflag:$0x1] =	stream.indirect_vreg.gather [hbm4b:s6+s3], $0x80, v4, vm0, $0xb8;
	[tilespmem:$0x10300] =	vst v63  }
0x8a: {  	_ = 	snop  }
0x8b: {  	[tilespmem:s10], [sflag:$0x1] =	stream.indirect_vreg.gather [hbm4b:s7+s3], $0x80, v4, vm0, $0xb8;
	[tilespmem:$0x10300] =	vst v63  }
0x8c: {  	s11 =	simm.s32 $0x2300  }
0x8d: {  	[tilespmem:s11], [sflag:$0x1] =	stream.indirect_vreg.gather [hbm4b:s1+s3], $0x80, v3, vm0, $0xb8;
	[tilespmem:$0x10300] =	vst v63  }
0x8e: {  	_ = 	snop  }
0x8f: {  	[tilespmem:s12], [sflag:$0x1] =	stream.indirect_vreg.gather [hbm4b:s5+s3], $0x80, v3, vm0, $0xb8;
	[tilespmem:$0x10300] =	vst v63  }
0x90: {  	s15 =	simm.s32 $0x3300  }
0x91: {  	[tilespmem:s15], [sflag:$0x1] =	stream.indirect_vreg.gather [hbm4b:s6+s3], $0x80, v3, vm0, $0xb8;
	[tilespmem:$0x10300] =	vst v63  }
0x92: {  	_ = 	snop  }
0x93: {  	[tilespmem:s16], [sflag:$0x1] =	stream.indirect_vreg.gather [hbm4b:s7+s3], $0x80, v3, vm0, $0xb8;
	[tilespmem:$0x10300] =	vst v63  }
0x94: {  	_ =	swait.ge [sflag:s25], $0x4000  }
0x95: {  	s9 =	rddreg [dreg:$0x4]  }
0x96: {  	[sflag:s25] =	ssyncset.done $0x0;
	s4 =	sadd.s32 s0, s9  }
0x97: {  	s15 =	simm.s32 $0x8300;
	[sflag:s25] =	ssyncadd.s32 $0xFFFFC000;
	s11 =	sadd.s32 $0x1000, s4  }
0x98: {  	[hbm4b:s11+s3] =	stream.linear.scatter [tilespmem:s15], [sflag:$0x7], $0x4000, $0x38;
	[tilespmem:$0x10300] =	vst v63  }
0x99: {  	_ =	swait.ge [sflag:s26], $0x4000  }
0x9a: {  	[sflag:s26] =	ssyncset.done $0x0  }
0x9b: {  	[sflag:s26] =	ssyncadd.s32 $0xFFFFC000  }
0x9c: {  	v3 =	vld [tilespmem:s2+$0xFFFFFFE0];
	_ =	sdelay $0x4  }
0x9d: {  	v61 =	vshll.u32 v3, $0x3  }
0x9e: {  	v3 =	vand.u32 $0x7, v3;
	v4 =	vand.u32 $0xFFFFFFC0, v61  }
0x9f: {  	v3 =	vor.u32 v3, v4  }
0xa0: {  	v4 =	vperm.xlane v3, v0;
	_ =	sdelay $0x1  }
0xa1: {  	v4 =	vadd.s32 v1, v4;
	_ =	sdelay $0x4  }
0xa2: {  	[tilespmem:s31], [sflag:$0x2] =	stream.indirect_vreg.gather [hbm4b:s1+s3], $0x80, v4, vm0, $0xb8;
	[tilespmem:$0x10300] =	vst v63  }
0xa3: {  	v3 =	vperm.xlane v3, v2  }
0xa4: {  	[tilespmem:s17], [sflag:$0x2] =	stream.indirect_vreg.gather [hbm4b:s5+s3], $0x80, v4, vm0, $0xb8;
	[tilespmem:$0x10300] =	vst v63  }
0xa5: {  	v3 =	vadd.s32 v1, v3  }
0xa6: {  	[tilespmem:s18], [sflag:$0x2] =	stream.indirect_vreg.gather [hbm4b:s6+s3], $0x80, v4, vm0, $0xb8;
	[tilespmem:$0x10300] =	vst v63  }
0xa7: {  	_ = 	snop  }
0xa8: {  	[tilespmem:s19], [sflag:$0x2] =	stream.indirect_vreg.gather [hbm4b:s7+s3], $0x80, v4, vm0, $0xb8;
	[tilespmem:$0x10300] =	vst v63  }
0xa9: {  	_ = 	snop  }
0xaa: {  	[tilespmem:s20], [sflag:$0x2] =	stream.indirect_vreg.gather [hbm4b:s1+s3], $0x80, v3, vm0, $0xb8;
	[tilespmem:$0x10300] =	vst v63  }
0xab: {  	_ = 	snop  }
0xac: {  	[tilespmem:s21], [sflag:$0x2] =	stream.indirect_vreg.gather [hbm4b:s5+s3], $0x80, v3, vm0, $0xb8;
	[tilespmem:$0x10300] =	vst v63  }
0xad: {  	_ = 	snop  }
0xae: {  	[tilespmem:s14], [sflag:$0x2] =	stream.indirect_vreg.gather [hbm4b:s6+s3], $0x80, v3, vm0, $0xb8;
	[tilespmem:$0x10300] =	vst v63  }
0xaf: {  	s11 =	simm.s32 $0x7B00  }
0xb0: {  	[tilespmem:s11], [sflag:$0x2] =	stream.indirect_vreg.gather [hbm4b:s7+s3], $0x80, v3, vm0, $0xb8;
	[tilespmem:$0x10300] =	vst v63  }
0xb1: {  	_ =	swait.ge [sflag:s28], $0x4000  }
0xb2: {  	[sflag:s28] =	ssyncset.done $0x0  }
0xb3: {  	s11 =	sadd.s32 $0x1800, s4;
	[sflag:s28] =	ssyncadd.s32 $0xFFFFC000  }
0xb4: {  	[hbm4b:s11+s3] =	stream.linear.scatter [tilespmem:s13], [sflag:$0x8], $0x4000, $0x38;
	[tilespmem:$0x10300] =	vst v63  }
0xb5: {  	_ =	swait.ge [sflag:s29], $0x4000  }
0xb6: {  	[sflag:s29] =	ssyncset.done $0x0  }
0xb7: {  	[sflag:s29] =	ssyncadd.s32 $0xFFFFC000  }
0xb8: {  	v3 =	vld [tilespmem:s2+$0xFFFFFFF0];
	_ =	sdelay $0x4  }
0xb9: {  	v62 =	vshll.u32 v3, $0x3  }
0xba: {  	v3 =	vand.u32 $0x7, v3;
	v4 =	vand.u32 $0xFFFFFFC0, v62  }
0xbb: {  	v3 =	vor.u32 v3, v4  }
0xbc: {  	v4 =	vperm.xlane v3, v0;
	_ =	sdelay $0x1  }
0xbd: {  	v4 =	vadd.s32 v1, v4;
	_ =	sdelay $0x4  }
0xbe: {  	[tilespmem:s15], [sflag:$0x3] =	stream.indirect_vreg.gather [hbm4b:s1+s3], $0x80, v4, vm0, $0xb8;
	[tilespmem:$0x10300] =	vst v63  }
0xbf: {  	v3 =	vperm.xlane v3, v2;
	s15 =	simm.s32 $0x8B00  }
0xc0: {  	[tilespmem:s15], [sflag:$0x3] =	stream.indirect_vreg.gather [hbm4b:s5+s3], $0x80, v4, vm0, $0xb8;
	[tilespmem:$0x10300] =	vst v63  }
0xc1: {  	v3 =	vadd.s32 v1, v3;
	s15 =	simm.s32 $0x9300  }
0xc2: {  	[tilespmem:s15], [sflag:$0x3] =	stream.indirect_vreg.gather [hbm4b:s6+s3], $0x80, v4, vm0, $0xb8;
	[tilespmem:$0x10300] =	vst v63  }
0xc3: {  	s15 =	simm.s32 $0x9B00  }
0xc4: {  	[tilespmem:s15], [sflag:$0x3] =	stream.indirect_vreg.gather [hbm4b:s7+s3], $0x80, v4, vm0, $0xb8;
	[tilespmem:$0x10300] =	vst v63  }
0xc5: {  	s15 =	simm.s32 $0xA300  }
0xc6: {  	[tilespmem:s15], [sflag:$0x3] =	stream.indirect_vreg.gather [hbm4b:s1+s3], $0x80, v3, vm0, $0xb8;
	[tilespmem:$0x10300] =	vst v63  }
0xc7: {  	s15 =	simm.s32 $0xAB00  }
0xc8: {  	[tilespmem:s15], [sflag:$0x3] =	stream.indirect_vreg.gather [hbm4b:s5+s3], $0x80, v3, vm0, $0xb8;
	[tilespmem:$0x10300] =	vst v63  }
0xc9: {  	s15 =	simm.s32 $0xB300  }
0xca: {  	[tilespmem:s15], [sflag:$0x3] =	stream.indirect_vreg.gather [hbm4b:s6+s3], $0x80, v3, vm0, $0xb8;
	[tilespmem:$0x10300] =	vst v63  }
0xcb: {  	s15 =	simm.s32 $0xBB00  }
0xcc: {  	[tilespmem:s15], [sflag:$0x3] =	stream.indirect_vreg.gather [hbm4b:s7+s3], $0x80, v3, vm0, $0xb8;
	[tilespmem:$0x10300] =	vst v63  }
0xcd: {  	_ =	swait.ge [sflag:s8], $0x4000  }
0xce: {  	[sflag:s8] =	ssyncset.done $0x0  }
0xcf: {  	s15 =	sadd.s32 $0x2000, s4;
	[sflag:s8] =	ssyncadd.s32 $0xFFFFC000  }
0xd0: {  	[hbm4b:s15+s3] =	stream.linear.scatter [tilespmem:s22], [sflag:$0x5], $0x4000, $0x38;
	[tilespmem:$0x10300] =	vst v63  }
0xd1: {  	_ =	swait.ge [sflag:s30], $0x4000  }
0xd2: {  	[sflag:s30] =	ssyncset.done $0x0  }
0xd3: {  	[sflag:s30] =	ssyncadd.s32 $0xFFFFC000  }
0xd4: {  	v3 =	vld [tilespmem:s2+$0x0];
	_ =	sdelay $0x4  }
0xd5: {  	v63 =	vshll.u32 v3, $0x3  }
0xd6: {  	v3 =	vand.u32 $0x7, v3;
	v4 =	vand.u32 $0xFFFFFFC0, v63  }
0xd7: {  	v3 =	vor.u32 v3, v4  }
0xd8: {  	v4 =	vperm.xlane v3, v0;
	_ =	sdelay $0x1  }
0xd9: {  	v4 =	vadd.s32 v1, v4;
	_ =	sdelay $0x4  }
0xda: {  	[tilespmem:s13], [sflag:$0x4] =	stream.indirect_vreg.gather [hbm4b:s1+s3], $0x80, v4, vm0, $0xb8;
	[tilespmem:$0x10300] =	vst v63  }
0xdb: {  	s15 =	simm.s32 $0xCB00;
	v3 =	vperm.xlane v3, v2  }
0xdc: {  	[tilespmem:s15], [sflag:$0x4] =	stream.indirect_vreg.gather [hbm4b:s5+s3], $0x80, v4, vm0, $0xb8;
	[tilespmem:$0x10300] =	vst v63  }
0xdd: {  	v3 =	vadd.s32 v1, v3;
	s15 =	simm.s32 $0xD300  }
0xde: {  	[tilespmem:s15], [sflag:$0x4] =	stream.indirect_vreg.gather [hbm4b:s6+s3], $0x80, v4, vm0, $0xb8;
	[tilespmem:$0x10300] =	vst v63  }
0xdf: {  	s15 =	simm.s32 $0xDB00  }
0xe0: {  	[tilespmem:s15], [sflag:$0x4] =	stream.indirect_vreg.gather [hbm4b:s7+s3], $0x80, v4, vm0, $0xb8;
	[tilespmem:$0x10300] =	vst v63  }
0xe1: {  	s15 =	simm.s32 $0xE300  }
0xe2: {  	[tilespmem:s15], [sflag:$0x4] =	stream.indirect_vreg.gather [hbm4b:s1+s3], $0x80, v3, vm0, $0xb8;
	[tilespmem:$0x10300] =	vst v63  }
0xe3: {  	s15 =	simm.s32 $0xEB00  }
0xe4: {  	[tilespmem:s15], [sflag:$0x4] =	stream.indirect_vreg.gather [hbm4b:s5+s3], $0x80, v3, vm0, $0xb8;
	[tilespmem:$0x10300] =	vst v63  }
0xe5: {  	s15 =	simm.s32 $0xF300  }
0xe6: {  	[tilespmem:s15], [sflag:$0x4] =	stream.indirect_vreg.gather [hbm4b:s6+s3], $0x80, v3, vm0, $0xb8;
	[tilespmem:$0x10300] =	vst v63  }
0xe7: {  	p0 =	sne.s32 s0, $0x14000;
	s15 =	simm.s32 $0xFB00  }
0xe8: {  	[tilespmem:s15], [sflag:$0x4] =	stream.indirect_vreg.gather [hbm4b:s7+s3], $0x80, v3, vm0, $0xb8;
	[tilespmem:$0x10300] =	vst v63  }
.Ltmp0:
0xe9: {  	_ =	swait.ge [sflag:s23], $0x4000;
	(pc) =	sbr.rel @p0 .LBB2_2-.Ltmp0, $4  }
0xea: {  	s9 =	simm.s32 $0x1300;
	[sflag:s23] =	ssyncset.done $0x0  }
0xeb: {  	s0 =	sadd.s32 $0x2000, s0;
	s4 =	sadd.s32 $0x2800, s4;
	[sflag:s23] =	ssyncadd.s32 $0xFFFFC000  }
0xec: {  	[hbm4b:s4+s3] =	stream.linear.scatter [tilespmem:s31], [sflag:$0x6], $0x4000, $0x38;
	[tilespmem:$0x10300] =	vst v63  }
0xed: {  	s11 =	simm.s32 $0x8300;
	s2 =	sadd.s32 $0x40, s2;
	s4 =	simm.s32 $0xB00  }
0xee: {  	_ =	swait.ge [sflag:s25], $0x4000  }
0xef: {  	[sflag:s25] =	ssyncset.done $0x0  }
0xf0: {  	s0 =	rddreg [dreg:$0x8];
	[sflag:s25] =	ssyncadd.s32 $0xFFFFC000  }
0xf1: {  	[hbm4b:s0+s3] =	stream.linear.scatter [tilespmem:s11], [sflag:$0x7], $0x4000, $0x38;
	[tilespmem:$0x10300] =	vst v63  }
0xf2: {  	_ =	swait.ge [sflag:s28], $0x4000  }
0xf3: {  	[sflag:s28] =	ssyncset.done $0x0  }
0xf4: {  	s21 =	rddreg [dreg:$0x9];
	[sflag:s28] =	ssyncadd.s32 $0xFFFFC000  }
0xf5: {  	[hbm4b:s21+s3] =	stream.linear.scatter [tilespmem:s13], [sflag:$0x8], $0x4000, $0x38;
	[tilespmem:$0x10300] =	vst v63  }
0xf6: {  	_ =	swait.ge [sflag:s24], $0x4000  }
0xf7: {  	[sflag:s24] =	ssyncset.done $0x0  }
0xf8: {  	[sflag:s24] =	ssyncadd.s32 $0xFFFFC000  }
0xf9: {  	_ =	swait.ge [sflag:s26], $0x4000  }
0xfa: {  	[sflag:s26] =	ssyncset.done $0x0  }
0xfb: {  	[sflag:s26] =	ssyncadd.s32 $0xFFFFC000  }
0xfc: {  	_ =	swait.ge [sflag:s29], $0x4000  }
0xfd: {  	[sflag:s29] =	ssyncset.done $0x0  }
0xfe: {  	[sflag:s29] =	ssyncadd.s32 $0xFFFFC000  }
0xff: {  	_ =	swait.ge [sflag:s30], $0x4000  }
0x100: {  	s2 =	rddreg [dreg:$0xb]  }
0x101: {  	s22 =	rddreg [dreg:$0xa];
	s2 =	sadd.s32 $0x1, s2  }
0x102: {  	s10 =	simm.s32 $0x2300;
	s31 =	simm.s32 $0x2B00;
	p0 =	sne.s32 s2, s22  }
.Ltmp1:
0x103: {  	s12 =	simm.s32 $0x3300;
	s15 =	simm.s32 $0x3B00;
	(pc) =	sbr.rel @p0 .LBB2_1-.Ltmp1, $4  }
0x104: {  	s16 =	simm.s32 $0x4B00;
	s17 =	simm.s32 $0x5300;
	s18 =	simm.s32 $0x5B00  }
0x105: {  	s19 =	simm.s32 $0x6300;
	s20 =	simm.s32 $0x6B00;
	[sflag:s30] =	ssyncset.done $0x0  }
0x106: {  	s14 =	simm.s32 $0x7300;
	s21 =	simm.s32 $0x300;
	[sflag:s30] =	ssyncadd.s32 $0xFFFFC000  }
0x107: {  	[dreg:$0xb] =	wrdreg s2;
	s2 =	simm.s32 $0x1B00;
	s22 =	simm.s32 $0x4300  }
0x108: {  	_ =	sfence.sel $0x180000  }
0x109: {  	[bflag:$0x0] =	sbarrier.arrive $0xFFFF  }
0x10a: {  	_ =	strace $0x90000047  }
0x10b: {  	s0 =	stileid.u32;
	[bflag:$0x2] =	sbarrier.arrive $0xFFFF  }
0x10c: {  	p0 =	sne.s32 s0, $0x0;
	s0 =	rddreg [dreg:$0x3]  }
0x10d: {  	s0 =	sadd.s32 @!p0 $0x100000, s0  }
0x10e: {  	[sflag:s0] =	ssyncadd.tile.s32 @!p0 $0x1;
	_ =	shalt  }
.Lfunc_end2:
_tile_overlayer_lowered:
.L_overlay_start_2:
0x10f: {  	(tag) =	ssettag $0x2  }
0x110: {  	s0 =	rddreg [dreg:$0x0];
	s2 =	stileid.u32  }
0x111: {  	s1 =	rddreg [dreg:$0x1];
	p0 =	sne.s32 s2, $0x0  }
0x112: {  	s3 =	rddreg [dreg:$0x2];
	[bflag:$0x3] =	sbarrier.arrive $0xFFFF;
	s2 =	simm.s32 @!p0 $0x1C09  }
0x113: {  	[timem:s3], [sflag:s2] =	dma.local @!p0 [hbm:s0], s1  }
0x114: {  	s0 =	simm.s32 @!p0 $0x9  }
0x115: {  	_ =	swait.ge @!p0 [sflag:s0], s1  }
0x116: {  	s1 =	ssub.s32 @!p0 $0x0, s1;
	[sflag:s0] =	ssyncset.done @!p0 $0x0  }
0x117: {  	[sflag:s0] =	ssyncadd.s32 @!p0 s1  }
0x118: {  	[bflag:$0x3] =	sbarrier.arrive $0xFFFF  }
0x119: {  	_ =	shalt  }

</sc_bundles>
